<compile_context>
chip_gen: v7x
topology: tpu7x:2x2x1
jax: 0.10.2.dev20260603
libtpu: 0.0.44.dev20260713+nightly
codegen_flags: <defaults>
</compile_context>

<pallas_src>
import functools

import jax
import jax.numpy as jnp
from jax import lax
from jax.experimental import pallas as pl
from jax.experimental.pallas import tpu as pltpu
from jax.experimental.pallas import tpu_sc as plsc

BS, L, D, H = 64, 200, 128, 128
NTOK = BS * L
L2_CONST = 1e-05
NC, NS = 2, 16
NW = NC * NS
BPW = NTOK // NW

_f32 = jnp.float32
_i32 = jnp.int32


@functools.lru_cache(maxsize=1)
def _sc_gather_fn():
    mesh = plsc.VectorSubcoreMesh(core_axis_name="c", subcore_axis_name="s")

    @functools.partial(
        pl.kernel,
        mesh=mesh,
        out_type=[
            jax.ShapeDtypeStruct((NTOK,), _f32),
            jax.ShapeDtypeStruct((NTOK, D), _f32),
            jax.ShapeDtypeStruct((NTOK, D), _f32),
            jax.ShapeDtypeStruct((NTOK, D), _f32),
            jax.ShapeDtypeStruct((NTOK,), _f32),
        ],
        scratch_types=[
            pltpu.VMEM((BPW,), _i32),
            pltpu.VMEM((BPW,), _i32),
            pltpu.VMEM((BPW,), _i32),
            pltpu.VMEM((BPW,), _f32),
            pltpu.VMEM((BPW,), _f32),
            pltpu.VMEM((BPW, D), _f32),
            pltpu.VMEM((BPW, D), _f32),
            pltpu.SemaphoreType.DMA,
            pltpu.SemaphoreType.DMA,
            pltpu.SemaphoreType.DMA,
            pltpu.SemaphoreType.DMA,
            pltpu.SemaphoreType.DMA,
            pltpu.SemaphoreType.DMA,
            pltpu.SemaphoreType.DMA,
            pltpu.SemaphoreType.DMA,
        ],
    )
    def _gather(pid_hbm, q_hbm, qm1_hbm, diff_hbm, qemb_hbm, qed_hbm, m2_hbm,
                c2_hbm, pid_out, qe_out, qed_out, m2g_out, c2g_out,
                idx_p, idx_q, idx_m, vals1, vals2, rows1, rows2,
                s_ip, s_iq, s_im, s_a, s_b, s_c, s_d, s_e):
        wid = lax.axis_index("s") * NC + lax.axis_index("c")
        base = wid * BPW
        sl = pl.ds(base, BPW)
        d_ip = pltpu.async_copy(pid_hbm.at[sl], idx_p, s_ip)
        d_iq = pltpu.async_copy(q_hbm.at[sl], idx_q, s_iq)
        d_im = pltpu.async_copy(qm1_hbm.at[sl], idx_m, s_im)
        d_ip.wait()
        g_a = pltpu.async_copy(diff_hbm.at[idx_p], vals1, s_a)
        d_iq.wait()
        g_b = pltpu.async_copy(qemb_hbm.at[idx_q], rows1, s_b)
        g_c = pltpu.async_copy(qed_hbm.at[idx_q], rows2, s_c)
        d_im.wait()
        g_e = pltpu.async_copy(c2_hbm.at[idx_m], vals2, s_e)
        g_a.wait()
        pltpu.sync_copy(vals1, pid_out.at[sl])
        g_b.wait()
        pltpu.sync_copy(rows1, qe_out.at[sl])
        g_d = pltpu.async_copy(m2_hbm.at[idx_m], rows1, s_d)
        g_c.wait()
        pltpu.sync_copy(rows2, qed_out.at[sl])
        g_e.wait()
        pltpu.sync_copy(vals2, c2g_out.at[sl])
        g_d.wait()
        pltpu.sync_copy(rows1, m2g_out.at[sl])

    return _gather


def _sc_gather(pidT, qT, qm1, diff_flat, q_emb, q_emb_diff, M2, c2_flat):
    return _sc_gather_fn()(pidT, qT, qm1, diff_flat, q_emb, q_emb_diff,
                           M2, c2_flat)


def _m2_body(mat_ref, fcw_ref, fcb_ref, m2_ref, c2_ref):
    mat = mat_ref[...]
    m2_ref[...] = jnp.dot(mat, fcw_ref[...], preferred_element_type=_f32)
    c2_ref[...] = jnp.dot(mat, fcb_ref[...], preferred_element_type=_f32)


def _m2_call(matrix, fc_W, fc_b2):
    nq = matrix.shape[0]
    return pl.pallas_call(
        _m2_body,
        out_shape=[jax.ShapeDtypeStruct((nq, H), _f32),
                   jax.ShapeDtypeStruct((nq, 1), _f32)],
    )(matrix, fc_W, fc_b2)


_T_BLK = 25
_RB = _T_BLK * BS


def _gru_body(qe_ref, qed_ref, pid_ref, qa_ref, m2g_ref, c2g_ref, qaemb_ref,
              qadiff_ref, wih_ref, bcomb_ref, whh_ref, bhn_ref,
              m_ref, pidsq_ref, h_ref):
    @pl.when(pl.program_id(0) == 0)
    def _():
        h_ref[...] = jnp.zeros_like(h_ref)
        pidsq_ref[...] = jnp.zeros_like(pidsq_ref)

    qe = qe_ref[...]
    qed = qed_ref[...]
    pid = pid_ref[...]
    qa1 = qa_ref[...] == 1
    row0 = qaemb_ref[0:1, :]
    row1 = qaemb_ref[1:2, :]
    d0 = qadiff_ref[0:1, :]
    d1 = qadiff_ref[1:2, :]
    qa_row = jnp.where(qa1, row1, row0)
    qa_diff = jnp.where(qa1, d1, d0)
    q_full = qe + pid * qed
    qa_full = qe + qa_row + pid * qa_diff
    x = jnp.concatenate([qa_full, q_full], axis=1)
    gi_all = jnp.dot(x, wih_ref[...],
                     preferred_element_type=_f32) + bcomb_ref[...]
    pidsq_ref[...] += jnp.sum(pid * pid).reshape(1, 1)

    whh = whh_ref[...]
    bhn = bhn_ref[...]
    hb = BS // 2
    h1 = h_ref[0:hb, :]
    h2 = h_ref[hb:BS, :]

    def _step(h, gh, gi):
        r = jax.nn.sigmoid(gi[:, :H] + gh[:, :H])
        z = jax.nn.sigmoid(gi[:, H:2 * H] + gh[:, H:2 * H])
        n = jnp.tanh(gi[:, 2 * H:] + r * (gh[:, 2 * H:] + bhn))
        return (1.0 - z) * n + z * h

    for j in range(_T_BLK):
        base = j * BS
        gh1 = jnp.dot(h1, whh, preferred_element_type=_f32)
        gh2 = jnp.dot(h2, whh, preferred_element_type=_f32)
        h1 = _step(h1, gh1, gi_all[base:base + hb])
        h2 = _step(h2, gh2, gi_all[base + hb:base + BS])
        m_ref[base:base + hb] = (
            jnp.sum(h1 * m2g_ref[base:base + hb], axis=1, keepdims=True)
            + c2g_ref[base:base + hb])
        m_ref[base + hb:base + BS] = (
            jnp.sum(h2 * m2g_ref[base + hb:base + BS], axis=1, keepdims=True)
            + c2g_ref[base + hb:base + BS])
    h_ref[0:hb, :] = h1
    h_ref[hb:BS, :] = h2


def _gru_call(qe, qed, pid2, qa2, M2g, c2g2, qa_emb, qa_diff2, W_ihT, b_comb,
              W_hhT, bhn2):
    blk = lambda w: pl.BlockSpec((_RB, w), lambda t: (t, 0))
    full = lambda a, b: pl.BlockSpec((a, b), lambda t: (0, 0))
    return pl.pallas_call(
        _gru_body,
        grid=(L // _T_BLK,),
        in_specs=[
            blk(D), blk(D), blk(1), blk(1), blk(D), blk(1),
            full(2, D), full(2, D), full(2 * D, 3 * H), full(1, 3 * H),
            full(H, 3 * H), full(1, H),
        ],
        out_specs=[
            blk(1),
            pl.BlockSpec((1, 1), lambda t: (0, 0)),
        ],
        out_shape=[jax.ShapeDtypeStruct((NTOK, 1), _f32),
                   jax.ShapeDtypeStruct((1, 1), _f32)],
        scratch_shapes=[pltpu.VMEM((BS, H), _f32)],
    )(qe, qed, pid2, qa2, M2g, c2g2, qa_emb, qa_diff2, W_ihT, b_comb,
      W_hhT, bhn2)


_S_BLK = 16


def _student_body(m_col_ref, m_row_ref, q_col_ref, q_row_ref, qa_col_ref,
                  qa_row_ref, tgt_ref, pidsq_ref, pred_ref, loss_ref, cnt_ref):
    s = pl.program_id(0)
    m_col = m_col_ref[...]
    m_row = m_row_ref[...]
    q_col = q_col_ref[...]
    q_row = q_row_ref[...]
    qa_col = qa_col_ref[...]
    qa_row = qa_row_ref[...]

    mk_col = jnp.where(m_col >= 0.4, 1.0, m_col)
    mk_row = jnp.where(m_row >= 0.4, 1.0, m_row)
    i1c = mk_col == 1.0
    i0c = mk_col == 0.0
    i1r = mk_row == 1.0
    qa1c = qa_col == 1
    qa1r = qa_row == 1

    eq = q_col == q_row
    ri = lax.broadcasted_iota(_i32, (_S_BLK, L, L), 2)
    ci = lax.broadcasted_iota(_i32, (_S_BLK, L, L), 1)
    m_lt = eq & (ri < ci)
    eq_le = eq & (ri <= ci)

    w_mc = jnp.where(qa1c & i1c, 1.0, 0.0)
    w_mi = jnp.where((~qa1c) & i1c, 1.0 / 256.0, 0.0)
    w_nmc = jnp.where((~qa1c) & i0c, 1.0 / 65536.0, 0.0)
    w_packed = (w_mc + w_mi + w_nmc).reshape(_S_BLK, 1, L)
    v = jnp.sum(jnp.where(m_lt, w_packed, 0.0), axis=2, keepdims=True)
    aa = jnp.sum(jnp.where(m_lt, 1.0, 0.0), axis=2, keepdims=True) + 1.0
    mc = jnp.floor(v)
    r1 = (v - mc) * 256.0
    mi = jnp.floor(r1)
    nmc = (r1 - mi) * 256.0

    g_val = jnp.where(i1c & qa1c, mc / aa,
                      jnp.where((~i1c) & (~qa1c), 1.0 - nmc / aa, nmc / aa))
    s_val = mi / aa

    kf = lax.broadcasted_iota(
        _i32, (_S_BLK, 1, L), 2).astype(_f32) * 2.0
    g_enc = kf + g_val.reshape(_S_BLK, 1, L)
    s_enc = kf + s_val.reshape(_S_BLK, 1, L)
    set_g_r = (i1r & qa1r) | (~i1r)
    set_s_r = i1r & (~qa1r)
    ge = jnp.max(jnp.where(eq_le & set_g_r, g_enc, -1.0), axis=2,
                 keepdims=True)
    se = jnp.max(jnp.where(eq_le & set_s_r, s_enc, -1.0), axis=2,
                 keepdims=True)
    guess = jnp.where(ge < 0.0, 0.0, ge - 2.0 * jnp.floor(ge * 0.5))
    slip = jnp.where(se < 0.0, 0.0, se - 2.0 * jnp.floor(se * 0.5))

    res = (1.0 - slip) * (mk_col * guess + (1.0 - slip) * (1.0 - mk_col))
    pred_ref[...] = jax.nn.sigmoid(res)

    tgt = tgt_ref[...]
    maskl = tgt > -0.9
    sq = (res - tgt) * (res - tgt)

    @pl.when(s == 0)
    def _():
        loss_ref[...] = L2_CONST * pidsq_ref[...]
        cnt_ref[...] = jnp.zeros_like(cnt_ref)

    loss_ref[...] += jnp.sum(jnp.where(maskl, sq, 0.0)).reshape(1, 1)
    cnt_ref[...] += jnp.sum(maskl.astype(_i32)).reshape(1, 1)


def _student_call(m_col3, m_row3, q_col3, q_row3, qa_col3, qa_row3, tgt_col3,
                  pidsq):
    col = pl.BlockSpec((_S_BLK, L, 1), lambda s: (s, 0, 0))
    row = pl.BlockSpec((_S_BLK, 1, L), lambda s: (s, 0, 0))
    return pl.pallas_call(
        _student_body,
        grid=(BS // _S_BLK,),
        in_specs=[col, row, col, row, col, row, col,
                  pl.BlockSpec((1, 1), lambda s: (0, 0))],
        out_specs=[col,
                   pl.BlockSpec((1, 1), lambda s: (0, 0)),
                   pl.BlockSpec((1, 1), lambda s: (0, 0))],
        out_shape=[jax.ShapeDtypeStruct((BS, L, 1), _f32),
                   jax.ShapeDtypeStruct((1, 1), _f32),
                   jax.ShapeDtypeStruct((1, 1), _i32)],
    )(m_col3, m_row3, q_col3, q_row3, qa_col3, qa_row3, tgt_col3, pidsq)


def kernel(q_data, qa_data, matrix, target, pid_data, q_emb, qa_emb, diff_parm,
           q_emb_diff, qa_emb_diff, W_ih, W_hh, b_ih, b_hh, fc_W, fc_b):
    nq = q_emb.shape[0] - 1
    q_i = q_data.astype(_i32)
    qa = (qa_data.astype(_i32) - q_i) // nq
    qT = q_i.T.reshape(-1)
    pidT = pid_data.astype(_i32).T.reshape(-1)
    qm1 = qT - 1
    diff_flat = diff_parm.reshape(-1)

    M2, c2 = _m2_call(matrix, fc_W, fc_b.reshape(-1, 1))
    pid_e, qe, qed, M2g, c2g = _sc_gather(
        pidT, qT, qm1, diff_flat, q_emb, q_emb_diff, M2, c2.reshape(-1))

    b_comb = (b_ih + jnp.concatenate(
        [b_hh[:2 * H], jnp.zeros((H,), _f32)])).reshape(1, -1)
    m3, pidsq = _gru_call(qe, qed, pid_e.reshape(-1, 1), qa.T.reshape(-1, 1),
                          M2g, c2g.reshape(-1, 1), qa_emb, qa_emb_diff[:2],
                          W_ih.T, b_comb, W_hh.T, b_hh[2 * H:].reshape(1, H))

    m_bl = m3.reshape(L, BS).T
    preds3, loss, cnt = _student_call(
        m_bl.reshape(BS, L, 1), m_bl.reshape(BS, 1, L),
        q_i.reshape(BS, L, 1), q_i.reshape(BS, 1, L),
        qa.reshape(BS, L, 1), qa.reshape(BS, 1, L),
        target.reshape(BS, L, 1), pidsq)

    preds = preds3.reshape(-1)
    return loss[0, 0], preds, cnt[0, 0]

# --- scband reference (transcript-rebuilt; emitter-appended) ---
"""Pipeline reference for scband-grudina-6296422056644 (READ-ONLY COPY).

The authoritative reference and input builder live on the scoring server;
editing this copy changes nothing except your own understanding.
"""

import jax, jax.numpy as jnp
import numpy as np

BS, L = 64, 200
N_PID = 100000
N_Q = 1000
D = 128
H = 128
OUT = 1000
L2 = 1e-05


def setup_inputs(seed: int = 0):
    key = jax.random.key(seed)
    ks = jax.random.split(key, 14)
    q_data = jax.random.randint(ks[0], (BS, L), 1, N_Q + 1)
    resp = jax.random.randint(ks[1], (BS, L), 0, 2)
    qa_data = q_data + N_Q * resp
    pid_data = jax.random.randint(ks[2], (BS, L), 0, N_PID + 1)
    matrix = jax.random.uniform(ks[3], (N_Q, OUT), dtype=jnp.float32)
    target = jax.random.normal(ks[4], (BS, L), dtype=jnp.float32)
    s = 0.05
    q_emb = jax.random.normal(ks[5], (N_Q + 1, D), dtype=jnp.float32) * s
    qa_emb = jax.random.normal(ks[6], (2, D), dtype=jnp.float32) * s
    diff_parm = jax.random.normal(ks[7], (N_PID + 1, 1), dtype=jnp.float32) * s
    q_emb_diff = jax.random.normal(ks[8], (N_Q + 1, D), dtype=jnp.float32) * s
    qa_emb_diff = jax.random.normal(ks[9], (2 * N_Q + 1, D), dtype=jnp.float32) * s
    W_ih = jax.random.normal(ks[10], (3 * H, 2 * D), dtype=jnp.float32) * s
    W_hh = jax.random.normal(ks[11], (3 * H, H), dtype=jnp.float32) * s
    b_ih = jnp.zeros((3 * H,), dtype=jnp.float32)
    b_hh = jnp.zeros((3 * H,), dtype=jnp.float32)
    fc_W = jax.random.normal(ks[12], (OUT, H), dtype=jnp.float32) * s
    fc_b = jnp.zeros((OUT,), dtype=jnp.float32)
    return {"q_data": q_data, "qa_data": qa_data, "matrix": matrix, "target": target,
            "pid_data": pid_data, "q_emb": q_emb, "qa_emb": qa_emb, "diff_parm": diff_parm,
            "q_emb_diff": q_emb_diff, "qa_emb_diff": qa_emb_diff, "W_ih": W_ih, "W_hh": W_hh,
            "b_ih": b_ih, "b_hh": b_hh, "fc_W": fc_W, "fc_b": fc_b}


def _gru(x, W_ih, W_hh, b_ih, b_hh):
    h0 = jnp.zeros((x.shape[0], W_hh.shape[1]), dtype=x.dtype)

    def step(h, xt):
        gi = xt @ W_ih.T + b_ih
        gh = h @ W_hh.T + b_hh
        i_r, i_z, i_n = jnp.split(gi, 3, axis=-1)
        h_r, h_z, h_n = jnp.split(gh, 3, axis=-1)
        r = jax.nn.sigmoid(i_r + h_r)
        z = jax.nn.sigmoid(i_z + h_z)
        n = jnp.tanh(i_n + r * h_n)
        h_new = (1.0 - z) * n + z * h
        return h_new, h_new

    _, ys = jax.lax.scan(step, h0, jnp.swapaxes(x, 0, 1))
    return jnp.swapaxes(ys, 0, 1)


def _per_student(gru_out_s, q, qa, matrix):
    # got_student with threshold-to-1 overwrite (values >= 0.4 set to 1, rest kept)
    got = gru_out_s @ matrix.T
    master = jnp.where(got >= 0.4, 1.0, got)
    idx = jnp.arange(q.shape[0])
    m_k = master[idx, q - 1]
    is_one = (m_k == 1.0)
    is_zero = (m_k == 0.0)
    eq = (q[:, None] == q[None, :])
    k_lt_t = idx[None, :] < idx[:, None]
    k_le_t = idx[None, :] <= idx[:, None]
    aa = (eq & k_le_t).sum(axis=1).astype(jnp.float32)
    qa1 = (qa == 1)
    mc = (eq & k_lt_t & qa1[None, :] & is_one[None, :]).sum(axis=1).astype(jnp.float32)
    mi = (eq & k_lt_t & (~qa1)[None, :] & is_one[None, :]).sum(axis=1).astype(jnp.float32)
    nmc = (eq & k_lt_t & (~qa1)[None, :] & is_zero[None, :]).sum(axis=1).astype(jnp.float32)

    def step(carry, t):
        g_row, s_row = carry
        cqi = q[t] - 1
        m_t = m_k[t]
        is1 = (m_t == 1.0)
        qat1 = qa1[t]
        g_val = jnp.where(is1 & qat1, mc[t] / aa[t],
                jnp.where((~is1) & (~qat1), 1.0 - nmc[t] / aa[t], nmc[t] / aa[t]))
        set_g = (is1 & qat1) | (~is1)
        set_s = is1 & (~qat1)
        g_row = g_row.at[cqi].set(jnp.where(set_g, g_val, g_row[cqi]))
        s_row = s_row.at[cqi].set(jnp.where(set_s, mi[t] / aa[t], s_row[cqi]))
        slip_v = s_row[cqi]
        guess_v = g_row[cqi]
        res = (1.0 - slip_v) * (m_t * guess_v + (1.0 - slip_v) * (1.0 - m_t))
        return (g_row, s_row), res

    init = (jnp.zeros((OUT,), dtype=jnp.float32), jnp.zeros((OUT,), dtype=jnp.float32))
    _, res = jax.lax.scan(step, init, idx)
    return res


def _forward(q_data, qa_data, matrix, target, pid_data, q_emb, qa_emb, diff_parm,
             q_emb_diff, qa_emb_diff, W_ih, W_hh, b_ih, b_hh, fc_W, fc_b):
    n_question = q_emb.shape[0] - 1
    q_embed_data = q_emb[q_data]
    qa = (qa_data - q_data) // n_question
    qa_embed_data = qa_emb[qa] + q_embed_data
    q_embed_diff_data = q_emb_diff[q_data]
    pid_embed_data = diff_parm[pid_data]
    q_embed_full = q_embed_data + pid_embed_data * q_embed_diff_data
    qa_embed_diff_data = qa_emb_diff[qa]
    qa_embed_full = qa_embed_data + pid_embed_data * qa_embed_diff_data
    c_reg_loss = (pid_embed_data ** 2.0).sum() * L2
    inp = jnp.concatenate([qa_embed_full, q_embed_full], axis=-1)
    gru_out = _gru(inp, W_ih, W_hh, b_ih, b_hh)
    gru_out = gru_out @ fc_W.T + fc_b
    pred = jax.vmap(lambda g, qq, rr: _per_student(g, qq, rr, matrix))(gru_out, q_data, qa)
    preds = pred.reshape(-1)
    labels = target.reshape(-1)
    mask = labels > -0.9
    sq = (preds - labels) ** 2
    loss = jnp.where(mask, sq, 0.0).sum() + c_reg_loss
    return loss, jax.nn.sigmoid(preds), mask.sum()


def reference(q_data, qa_data, matrix, target, pid_data, q_emb, qa_emb, diff_parm,
              q_emb_diff, qa_emb_diff, W_ih, W_hh, b_ih, b_hh, fc_W, fc_b):
    return _forward(q_data, qa_data, matrix, target, pid_data, q_emb, qa_emb, diff_parm,
                    q_emb_diff, qa_emb_diff, W_ih, W_hh, b_ih, b_hh, fc_W, fc_b)

if __name__ == "__main__":
    import jax
    _d = setup_inputs()
    print(jax.jit(kernel)(*tuple(_d.values())))

</pallas_src>

<mosaic_0001>
#map = affine_map<(d0, d1) -> (0)>
#map1 = affine_map<(d0, d1) -> (0, 0)>
module attributes {stable_mosaic.version = 14 : i64} {
  func.func @_gather(%arg0: i32, %arg1: i32, %arg2: memref<12800xi32, #tpu.memory_space<hbm>>, %arg3: memref<12800xi32, #tpu.memory_space<hbm>>, %arg4: memref<12800xi32, #tpu.memory_space<hbm>>, %arg5: memref<100001xf32, #tpu.memory_space<hbm>>, %arg6: memref<1001x128xf32, #tpu.memory_space<hbm>>, %arg7: memref<1001x128xf32, #tpu.memory_space<hbm>>, %arg8: memref<1000x128xf32, #tpu.memory_space<hbm>>, %arg9: memref<1000xf32, #tpu.memory_space<hbm>>, %arg10: memref<12800xf32, #tpu.memory_space<hbm>>, %arg11: memref<12800x128xf32, #tpu.memory_space<hbm>>, %arg12: memref<12800x128xf32, #tpu.memory_space<hbm>>, %arg13: memref<12800x128xf32, #tpu.memory_space<hbm>>, %arg14: memref<12800xf32, #tpu.memory_space<hbm>>, %arg15: memref<400xi32, #tpu.memory_space<vmem>>, %arg16: memref<400xi32, #tpu.memory_space<vmem>>, %arg17: memref<400xi32, #tpu.memory_space<vmem>>, %arg18: memref<400xf32, #tpu.memory_space<vmem>>, %arg19: memref<400xf32, #tpu.memory_space<vmem>>, %arg20: memref<400x128xf32, #tpu.memory_space<vmem>>, %arg21: memref<400x128xf32, #tpu.memory_space<vmem>>, %arg22: memref<!tpu.dma_semaphore, #tpu.memory_space<semaphore_mem>>, %arg23: memref<!tpu.dma_semaphore, #tpu.memory_space<semaphore_mem>>, %arg24: memref<!tpu.dma_semaphore, #tpu.memory_space<semaphore_mem>>, %arg25: memref<!tpu.dma_semaphore, #tpu.memory_space<semaphore_mem>>, %arg26: memref<!tpu.dma_semaphore, #tpu.memory_space<semaphore_mem>>, %arg27: memref<!tpu.dma_semaphore, #tpu.memory_space<semaphore_mem>>, %arg28: memref<!tpu.dma_semaphore, #tpu.memory_space<semaphore_mem>>, %arg29: memref<!tpu.dma_semaphore, #tpu.memory_space<semaphore_mem>>) attributes {dimension_semantics = [#tpu.dimension_semantics<core_parallel>, #tpu.dimension_semantics<subcore_parallel>], iteration_bounds = array<i64: 2, 16>, scalar_prefetch = 0 : i64, scratch_operands = 15 : i64, tpu.core_type = #tpu.core_type<sc_vector_subcore>, window_params = [{transform_indices = #map}, {transform_indices = #map}, {transform_indices = #map}, {transform_indices = #map}, {transform_indices = #map1}, {transform_indices = #map1}, {transform_indices = #map1}, {transform_indices = #map}, {transform_indices = #map}, {transform_indices = #map1}, {transform_indices = #map1}, {transform_indices = #map1}, {transform_indices = #map}]} {
    %mul3A = arith.constant 2 : i32
    %mul3A_0 = arith.muli %arg1, %mul3A : i32
    %add3A = arith.addi %mul3A_0, %arg0 : i32
    %mul3A_1 = arith.constant 400 : i32
    %mul3A_2 = arith.muli %add3A, %mul3A_1 : i32
    %dma_start3A = tpu.memref_slice %arg2[%mul3A_2] : memref<12800xi32, #tpu.memory_space<hbm>> -> memref<400xi32, #tpu.memory_space<hbm>>
    %dma_start3A_3 = tpu.memref_slice %arg2[%mul3A_2] : memref<12800xi32, #tpu.memory_space<hbm>> -> memref<400xi32, #tpu.memory_space<hbm>>
    tpu.enqueue_dma source(%dma_start3A_3 : memref<400xi32, #tpu.memory_space<hbm>>) target(%arg15 : memref<400xi32, #tpu.memory_space<vmem>>) target_semaphore(%arg22 : memref<!tpu.dma_semaphore, #tpu.memory_space<semaphore_mem>>)
    %dma_start3A_4 = tpu.memref_slice %arg3[%mul3A_2] : memref<12800xi32, #tpu.memory_space<hbm>> -> memref<400xi32, #tpu.memory_space<hbm>>
    %dma_start3A_5 = tpu.memref_slice %arg3[%mul3A_2] : memref<12800xi32, #tpu.memory_space<hbm>> -> memref<400xi32, #tpu.memory_space<hbm>>
    tpu.enqueue_dma source(%dma_start3A_5 : memref<400xi32, #tpu.memory_space<hbm>>) target(%arg16 : memref<400xi32, #tpu.memory_space<vmem>>) target_semaphore(%arg23 : memref<!tpu.dma_semaphore, #tpu.memory_space<semaphore_mem>>)
    %dma_start3A_6 = tpu.memref_slice %arg4[%mul3A_2] : memref<12800xi32, #tpu.memory_space<hbm>> -> memref<400xi32, #tpu.memory_space<hbm>>
    %dma_start3A_7 = tpu.memref_slice %arg4[%mul3A_2] : memref<12800xi32, #tpu.memory_space<hbm>> -> memref<400xi32, #tpu.memory_space<hbm>>
    tpu.enqueue_dma source(%dma_start3A_7 : memref<400xi32, #tpu.memory_space<hbm>>) target(%arg17 : memref<400xi32, #tpu.memory_space<vmem>>) target_semaphore(%arg24 : memref<!tpu.dma_semaphore, #tpu.memory_space<semaphore_mem>>)
    %dma_wait3A = tpu.memref_slice %arg2[%mul3A_2] : memref<12800xi32, #tpu.memory_space<hbm>> -> memref<400xi32, #tpu.memory_space<hbm>>
    %dma_wait3A_8 = tpu.memref_slice %arg2[%mul3A_2] : memref<12800xi32, #tpu.memory_space<hbm>> -> memref<400xi32, #tpu.memory_space<hbm>>
    tpu.wait_dma2 semaphore(%arg22 : memref<!tpu.dma_semaphore, #tpu.memory_space<semaphore_mem>>) src(%dma_wait3A_8 : memref<400xi32, #tpu.memory_space<hbm>>) dst(%arg15 : memref<400xi32, #tpu.memory_space<vmem>>)
    %dma_start3A_9 = arith.constant 0 : i32
    %dma_start3A_10 = tpu.memref_slice %arg5[%dma_start3A_9] : memref<100001xf32, #tpu.memory_space<hbm>> -> memref<100001xf32, #tpu.memory_space<hbm>>
    tpu.enqueue_indirect_dma source(%dma_start3A_10 : memref<100001xf32, #tpu.memory_space<hbm>>) target(%arg18 : memref<400xf32, #tpu.memory_space<vmem>>) offsets(%arg15 : memref<400xi32, #tpu.memory_space<vmem>>) semaphore(%arg25 : memref<!tpu.dma_semaphore, #tpu.memory_space<semaphore_mem>>)
    %dma_wait3A_11 = tpu.memref_slice %arg3[%mul3A_2] : memref<12800xi32, #tpu.memory_space<hbm>> -> memref<400xi32, #tpu.memory_space<hbm>>
    %dma_wait3A_12 = tpu.memref_slice %arg3[%mul3A_2] : memref<12800xi32, #tpu.memory_space<hbm>> -> memref<400xi32, #tpu.memory_space<hbm>>
    tpu.wait_dma2 semaphore(%arg23 : memref<!tpu.dma_semaphore, #tpu.memory_space<semaphore_mem>>) src(%dma_wait3A_12 : memref<400xi32, #tpu.memory_space<hbm>>) dst(%arg16 : memref<400xi32, #tpu.memory_space<vmem>>)
    %dma_start3A_13 = arith.constant 0 : i32
    %dma_start3A_14 = arith.constant 0 : i32
    %dma_start3A_15 = tpu.memref_slice %arg6[%dma_start3A_13, %dma_start3A_14] : memref<1001x128xf32, #tpu.memory_space<hbm>> -> memref<1001x128xf32, #tpu.memory_space<hbm>>
    tpu.enqueue_indirect_dma source(%dma_start3A_15 : memref<1001x128xf32, #tpu.memory_space<hbm>>) target(%arg20 : memref<400x128xf32, #tpu.memory_space<vmem>>) offsets(%arg16 : memref<400xi32, #tpu.memory_space<vmem>>) semaphore(%arg26 : memref<!tpu.dma_semaphore, #tpu.memory_space<semaphore_mem>>)
    %dma_start3A_16 = arith.constant 0 : i32
    %dma_start3A_17 = arith.constant 0 : i32
    %dma_start3A_18 = tpu.memref_slice %arg7[%dma_start3A_16, %dma_start3A_17] : memref<1001x128xf32, #tpu.memory_space<hbm>> -> memref<1001x128xf32, #tpu.memory_space<hbm>>
    tpu.enqueue_indirect_dma source(%dma_start3A_18 : memref<1001x128xf32, #tpu.memory_space<hbm>>) target(%arg21 : memref<400x128xf32, #tpu.memory_space<vmem>>) offsets(%arg16 : memref<400xi32, #tpu.memory_space<vmem>>) semaphore(%arg27 : memref<!tpu.dma_semaphore, #tpu.memory_space<semaphore_mem>>)
    %dma_wait3A_19 = tpu.memref_slice %arg4[%mul3A_2] : memref<12800xi32, #tpu.memory_space<hbm>> -> memref<400xi32, #tpu.memory_space<hbm>>
    %dma_wait3A_20 = tpu.memref_slice %arg4[%mul3A_2] : memref<12800xi32, #tpu.memory_space<hbm>> -> memref<400xi32, #tpu.memory_space<hbm>>
    tpu.wait_dma2 semaphore(%arg24 : memref<!tpu.dma_semaphore, #tpu.memory_space<semaphore_mem>>) src(%dma_wait3A_20 : memref<400xi32, #tpu.memory_space<hbm>>) dst(%arg17 : memref<400xi32, #tpu.memory_space<vmem>>)
    %dma_start3A_21 = arith.constant 0 : i32
    %dma_start3A_22 = tpu.memref_slice %arg9[%dma_start3A_21] : memref<1000xf32, #tpu.memory_space<hbm>> -> memref<1000xf32, #tpu.memory_space<hbm>>
    tpu.enqueue_indirect_dma source(%dma_start3A_22 : memref<1000xf32, #tpu.memory_space<hbm>>) target(%arg19 : memref<400xf32, #tpu.memory_space<vmem>>) offsets(%arg17 : memref<400xi32, #tpu.memory_space<vmem>>) semaphore(%arg29 : memref<!tpu.dma_semaphore, #tpu.memory_space<semaphore_mem>>)
    %dma_wait3A_23 = arith.constant 0 : i32
    %dma_wait3A_24 = tpu.memref_slice %arg5[%dma_wait3A_23] : memref<100001xf32, #tpu.memory_space<hbm>> -> memref<100001xf32, #tpu.memory_space<hbm>>
    tpu.wait_indirect_dma semaphore(%arg25 : memref<!tpu.dma_semaphore, #tpu.memory_space<semaphore_mem>>) src(%dma_wait3A_24 : memref<100001xf32, #tpu.memory_space<hbm>>) dst(%arg18 : memref<400xf32, #tpu.memory_space<vmem>>)
    "tpu.region"() ({
      %run_scoped3A = tpu.sem_alloc : memref<!tpu.dma_semaphore, #tpu.memory_space<semaphore_mem>>
      %dma_start3A_39 = tpu.memref_slice %arg10[%mul3A_2] : memref<12800xf32, #tpu.memory_space<hbm>> -> memref<400xf32, #tpu.memory_space<hbm>>
      %dma_start3A_40 = tpu.memref_slice %arg10[%mul3A_2] : memref<12800xf32, #tpu.memory_space<hbm>> -> memref<400xf32, #tpu.memory_space<hbm>>
      tpu.enqueue_dma source(%arg18 : memref<400xf32, #tpu.memory_space<vmem>>) target(%dma_start3A_40 : memref<400xf32, #tpu.memory_space<hbm>>) target_semaphore(%run_scoped3A : memref<!tpu.dma_semaphore, #tpu.memory_space<semaphore_mem>>)
      %dma_wait3A_41 = tpu.memref_slice %arg10[%mul3A_2] : memref<12800xf32, #tpu.memory_space<hbm>> -> memref<400xf32, #tpu.memory_space<hbm>>
      %dma_wait3A_42 = tpu.memref_slice %arg10[%mul3A_2] : memref<12800xf32, #tpu.memory_space<hbm>> -> memref<400xf32, #tpu.memory_space<hbm>>
      tpu.wait_dma2 semaphore(%run_scoped3A : memref<!tpu.dma_semaphore, #tpu.memory_space<semaphore_mem>>) src(%arg18 : memref<400xf32, #tpu.memory_space<vmem>>) dst(%dma_wait3A_42 : memref<400xf32, #tpu.memory_space<hbm>>)
      tpu.yield
    }) : () -> ()
    %dma_wait3A_25 = arith.constant 0 : i32
    %dma_wait3A_26 = arith.constant 0 : i32
    %dma_wait3A_27 = tpu.memref_slice %arg6[%dma_wait3A_25, %dma_wait3A_26] : memref<1001x128xf32, #tpu.memory_space<hbm>> -> memref<1001x128xf32, #tpu.memory_space<hbm>>
    tpu.wait_indirect_dma semaphore(%arg26 : memref<!tpu.dma_semaphore, #tpu.memory_space<semaphore_mem>>) src(%dma_wait3A_27 : memref<1001x128xf32, #tpu.memory_space<hbm>>) dst(%arg20 : memref<400x128xf32, #tpu.memory_space<vmem>>)
    "tpu.region"() ({
      %run_scoped3A = tpu.sem_alloc : memref<!tpu.dma_semaphore, #tpu.memory_space<semaphore_mem>>
      %dma_start3A_39 = arith.constant 0 : i32
      %dma_start3A_40 = tpu.memref_slice %arg11[%mul3A_2, %dma_start3A_39] : memref<12800x128xf32, #tpu.memory_space<hbm>> -> memref<400x128xf32, #tpu.memory_space<hbm>>
      %dma_start3A_41 = arith.constant 0 : i32
      %dma_start3A_42 = tpu.memref_slice %arg11[%mul3A_2, %dma_start3A_41] : memref<12800x128xf32, #tpu.memory_space<hbm>> -> memref<400x128xf32, #tpu.memory_space<hbm>>
      tpu.enqueue_dma source(%arg20 : memref<400x128xf32, #tpu.memory_space<vmem>>) target(%dma_start3A_42 : memref<400x128xf32, #tpu.memory_space<hbm>>) target_semaphore(%run_scoped3A : memref<!tpu.dma_semaphore, #tpu.memory_space<semaphore_mem>>)
      %dma_wait3A_43 = arith.constant 0 : i32
      %dma_wait3A_44 = tpu.memref_slice %arg11[%mul3A_2, %dma_wait3A_43] : memref<12800x128xf32, #tpu.memory_space<hbm>> -> memref<400x128xf32, #tpu.memory_space<hbm>>
      %dma_wait3A_45 = arith.constant 0 : i32
      %dma_wait3A_46 = tpu.memref_slice %arg11[%mul3A_2, %dma_wait3A_45] : memref<12800x128xf32, #tpu.memory_space<hbm>> -> memref<400x128xf32, #tpu.memory_space<hbm>>
      tpu.wait_dma2 semaphore(%run_scoped3A : memref<!tpu.dma_semaphore, #tpu.memory_space<semaphore_mem>>) src(%arg20 : memref<400x128xf32, #tpu.memory_space<vmem>>) dst(%dma_wait3A_46 : memref<400x128xf32, #tpu.memory_space<hbm>>)
      tpu.yield
    }) : () -> ()
    %dma_start3A_28 = arith.constant 0 : i32
    %dma_start3A_29 = arith.constant 0 : i32
    %dma_start3A_30 = tpu.memref_slice %arg8[%dma_start3A_28, %dma_start3A_29] : memref<1000x128xf32, #tpu.memory_space<hbm>> -> memref<1000x128xf32, #tpu.memory_space<hbm>>
    tpu.enqueue_indirect_dma source(%dma_start3A_30 : memref<1000x128xf32, #tpu.memory_space<hbm>>) target(%arg20 : memref<400x128xf32, #tpu.memory_space<vmem>>) offsets(%arg17 : memref<400xi32, #tpu.memory_space<vmem>>) semaphore(%arg28 : memref<!tpu.dma_semaphore, #tpu.memory_space<semaphore_mem>>)
    %dma_wait3A_31 = arith.constant 0 : i32
    %dma_wait3A_32 = arith.constant 0 : i32
    %dma_wait3A_33 = tpu.memref_slice %arg7[%dma_wait3A_31, %dma_wait3A_32] : memref<1001x128xf32, #tpu.memory_space<hbm>> -> memref<1001x128xf32, #tpu.memory_space<hbm>>
    tpu.wait_indirect_dma semaphore(%arg27 : memref<!tpu.dma_semaphore, #tpu.memory_space<semaphore_mem>>) src(%dma_wait3A_33 : memref<1001x128xf32, #tpu.memory_space<hbm>>) dst(%arg21 : memref<400x128xf32, #tpu.memory_space<vmem>>)
    "tpu.region"() ({
      %run_scoped3A = tpu.sem_alloc : memref<!tpu.dma_semaphore, #tpu.memory_space<semaphore_mem>>
      %dma_start3A_39 = arith.constant 0 : i32
      %dma_start3A_40 = tpu.memref_slice %arg12[%mul3A_2, %dma_start3A_39] : memref<12800x128xf32, #tpu.memory_space<hbm>> -> memref<400x128xf32, #tpu.memory_space<hbm>>
      %dma_start3A_41 = arith.constant 0 : i32
      %dma_start3A_42 = tpu.memref_slice %arg12[%mul3A_2, %dma_start3A_41] : memref<12800x128xf32, #tpu.memory_space<hbm>> -> memref<400x128xf32, #tpu.memory_space<hbm>>
      tpu.enqueue_dma source(%arg21 : memref<400x128xf32, #tpu.memory_space<vmem>>) target(%dma_start3A_42 : memref<400x128xf32, #tpu.memory_space<hbm>>) target_semaphore(%run_scoped3A : memref<!tpu.dma_semaphore, #tpu.memory_space<semaphore_mem>>)
      %dma_wait3A_43 = arith.constant 0 : i32
      %dma_wait3A_44 = tpu.memref_slice %arg12[%mul3A_2, %dma_wait3A_43] : memref<12800x128xf32, #tpu.memory_space<hbm>> -> memref<400x128xf32, #tpu.memory_space<hbm>>
      %dma_wait3A_45 = arith.constant 0 : i32
      %dma_wait3A_46 = tpu.memref_slice %arg12[%mul3A_2, %dma_wait3A_45] : memref<12800x128xf32, #tpu.memory_space<hbm>> -> memref<400x128xf32, #tpu.memory_space<hbm>>
      tpu.wait_dma2 semaphore(%run_scoped3A : memref<!tpu.dma_semaphore, #tpu.memory_space<semaphore_mem>>) src(%arg21 : memref<400x128xf32, #tpu.memory_space<vmem>>) dst(%dma_wait3A_46 : memref<400x128xf32, #tpu.memory_space<hbm>>)
      tpu.yield
    }) : () -> ()
    %dma_wait3A_34 = arith.constant 0 : i32
    %dma_wait3A_35 = tpu.memref_slice %arg9[%dma_wait3A_34] : memref<1000xf32, #tpu.memory_space<hbm>> -> memref<1000xf32, #tpu.memory_space<hbm>>
    tpu.wait_indirect_dma semaphore(%arg29 : memref<!tpu.dma_semaphore, #tpu.memory_space<semaphore_mem>>) src(%dma_wait3A_35 : memref<1000xf32, #tpu.memory_space<hbm>>) dst(%arg19 : memref<400xf32, #tpu.memory_space<vmem>>)
    "tpu.region"() ({
      %run_scoped3A = tpu.sem_alloc : memref<!tpu.dma_semaphore, #tpu.memory_space<semaphore_mem>>
      %dma_start3A_39 = tpu.memref_slice %arg14[%mul3A_2] : memref<12800xf32, #tpu.memory_space<hbm>> -> memref<400xf32, #tpu.memory_space<hbm>>
      %dma_start3A_40 = tpu.memref_slice %arg14[%mul3A_2] : memref<12800xf32, #tpu.memory_space<hbm>> -> memref<400xf32, #tpu.memory_space<hbm>>
      tpu.enqueue_dma source(%arg19 : memref<400xf32, #tpu.memory_space<vmem>>) target(%dma_start3A_40 : memref<400xf32, #tpu.memory_space<hbm>>) target_semaphore(%run_scoped3A : memref<!tpu.dma_semaphore, #tpu.memory_space<semaphore_mem>>)
      %dma_wait3A_41 = tpu.memref_slice %arg14[%mul3A_2] : memref<12800xf32, #tpu.memory_space<hbm>> -> memref<400xf32, #tpu.memory_space<hbm>>
      %dma_wait3A_42 = tpu.memref_slice %arg14[%mul3A_2] : memref<12800xf32, #tpu.memory_space<hbm>> -> memref<400xf32, #tpu.memory_space<hbm>>
      tpu.wait_dma2 semaphore(%run_scoped3A : memref<!tpu.dma_semaphore, #tpu.memory_space<semaphore_mem>>) src(%arg19 : memref<400xf32, #tpu.memory_space<vmem>>) dst(%dma_wait3A_42 : memref<400xf32, #tpu.memory_space<hbm>>)
      tpu.yield
    }) : () -> ()
    %dma_wait3A_36 = arith.constant 0 : i32
    %dma_wait3A_37 = arith.constant 0 : i32
    %dma_wait3A_38 = tpu.memref_slice %arg8[%dma_wait3A_36, %dma_wait3A_37] : memref<1000x128xf32, #tpu.memory_space<hbm>> -> memref<1000x128xf32, #tpu.memory_space<hbm>>
    tpu.wait_indirect_dma semaphore(%arg28 : memref<!tpu.dma_semaphore, #tpu.memory_space<semaphore_mem>>) src(%dma_wait3A_38 : memref<1000x128xf32, #tpu.memory_space<hbm>>) dst(%arg20 : memref<400x128xf32, #tpu.memory_space<vmem>>)
    "tpu.region"() ({
      %run_scoped3A = tpu.sem_alloc : memref<!tpu.dma_semaphore, #tpu.memory_space<semaphore_mem>>
      %dma_start3A_39 = arith.constant 0 : i32
      %dma_start3A_40 = tpu.memref_slice %arg13[%mul3A_2, %dma_start3A_39] : memref<12800x128xf32, #tpu.memory_space<hbm>> -> memref<400x128xf32, #tpu.memory_space<hbm>>
      %dma_start3A_41 = arith.constant 0 : i32
      %dma_start3A_42 = tpu.memref_slice %arg13[%mul3A_2, %dma_start3A_41] : memref<12800x128xf32, #tpu.memory_space<hbm>> -> memref<400x128xf32, #tpu.memory_space<hbm>>
      tpu.enqueue_dma source(%arg20 : memref<400x128xf32, #tpu.memory_space<vmem>>) target(%dma_start3A_42 : memref<400x128xf32, #tpu.memory_space<hbm>>) target_semaphore(%run_scoped3A : memref<!tpu.dma_semaphore, #tpu.memory_space<semaphore_mem>>)
      %dma_wait3A_43 = arith.constant 0 : i32
      %dma_wait3A_44 = tpu.memref_slice %arg13[%mul3A_2, %dma_wait3A_43] : memref<12800x128xf32, #tpu.memory_space<hbm>> -> memref<400x128xf32, #tpu.memory_space<hbm>>
      %dma_wait3A_45 = arith.constant 0 : i32
      %dma_wait3A_46 = tpu.memref_slice %arg13[%mul3A_2, %dma_wait3A_45] : memref<12800x128xf32, #tpu.memory_space<hbm>> -> memref<400x128xf32, #tpu.memory_space<hbm>>
      tpu.wait_dma2 semaphore(%run_scoped3A : memref<!tpu.dma_semaphore, #tpu.memory_space<semaphore_mem>>) src(%arg20 : memref<400x128xf32, #tpu.memory_space<vmem>>) dst(%dma_wait3A_46 : memref<400x128xf32, #tpu.memory_space<hbm>>)
      tpu.yield
    }) : () -> ()
    return
  }
}

module attributes {stable_mosaic.version = 14 : i64} {
  func.func @_m2_body(%arg0: memref<1000x1000xf32, #tpu.memory_space<vmem>>, %arg1: memref<1000x128xf32, #tpu.memory_space<vmem>>, %arg2: memref<1000x1xf32, #tpu.memory_space<vmem>>, %arg3: memref<1000x128xf32, #tpu.memory_space<vmem>>, %arg4: memref<1000x1xf32, #tpu.memory_space<vmem>>) attributes {dimension_semantics = [], scalar_prefetch = 0 : i64, scratch_operands = 0 : i64, tpu.core_type = #tpu.core_type<tc>} {
    %get3A = arith.constant 0 : index
    %get3A_0 = arith.constant 0 : index
    %get3A_1 = vector.load %arg0[%get3A, %get3A_0] : memref<1000x1000xf32, #tpu.memory_space<vmem>>, vector<1000x1000xf32>
    %get3A_2 = arith.constant 0 : index
    %get3A_3 = arith.constant 0 : index
    %get3A_4 = vector.load %arg1[%get3A_2, %get3A_3] : memref<1000x128xf32, #tpu.memory_space<vmem>>, vector<1000x128xf32>
    %dot_general3A = arith.constant dense<0.000000e+00> : vector<1000x128xf32>
    %dot_general3A_5 = tpu.matmul %get3A_1, %get3A_4, %dot_general3A {dimension_numbers = #tpu.dot_dimension_numbers<[1], [0], [0], [1], [0, 0, 1, 1], [], []>, transpose_lhs_hint = false} : vector<1000x1000xf32>, vector<1000x128xf32>, vector<1000x128xf32> -> vector<1000x128xf32>
    %swap3A = arith.constant 0 : index
    %swap3A_6 = arith.constant 0 : index
    %swap3A_7 = vector.load %arg3[%swap3A, %swap3A_6] : memref<1000x128xf32, #tpu.memory_space<vmem>>, vector<1000x128xf32>
    tpu.vector_store %arg3[%swap3A, %swap3A_6], %dot_general3A_5 {strides = array<i32>} : memref<1000x128xf32, #tpu.memory_space<vmem>>, vector<1000x128xf32>,
    %get3A_8 = arith.constant 0 : index
    %get3A_9 = arith.constant 0 : index
    %get3A_10 = vector.load %arg2[%get3A_8, %get3A_9] : memref<1000x1xf32, #tpu.memory_space<vmem>>, vector<1000x1xf32>
    %dot_general3A_11 = arith.constant dense<0.000000e+00> : vector<1000x1xf32>
    %dot_general3A_12 = tpu.matmul %get3A_1, %get3A_10, %dot_general3A_11 {dimension_numbers = #tpu.dot_dimension_numbers<[1], [0], [0], [1], [0, 0, 1, 1], [], []>, transpose_lhs_hint = false} : vector<1000x1000xf32>, vector<1000x1xf32>, vector<1000x1xf32> -> vector<1000x1xf32>
    %swap3A_13 = arith.constant 0 : index
    %swap3A_14 = arith.constant 0 : index
    %swap3A_15 = vector.load %arg4[%swap3A_13, %swap3A_14] : memref<1000x1xf32, #tpu.memory_space<vmem>>, vector<1000x1xf32>
    tpu.vector_store %arg4[%swap3A_13, %swap3A_14], %dot_general3A_12 {strides = array<i32>} : memref<1000x1xf32, #tpu.memory_space<vmem>>, vector<1000x1xf32>,
    return
  }
}

module attributes {stable_mosaic.version = 14 : i64} {
  func.func @_gru_body(%arg0: i32, %arg1: memref<1600x128xf32, #tpu.memory_space<vmem>>, %arg2: memref<1600x128xf32, #tpu.memory_space<vmem>>, %arg3: memref<1600x1xf32, #tpu.memory_space<vmem>>, %arg4: memref<1600x1xi32, #tpu.memory_space<vmem>>, %arg5: memref<1600x128xf32, #tpu.memory_space<vmem>>, %arg6: memref<1600x1xf32, #tpu.memory_space<vmem>>, %arg7: memref<2x128xf32, #tpu.memory_space<vmem>>, %arg8: memref<2x128xf32, #tpu.memory_space<vmem>>, %arg9: memref<256x384xf32, #tpu.memory_space<vmem>>, %arg10: memref<1x384xf32, #tpu.memory_space<vmem>>, %arg11: memref<128x384xf32, #tpu.memory_space<vmem>>, %arg12: memref<1x128xf32, #tpu.memory_space<vmem>>, %arg13: memref<1600x1xf32, #tpu.memory_space<vmem>>, %arg14: memref<1x1xf32, #tpu.memory_space<vmem>>, %arg15: memref<64x128xf32, #tpu.memory_space<vmem>>) attributes {dimension_semantics = [#tpu.dimension_semantics<arbitrary>], iteration_bounds = array<i64: 8>, scalar_prefetch = 0 : i64, scratch_operands = 1 : i64, tpu.core_type = #tpu.core_type<tc>, window_params = [{transform_indices = @transform_0, window_bounds = array<i64: 1600, 128>}, {transform_indices = @transform_1, window_bounds = array<i64: 1600, 128>}, {transform_indices = @transform_2, window_bounds = array<i64: 1600, 1>}, {transform_indices = @transform_3, window_bounds = array<i64: 1600, 1>}, {transform_indices = @transform_4, window_bounds = array<i64: 1600, 128>}, {transform_indices = @transform_5, window_bounds = array<i64: 1600, 1>}, {pipeline_mode = #tpu.pipeline_mode<synchronous>, transform_indices = @transform_6, window_bounds = array<i64: 2, 128>}, {pipeline_mode = #tpu.pipeline_mode<synchronous>, transform_indices = @transform_7, window_bounds = array<i64: 2, 128>}, {pipeline_mode = #tpu.pipeline_mode<synchronous>, transform_indices = @transform_8, window_bounds = array<i64: 256, 384>}, {pipeline_mode = #tpu.pipeline_mode<synchronous>, transform_indices = @transform_9, window_bounds = array<i64: 1, 384>}, {pipeline_mode = #tpu.pipeline_mode<synchronous>, transform_indices = @transform_10, window_bounds = array<i64: 128, 384>}, {pipeline_mode = #tpu.pipeline_mode<synchronous>, transform_indices = @transform_11, window_bounds = array<i64: 1, 128>}, {transform_indices = @transform_12, window_bounds = array<i64: 1600, 1>}, {pipeline_mode = #tpu.pipeline_mode<synchronous>, transform_indices = @transform_13, window_bounds = array<i64: 1, 1>}]} {
    %eq3A = arith.constant 0 : i32
    %eq3A_0 = arith.cmpi eq, %arg0, %eq3A : i32
    %convert_element_type3A = arith.extui %eq3A_0 : i1 to i32
    %cond3A = arith.constant 0 : i32
    %cond3A_1 = arith.cmpi ne, %convert_element_type3A, %cond3A : i32
    scf.if %cond3A_1 {
      %broadcast_in_dim3A_2479 = arith.constant 0.000000e+00 : f32
      %broadcast_in_dim3A_2480 = vector.broadcast %broadcast_in_dim3A_2479 : f32 to vector<64x128xf32>
      %swap3A_2481 = arith.constant 0 : index
      %swap3A_2482 = arith.constant 0 : index
      %swap3A_2483 = vector.load %arg15[%swap3A_2481, %swap3A_2482] : memref<64x128xf32, #tpu.memory_space<vmem>>, vector<64x128xf32>
      tpu.vector_store %arg15[%swap3A_2481, %swap3A_2482], %broadcast_in_dim3A_2480 {strides = array<i32>} : memref<64x128xf32, #tpu.memory_space<vmem>>, vector<64x128xf32>,
      %broadcast_in_dim3A_2484 = arith.constant 0.000000e+00 : f32
      %broadcast_in_dim3A_2485 = vector.broadcast %broadcast_in_dim3A_2484 : f32 to vector<1x1xf32>
      %swap3A_2486 = arith.constant 0 : index
      %swap3A_2487 = arith.constant 0 : index
      %swap3A_2488 = vector.load %arg14[%swap3A_2486, %swap3A_2487] : memref<1x1xf32, #tpu.memory_space<vmem>>, vector<1x1xf32>
      tpu.vector_store %arg14[%swap3A_2486, %swap3A_2487], %broadcast_in_dim3A_2485 {strides = array<i32>} : memref<1x1xf32, #tpu.memory_space<vmem>>, vector<1x1xf32>,
    } else {
    }
    %get3A = arith.constant 0 : index
    %get3A_2 = arith.constant 0 : index
    %get3A_3 = vector.load %arg1[%get3A, %get3A_2] : memref<1600x128xf32, #tpu.memory_space<vmem>>, vector<1600x128xf32>
    %get3A_4 = arith.constant 0 : index
    %get3A_5 = arith.constant 0 : index
    %get3A_6 = vector.load %arg2[%get3A_4, %get3A_5] : memref<1600x128xf32, #tpu.memory_space<vmem>>, vector<1600x128xf32>
    %get3A_7 = arith.constant 0 : index
    %get3A_8 = arith.constant 0 : index
    %get3A_9 = vector.load %arg3[%get3A_7, %get3A_8] : memref<1600x1xf32, #tpu.memory_space<vmem>>, vector<1600x1xf32>
    %get3A_10 = arith.constant 0 : index
    %get3A_11 = arith.constant 0 : index
    %get3A_12 = vector.load %arg4[%get3A_10, %get3A_11] : memref<1600x1xi32, #tpu.memory_space<vmem>>, vector<1600x1xi32>
    %eq3A_13 = arith.constant 1 : i32
    %eq3A_14 = vector.broadcast %eq3A_13 : i32 to vector<1600x1xi32>
    %eq3A_15 = arith.cmpi eq, %get3A_12, %eq3A_14 : vector<1600x1xi32>
    %get3A_16 = arith.constant 0 : index
    %get3A_17 = arith.constant 0 : index
    %get3A_18 = vector.load %arg7[%get3A_16, %get3A_17] : memref<2x128xf32, #tpu.memory_space<vmem>>, vector<1x128xf32>
    %get3A_19 = arith.constant 1 : index
    %get3A_20 = arith.constant 0 : index
    %get3A_21 = vector.load %arg7[%get3A_19, %get3A_20] : memref<2x128xf32, #tpu.memory_space<vmem>>, vector<1x128xf32>
    %get3A_22 = arith.constant 0 : index
    %get3A_23 = arith.constant 0 : index
    %get3A_24 = vector.load %arg8[%get3A_22, %get3A_23] : memref<2x128xf32, #tpu.memory_space<vmem>>, vector<1x128xf32>
    %get3A_25 = arith.constant 1 : index
    %get3A_26 = arith.constant 0 : index
    %get3A_27 = vector.load %arg8[%get3A_25, %get3A_26] : memref<2x128xf32, #tpu.memory_space<vmem>>, vector<1x128xf32>
    %broadcast_in_dim3A = vector.shape_cast %eq3A_15 : vector<1600x1xi1> to vector<1600x1xi1>
    %broadcast_in_dim3A_28 = vector.broadcast %broadcast_in_dim3A : vector<1600x1xi1> to vector<1600x128xi1>
    %broadcast_in_dim3A_29 = vector.shape_cast %get3A_21 : vector<1x128xf32> to vector<1x128xf32>
    %broadcast_in_dim3A_30 = vector.broadcast %broadcast_in_dim3A_29 : vector<1x128xf32> to vector<1600x128xf32>
    %broadcast_in_dim3A_31 = vector.shape_cast %get3A_18 : vector<1x128xf32> to vector<1x128xf32>
    %broadcast_in_dim3A_32 = vector.broadcast %broadcast_in_dim3A_31 : vector<1x128xf32> to vector<1600x128xf32>
    %select_n3A = arith.select %broadcast_in_dim3A_28, %broadcast_in_dim3A_30, %broadcast_in_dim3A_32 : vector<1600x128xi1>, vector<1600x128xf32>
    %broadcast_in_dim3A_33 = vector.shape_cast %eq3A_15 : vector<1600x1xi1> to vector<1600x1xi1>
    %broadcast_in_dim3A_34 = vector.broadcast %broadcast_in_dim3A_33 : vector<1600x1xi1> to vector<1600x128xi1>
    %broadcast_in_dim3A_35 = vector.shape_cast %get3A_27 : vector<1x128xf32> to vector<1x128xf32>
    %broadcast_in_dim3A_36 = vector.broadcast %broadcast_in_dim3A_35 : vector<1x128xf32> to vector<1600x128xf32>
    %broadcast_in_dim3A_37 = vector.shape_cast %get3A_24 : vector<1x128xf32> to vector<1x128xf32>
    %broadcast_in_dim3A_38 = vector.broadcast %broadcast_in_dim3A_37 : vector<1x128xf32> to vector<1600x128xf32>
    %select_n3A_39 = arith.select %broadcast_in_dim3A_34, %broadcast_in_dim3A_36, %broadcast_in_dim3A_38 : vector<1600x128xi1>, vector<1600x128xf32>
    %mul3A = vector.broadcast %get3A_9 : vector<1600x1xf32> to vector<1600x128xf32>
    %mul3A_40 = arith.mulf %mul3A, %get3A_6 : vector<1600x128xf32>
    %add3A = arith.addf %get3A_3, %mul3A_40 : vector<1600x128xf32>
    %add3A_41 = arith.addf %get3A_3, %select_n3A : vector<1600x128xf32>
    %mul3A_42 = vector.broadcast %get3A_9 : vector<1600x1xf32> to vector<1600x128xf32>
    %mul3A_43 = arith.mulf %mul3A_42, %select_n3A_39 : vector<1600x128xf32>
    %add3A_44 = arith.addf %add3A_41, %mul3A_43 : vector<1600x128xf32>
    %concatenate3A = tpu.concatenate %add3A_44, %add3A in 1 : vector<1600x128xf32>, vector<1600x128xf32> -> vector<1600x256xf32>
    %get3A_45 = arith.constant 0 : index
    %get3A_46 = arith.constant 0 : index
    %get3A_47 = vector.load %arg9[%get3A_45, %get3A_46] : memref<256x384xf32, #tpu.memory_space<vmem>>, vector<256x384xf32>
    %dot_general3A = arith.constant dense<0.000000e+00> : vector<1600x384xf32>
    %dot_general3A_48 = tpu.matmul %concatenate3A, %get3A_47, %dot_general3A {dimension_numbers = #tpu.dot_dimension_numbers<[1], [0], [0], [1], [0, 0, 1, 1], [], []>, transpose_lhs_hint = false} : vector<1600x256xf32>, vector<256x384xf32>, vector<1600x384xf32> -> vector<1600x384xf32>
    %get3A_49 = arith.constant 0 : index
    %get3A_50 = arith.constant 0 : index
    %get3A_51 = vector.load %arg10[%get3A_49, %get3A_50] : memref<1x384xf32, #tpu.memory_space<vmem>>, vector<1x384xf32>
    %add3A_52 = vector.broadcast %get3A_51 : vector<1x384xf32> to vector<1600x384xf32>
    %add3A_53 = arith.addf %dot_general3A_48, %add3A_52 : vector<1600x384xf32>
    %get3A_54 = arith.constant 0 : index
    %get3A_55 = arith.constant 0 : index
    %get3A_56 = vector.load %arg14[%get3A_54, %get3A_55] : memref<1x1xf32, #tpu.memory_space<vmem>>, vector<1x1xf32>
    %mul3A_57 = arith.mulf %get3A_9, %get3A_9 : vector<1600x1xf32>
    %reduce_sum3A = vector.shape_cast %mul3A_57 : vector<1600x1xf32> to vector<1x1600x1xf32>
    %reduce_sum3A_58 = arith.constant dense<0.000000e+00> : vector<1xf32>
    %reduce_sum3A_59 = vector.multi_reduction <add>, %reduce_sum3A, %reduce_sum3A_58 [1, 2] : vector<1x1600x1xf32> to vector<1xf32>
    %reduce_sum3A_60 = vector.shape_cast %reduce_sum3A_59 : vector<1xf32> to vector<1x1x1xf32>
    %reduce_sum3A_61 = vector.extract %reduce_sum3A_60[0, 0, 0] : f32 from vector<1x1x1xf32>
    %reshape3A = vector.broadcast %reduce_sum3A_61 : f32 to vector<1x1xf32>
    %add3A_62 = arith.addf %get3A_56, %reshape3A : vector<1x1xf32>
    %swap3A = arith.constant 0 : index
    %swap3A_63 = arith.constant 0 : index
    %swap3A_64 = vector.load %arg14[%swap3A, %swap3A_63] : memref<1x1xf32, #tpu.memory_space<vmem>>, vector<1x1xf32>
    tpu.vector_store %arg14[%swap3A, %swap3A_63], %add3A_62 {strides = array<i32>} : memref<1x1xf32, #tpu.memory_space<vmem>>, vector<1x1xf32>,
    %get3A_65 = arith.constant 0 : index
    %get3A_66 = arith.constant 0 : index
    %get3A_67 = vector.load %arg11[%get3A_65, %get3A_66] : memref<128x384xf32, #tpu.memory_space<vmem>>, vector<128x384xf32>
    %get3A_68 = arith.constant 0 : index
    %get3A_69 = arith.constant 0 : index
    %get3A_70 = vector.load %arg12[%get3A_68, %get3A_69] : memref<1x128xf32, #tpu.memory_space<vmem>>, vector<1x128xf32>
    %get3A_71 = arith.constant 0 : index
    %get3A_72 = arith.constant 0 : index
    %get3A_73 = vector.load %arg15[%get3A_71, %get3A_72] : memref<64x128xf32, #tpu.memory_space<vmem>>, vector<32x128xf32>
    %get3A_74 = arith.constant 32 : index
    %get3A_75 = arith.constant 0 : index
    %get3A_76 = vector.load %arg15[%get3A_74, %get3A_75] : memref<64x128xf32, #tpu.memory_space<vmem>>, vector<32x128xf32>
    %dot_general3A_77 = arith.constant dense<0.000000e+00> : vector<32x384xf32>
    %dot_general3A_78 = tpu.matmul %get3A_73, %get3A_67, %dot_general3A_77 {dimension_numbers = #tpu.dot_dimension_numbers<[1], [0], [0], [1], [0, 0, 1, 1], [], []>, transpose_lhs_hint = false} : vector<32x128xf32>, vector<128x384xf32>, vector<32x384xf32> -> vector<32x384xf32>
    %dot_general3A_79 = arith.constant dense<0.000000e+00> : vector<32x384xf32>
    %dot_general3A_80 = tpu.matmul %get3A_76, %get3A_67, %dot_general3A_79 {dimension_numbers = #tpu.dot_dimension_numbers<[1], [0], [0], [1], [0, 0, 1, 1], [], []>, transpose_lhs_hint = false} : vector<32x128xf32>, vector<128x384xf32>, vector<32x384xf32> -> vector<32x384xf32>
    %slice3A = vector.extract_strided_slice %add3A_53 {offsets = [0, 0], sizes = [32, 384], strides = [1, 1]} : vector<1600x384xf32> to vector<32x384xf32>
    %slice3A_81 = vector.extract_strided_slice %slice3A {offsets = [0, 0], sizes = [32, 128], strides = [1, 1]} : vector<32x384xf32> to vector<32x128xf32>
    %slice3A_82 = vector.extract_strided_slice %dot_general3A_78 {offsets = [0, 0], sizes = [32, 128], strides = [1, 1]} : vector<32x384xf32> to vector<32x128xf32>
    %add3A_83 = arith.addf %slice3A_81, %slice3A_82 : vector<32x128xf32>
    %logistic3A = arith.negf %add3A_83 : vector<32x128xf32>
    %logistic3A_84 = math.exp %logistic3A : vector<32x128xf32>
    %logistic3A_85 = arith.constant 1.000000e+00 : f32
    %logistic3A_86 = vector.broadcast %logistic3A_85 : f32 to vector<32x128xf32>
    %logistic3A_87 = arith.addf %logistic3A_86, %logistic3A_84 : vector<32x128xf32>
    %logistic3A_88 = arith.divf %logistic3A_86, %logistic3A_87 : vector<32x128xf32>
    %slice3A_89 = vector.extract_strided_slice %slice3A {offsets = [0, 128], sizes = [32, 128], strides = [1, 1]} : vector<32x384xf32> to vector<32x128xf32>
    %slice3A_90 = vector.extract_strided_slice %dot_general3A_78 {offsets = [0, 128], sizes = [32, 128], strides = [1, 1]} : vector<32x384xf32> to vector<32x128xf32>
    %add3A_91 = arith.addf %slice3A_89, %slice3A_90 : vector<32x128xf32>
    %logistic3A_92 = arith.negf %add3A_91 : vector<32x128xf32>
    %logistic3A_93 = math.exp %logistic3A_92 : vector<32x128xf32>
    %logistic3A_94 = arith.constant 1.000000e+00 : f32
    %logistic3A_95 = vector.broadcast %logistic3A_94 : f32 to vector<32x128xf32>
    %logistic3A_96 = arith.addf %logistic3A_95, %logistic3A_93 : vector<32x128xf32>
    %logistic3A_97 = arith.divf %logistic3A_95, %logistic3A_96 : vector<32x128xf32>
    %slice3A_98 = vector.extract_strided_slice %slice3A {offsets = [0, 256], sizes = [32, 128], strides = [1, 1]} : vector<32x384xf32> to vector<32x128xf32>
    %slice3A_99 = vector.extract_strided_slice %dot_general3A_78 {offsets = [0, 256], sizes = [32, 128], strides = [1, 1]} : vector<32x384xf32> to vector<32x128xf32>
    %add3A_100 = vector.broadcast %get3A_70 : vector<1x128xf32> to vector<32x128xf32>
    %add3A_101 = arith.addf %slice3A_99, %add3A_100 : vector<32x128xf32>
    %mul3A_102 = arith.mulf %logistic3A_88, %add3A_101 : vector<32x128xf32>
    %add3A_103 = arith.addf %slice3A_98, %mul3A_102 : vector<32x128xf32>
    %tanh3A = math.tanh %add3A_103 : vector<32x128xf32>
    %sub3A = arith.constant 1.000000e+00 : f32
    %sub3A_104 = vector.broadcast %sub3A : f32 to vector<32x128xf32>
    %sub3A_105 = arith.subf %sub3A_104, %logistic3A_97 : vector<32x128xf32>
    %mul3A_106 = arith.mulf %sub3A_105, %tanh3A : vector<32x128xf32>
    %mul3A_107 = arith.mulf %logistic3A_97, %get3A_73 : vector<32x128xf32>
    %add3A_108 = arith.addf %mul3A_106, %mul3A_107 : vector<32x128xf32>
    %slice3A_109 = vector.extract_strided_slice %add3A_53 {offsets = [32, 0], sizes = [32, 384], strides = [1, 1]} : vector<1600x384xf32> to vector<32x384xf32>
    %slice3A_110 = vector.extract_strided_slice %slice3A_109 {offsets = [0, 0], sizes = [32, 128], strides = [1, 1]} : vector<32x384xf32> to vector<32x128xf32>
    %slice3A_111 = vector.extract_strided_slice %dot_general3A_80 {offsets = [0, 0], sizes = [32, 128], strides = [1, 1]} : vector<32x384xf32> to vector<32x128xf32>
    %add3A_112 = arith.addf %slice3A_110, %slice3A_111 : vector<32x128xf32>
    %logistic3A_113 = arith.negf %add3A_112 : vector<32x128xf32>
    %logistic3A_114 = math.exp %logistic3A_113 : vector<32x128xf32>
    %logistic3A_115 = arith.constant 1.000000e+00 : f32
    %logistic3A_116 = vector.broadcast %logistic3A_115 : f32 to vector<32x128xf32>
    %logistic3A_117 = arith.addf %logistic3A_116, %logistic3A_114 : vector<32x128xf32>
    %logistic3A_118 = arith.divf %logistic3A_116, %logistic3A_117 : vector<32x128xf32>
    %slice3A_119 = vector.extract_strided_slice %slice3A_109 {offsets = [0, 128], sizes = [32, 128], strides = [1, 1]} : vector<32x384xf32> to vector<32x128xf32>
    %slice3A_120 = vector.extract_strided_slice %dot_general3A_80 {offsets = [0, 128], sizes = [32, 128], strides = [1, 1]} : vector<32x384xf32> to vector<32x128xf32>
    %add3A_121 = arith.addf %slice3A_119, %slice3A_120 : vector<32x128xf32>
    %logistic3A_122 = arith.negf %add3A_121 : vector<32x128xf32>
    %logistic3A_123 = math.exp %logistic3A_122 : vector<32x128xf32>
    %logistic3A_124 = arith.constant 1.000000e+00 : f32
    %logistic3A_125 = vector.broadcast %logistic3A_124 : f32 to vector<32x128xf32>
    %logistic3A_126 = arith.addf %logistic3A_125, %logistic3A_123 : vector<32x128xf32>
    %logistic3A_127 = arith.divf %logistic3A_125, %logistic3A_126 : vector<32x128xf32>
    %slice3A_128 = vector.extract_strided_slice %slice3A_109 {offsets = [0, 256], sizes = [32, 128], strides = [1, 1]} : vector<32x384xf32> to vector<32x128xf32>
    %slice3A_129 = vector.extract_strided_slice %dot_general3A_80 {offsets = [0, 256], sizes = [32, 128], strides = [1, 1]} : vector<32x384xf32> to vector<32x128xf32>
    %add3A_130 = vector.broadcast %get3A_70 : vector<1x128xf32> to vector<32x128xf32>
    %add3A_131 = arith.addf %slice3A_129, %add3A_130 : vector<32x128xf32>
    %mul3A_132 = arith.mulf %logistic3A_118, %add3A_131 : vector<32x128xf32>
    %add3A_133 = arith.addf %slice3A_128, %mul3A_132 : vector<32x128xf32>
    %tanh3A_134 = math.tanh %add3A_133 : vector<32x128xf32>
    %sub3A_135 = arith.constant 1.000000e+00 : f32
    %sub3A_136 = vector.broadcast %sub3A_135 : f32 to vector<32x128xf32>
    %sub3A_137 = arith.subf %sub3A_136, %logistic3A_127 : vector<32x128xf32>
    %mul3A_138 = arith.mulf %sub3A_137, %tanh3A_134 : vector<32x128xf32>
    %mul3A_139 = arith.mulf %logistic3A_127, %get3A_76 : vector<32x128xf32>
    %add3A_140 = arith.addf %mul3A_138, %mul3A_139 : vector<32x128xf32>
    %get3A_141 = arith.constant 0 : index
    %get3A_142 = arith.constant 0 : index
    %get3A_143 = vector.load %arg5[%get3A_141, %get3A_142] : memref<1600x128xf32, #tpu.memory_space<vmem>>, vector<32x128xf32>
    %mul3A_144 = arith.mulf %add3A_108, %get3A_143 : vector<32x128xf32>
    %reduce_sum3A_145 = arith.constant dense<0.000000e+00> : vector<32xf32>
    %reduce_sum3A_146 = vector.multi_reduction <add>, %mul3A_144, %reduce_sum3A_145 [1] : vector<32x128xf32> to vector<32xf32>
    %broadcast_in_dim3A_147 = vector.shape_cast %reduce_sum3A_146 : vector<32xf32> to vector<32x1xf32>
    %get3A_148 = arith.constant 0 : index
    %get3A_149 = arith.constant 0 : index
    %get3A_150 = vector.load %arg6[%get3A_148, %get3A_149] : memref<1600x1xf32, #tpu.memory_space<vmem>>, vector<32x1xf32>
    %add3A_151 = arith.addf %broadcast_in_dim3A_147, %get3A_150 : vector<32x1xf32>
    %swap3A_152 = arith.constant 0 : index
    %swap3A_153 = arith.constant 0 : index
    %swap3A_154 = vector.load %arg13[%swap3A_152, %swap3A_153] : memref<1600x1xf32, #tpu.memory_space<vmem>>, vector<32x1xf32>
    tpu.vector_store %arg13[%swap3A_152, %swap3A_153], %add3A_151 {strides = array<i32>} : memref<1600x1xf32, #tpu.memory_space<vmem>>, vector<32x1xf32>,
    %get3A_155 = arith.constant 32 : index
    %get3A_156 = arith.constant 0 : index
    %get3A_157 = vector.load %arg5[%get3A_155, %get3A_156] : memref<1600x128xf32, #tpu.memory_space<vmem>>, vector<32x128xf32>
    %mul3A_158 = arith.mulf %add3A_140, %get3A_157 : vector<32x128xf32>
    %reduce_sum3A_159 = arith.constant dense<0.000000e+00> : vector<32xf32>
    %reduce_sum3A_160 = vector.multi_reduction <add>, %mul3A_158, %reduce_sum3A_159 [1] : vector<32x128xf32> to vector<32xf32>
    %broadcast_in_dim3A_161 = vector.shape_cast %reduce_sum3A_160 : vector<32xf32> to vector<32x1xf32>
    %get3A_162 = arith.constant 32 : index
    %get3A_163 = arith.constant 0 : index
    %get3A_164 = vector.load %arg6[%get3A_162, %get3A_163] : memref<1600x1xf32, #tpu.memory_space<vmem>>, vector<32x1xf32>
    %add3A_165 = arith.addf %broadcast_in_dim3A_161, %get3A_164 : vector<32x1xf32>
    %swap3A_166 = arith.constant 32 : index
    %swap3A_167 = arith.constant 0 : index
    %swap3A_168 = vector.load %arg13[%swap3A_166, %swap3A_167] : memref<1600x1xf32, #tpu.memory_space<vmem>>, vector<32x1xf32>
    tpu.vector_store %arg13[%swap3A_166, %swap3A_167], %add3A_165 {strides = array<i32>} : memref<1600x1xf32, #tpu.memory_space<vmem>>, vector<32x1xf32>,
    %dot_general3A_169 = arith.constant dense<0.000000e+00> : vector<32x384xf32>
    %dot_general3A_170 = tpu.matmul %add3A_108, %get3A_67, %dot_general3A_169 {dimension_numbers = #tpu.dot_dimension_numbers<[1], [0], [0], [1], [0, 0, 1, 1], [], []>, transpose_lhs_hint = false} : vector<32x128xf32>, vector<128x384xf32>, vector<32x384xf32> -> vector<32x384xf32>
    %dot_general3A_171 = arith.constant dense<0.000000e+00> : vector<32x384xf32>
    %dot_general3A_172 = tpu.matmul %add3A_140, %get3A_67, %dot_general3A_171 {dimension_numbers = #tpu.dot_dimension_numbers<[1], [0], [0], [1], [0, 0, 1, 1], [], []>, transpose_lhs_hint = false} : vector<32x128xf32>, vector<128x384xf32>, vector<32x384xf32> -> vector<32x384xf32>
    %slice3A_173 = vector.extract_strided_slice %add3A_53 {offsets = [64, 0], sizes = [32, 384], strides = [1, 1]} : vector<1600x384xf32> to vector<32x384xf32>
    %slice3A_174 = vector.extract_strided_slice %slice3A_173 {offsets = [0, 0], sizes = [32, 128], strides = [1, 1]} : vector<32x384xf32> to vector<32x128xf32>
    %slice3A_175 = vector.extract_strided_slice %dot_general3A_170 {offsets = [0, 0], sizes = [32, 128], strides = [1, 1]} : vector<32x384xf32> to vector<32x128xf32>
    %add3A_176 = arith.addf %slice3A_174, %slice3A_175 : vector<32x128xf32>
    %logistic3A_177 = arith.negf %add3A_176 : vector<32x128xf32>
    %logistic3A_178 = math.exp %logistic3A_177 : vector<32x128xf32>
    %logistic3A_179 = arith.constant 1.000000e+00 : f32
    %logistic3A_180 = vector.broadcast %logistic3A_179 : f32 to vector<32x128xf32>
    %logistic3A_181 = arith.addf %logistic3A_180, %logistic3A_178 : vector<32x128xf32>
    %logistic3A_182 = arith.divf %logistic3A_180, %logistic3A_181 : vector<32x128xf32>
    %slice3A_183 = vector.extract_strided_slice %slice3A_173 {offsets = [0, 128], sizes = [32, 128], strides = [1, 1]} : vector<32x384xf32> to vector<32x128xf32>
    %slice3A_184 = vector.extract_strided_slice %dot_general3A_170 {offsets = [0, 128], sizes = [32, 128], strides = [1, 1]} : vector<32x384xf32> to vector<32x128xf32>
    %add3A_185 = arith.addf %slice3A_183, %slice3A_184 : vector<32x128xf32>
    %logistic3A_186 = arith.negf %add3A_185 : vector<32x128xf32>
    %logistic3A_187 = math.exp %logistic3A_186 : vector<32x128xf32>
    %logistic3A_188 = arith.constant 1.000000e+00 : f32
    %logistic3A_189 = vector.broadcast %logistic3A_188 : f32 to vector<32x128xf32>
    %logistic3A_190 = arith.addf %logistic3A_189, %logistic3A_187 : vector<32x128xf32>
    %logistic3A_191 = arith.divf %logistic3A_189, %logistic3A_190 : vector<32x128xf32>
    %slice3A_192 = vector.extract_strided_slice %slice3A_173 {offsets = [0, 256], sizes = [32, 128], strides = [1, 1]} : vector<32x384xf32> to vector<32x128xf32>
    %slice3A_193 = vector.extract_strided_slice %dot_general3A_170 {offsets = [0, 256], sizes = [32, 128], strides = [1, 1]} : vector<32x384xf32> to vector<32x128xf32>
    %add3A_194 = vector.broadcast %get3A_70 : vector<1x128xf32> to vector<32x128xf32>
    %add3A_195 = arith.addf %slice3A_193, %add3A_194 : vector<32x128xf32>
    %mul3A_196 = arith.mulf %logistic3A_182, %add3A_195 : vector<32x128xf32>
    %add3A_197 = arith.addf %slice3A_192, %mul3A_196 : vector<32x128xf32>
    %tanh3A_198 = math.tanh %add3A_197 : vector<32x128xf32>
    %sub3A_199 = arith.constant 1.000000e+00 : f32
    %sub3A_200 = vector.broadcast %sub3A_199 : f32 to vector<32x128xf32>
    %sub3A_201 = arith.subf %sub3A_200, %logistic3A_191 : vector<32x128xf32>
    %mul3A_202 = arith.mulf %sub3A_201, %tanh3A_198 : vector<32x128xf32>
    %mul3A_203 = arith.mulf %logistic3A_191, %add3A_108 : vector<32x128xf32>
    %add3A_204 = arith.addf %mul3A_202, %mul3A_203 : vector<32x128xf32>
    %slice3A_205 = vector.extract_strided_slice %add3A_53 {offsets = [96, 0], sizes = [32, 384], strides = [1, 1]} : vector<1600x384xf32> to vector<32x384xf32>
    %slice3A_206 = vector.extract_strided_slice %slice3A_205 {offsets = [0, 0], sizes = [32, 128], strides = [1, 1]} : vector<32x384xf32> to vector<32x128xf32>
    %slice3A_207 = vector.extract_strided_slice %dot_general3A_172 {offsets = [0, 0], sizes = [32, 128], strides = [1, 1]} : vector<32x384xf32> to vector<32x128xf32>
    %add3A_208 = arith.addf %slice3A_206, %slice3A_207 : vector<32x128xf32>
    %logistic3A_209 = arith.negf %add3A_208 : vector<32x128xf32>
    %logistic3A_210 = math.exp %logistic3A_209 : vector<32x128xf32>
    %logistic3A_211 = arith.constant 1.000000e+00 : f32
    %logistic3A_212 = vector.broadcast %logistic3A_211 : f32 to vector<32x128xf32>
    %logistic3A_213 = arith.addf %logistic3A_212, %logistic3A_210 : vector<32x128xf32>
    %logistic3A_214 = arith.divf %logistic3A_212, %logistic3A_213 : vector<32x128xf32>
    %slice3A_215 = vector.extract_strided_slice %slice3A_205 {offsets = [0, 128], sizes = [32, 128], strides = [1, 1]} : vector<32x384xf32> to vector<32x128xf32>
    %slice3A_216 = vector.extract_strided_slice %dot_general3A_172 {offsets = [0, 128], sizes = [32, 128], strides = [1, 1]} : vector<32x384xf32> to vector<32x128xf32>
    %add3A_217 = arith.addf %slice3A_215, %slice3A_216 : vector<32x128xf32>
    %logistic3A_218 = arith.negf %add3A_217 : vector<32x128xf32>
    %logistic3A_219 = math.exp %logistic3A_218 : vector<32x128xf32>
    %logistic3A_220 = arith.constant 1.000000e+00 : f32
    %logistic3A_221 = vector.broadcast %logistic3A_220 : f32 to vector<32x128xf32>
    %logistic3A_222 = arith.addf %logistic3A_221, %logistic3A_219 : vector<32x128xf32>
    %logistic3A_223 = arith.divf %logistic3A_221, %logistic3A_222 : vector<32x128xf32>
    %slice3A_224 = vector.extract_strided_slice %slice3A_205 {offsets = [0, 256], sizes = [32, 128], strides = [1, 1]} : vector<32x384xf32> to vector<32x128xf32>
    %slice3A_225 = vector.extract_strided_slice %dot_general3A_172 {offsets = [0, 256], sizes = [32, 128], strides = [1, 1]} : vector<32x384xf32> to vector<32x128xf32>
    %add3A_226 = vector.broadcast %get3A_70 : vector<1x128xf32> to vector<32x128xf32>
    %add3A_227 = arith.addf %slice3A_225, %add3A_226 : vector<32x128xf32>
    %mul3A_228 = arith.mulf %logistic3A_214, %add3A_227 : vector<32x128xf32>
    %add3A_229 = arith.addf %slice3A_224, %mul3A_228 : vector<32x128xf32>
    %tanh3A_230 = math.tanh %add3A_229 : vector<32x128xf32>
    %sub3A_231 = arith.constant 1.000000e+00 : f32
    %sub3A_232 = vector.broadcast %sub3A_231 : f32 to vector<32x128xf32>
    %sub3A_233 = arith.subf %sub3A_232, %logistic3A_223 : vector<32x128xf32>
    %mul3A_234 = arith.mulf %sub3A_233, %tanh3A_230 : vector<32x128xf32>
    %mul3A_235 = arith.mulf %logistic3A_223, %add3A_140 : vector<32x128xf32>
    %add3A_236 = arith.addf %mul3A_234, %mul3A_235 : vector<32x128xf32>
    %get3A_237 = arith.constant 64 : index
    %get3A_238 = arith.constant 0 : index
    %get3A_239 = vector.load %arg5[%get3A_237, %get3A_238] : memref<1600x128xf32, #tpu.memory_space<vmem>>, vector<32x128xf32>
    %mul3A_240 = arith.mulf %add3A_204, %get3A_239 : vector<32x128xf32>
    %reduce_sum3A_241 = arith.constant dense<0.000000e+00> : vector<32xf32>
    %reduce_sum3A_242 = vector.multi_reduction <add>, %mul3A_240, %reduce_sum3A_241 [1] : vector<32x128xf32> to vector<32xf32>
    %broadcast_in_dim3A_243 = vector.shape_cast %reduce_sum3A_242 : vector<32xf32> to vector<32x1xf32>
    %get3A_244 = arith.constant 64 : index
    %get3A_245 = arith.constant 0 : index
    %get3A_246 = vector.load %arg6[%get3A_244, %get3A_245] : memref<1600x1xf32, #tpu.memory_space<vmem>>, vector<32x1xf32>
    %add3A_247 = arith.addf %broadcast_in_dim3A_243, %get3A_246 : vector<32x1xf32>
    %swap3A_248 = arith.constant 64 : index
    %swap3A_249 = arith.constant 0 : index
    %swap3A_250 = vector.load %arg13[%swap3A_248, %swap3A_249] : memref<1600x1xf32, #tpu.memory_space<vmem>>, vector<32x1xf32>
    tpu.vector_store %arg13[%swap3A_248, %swap3A_249], %add3A_247 {strides = array<i32>} : memref<1600x1xf32, #tpu.memory_space<vmem>>, vector<32x1xf32>,
    %get3A_251 = arith.constant 96 : index
    %get3A_252 = arith.constant 0 : index
    %get3A_253 = vector.load %arg5[%get3A_251, %get3A_252] : memref<1600x128xf32, #tpu.memory_space<vmem>>, vector<32x128xf32>
    %mul3A_254 = arith.mulf %add3A_236, %get3A_253 : vector<32x128xf32>
    %reduce_sum3A_255 = arith.constant dense<0.000000e+00> : vector<32xf32>
    %reduce_sum3A_256 = vector.multi_reduction <add>, %mul3A_254, %reduce_sum3A_255 [1] : vector<32x128xf32> to vector<32xf32>
    %broadcast_in_dim3A_257 = vector.shape_cast %reduce_sum3A_256 : vector<32xf32> to vector<32x1xf32>
    %get3A_258 = arith.constant 96 : index
    %get3A_259 = arith.constant 0 : index
    %get3A_260 = vector.load %arg6[%get3A_258, %get3A_259] : memref<1600x1xf32, #tpu.memory_space<vmem>>, vector<32x1xf32>
    %add3A_261 = arith.addf %broadcast_in_dim3A_257, %get3A_260 : vector<32x1xf32>
    %swap3A_262 = arith.constant 96 : index
    %swap3A_263 = arith.constant 0 : index
    %swap3A_264 = vector.load %arg13[%swap3A_262, %swap3A_263] : memref<1600x1xf32, #tpu.memory_space<vmem>>, vector<32x1xf32>
    tpu.vector_store %arg13[%swap3A_262, %swap3A_263], %add3A_261 {strides = array<i32>} : memref<1600x1xf32, #tpu.memory_space<vmem>>, vector<32x1xf32>,
    %dot_general3A_265 = arith.constant dense<0.000000e+00> : vector<32x384xf32>
    %dot_general3A_266 = tpu.matmul %add3A_204, %get3A_67, %dot_general3A_265 {dimension_numbers = #tpu.dot_dimension_numbers<[1], [0], [0], [1], [0, 0, 1, 1], [], []>, transpose_lhs_hint = false} : vector<32x128xf32>, vector<128x384xf32>, vector<32x384xf32> -> vector<32x384xf32>
    %dot_general3A_267 = arith.constant dense<0.000000e+00> : vector<32x384xf32>
    %dot_general3A_268 = tpu.matmul %add3A_236, %get3A_67, %dot_general3A_267 {dimension_numbers = #tpu.dot_dimension_numbers<[1], [0], [0], [1], [0, 0, 1, 1], [], []>, transpose_lhs_hint = false} : vector<32x128xf32>, vector<128x384xf32>, vector<32x384xf32> -> vector<32x384xf32>
    %slice3A_269 = vector.extract_strided_slice %add3A_53 {offsets = [128, 0], sizes = [32, 384], strides = [1, 1]} : vector<1600x384xf32> to vector<32x384xf32>
    %slice3A_270 = vector.extract_strided_slice %slice3A_269 {offsets = [0, 0], sizes = [32, 128], strides = [1, 1]} : vector<32x384xf32> to vector<32x128xf32>
    %slice3A_271 = vector.extract_strided_slice %dot_general3A_266 {offsets = [0, 0], sizes = [32, 128], strides = [1, 1]} : vector<32x384xf32> to vector<32x128xf32>
    %add3A_272 = arith.addf %slice3A_270, %slice3A_271 : vector<32x128xf32>
    %logistic3A_273 = arith.negf %add3A_272 : vector<32x128xf32>
    %logistic3A_274 = math.exp %logistic3A_273 : vector<32x128xf32>
    %logistic3A_275 = arith.constant 1.000000e+00 : f32
    %logistic3A_276 = vector.broadcast %logistic3A_275 : f32 to vector<32x128xf32>
    %logistic3A_277 = arith.addf %logistic3A_276, %logistic3A_274 : vector<32x128xf32>
    %logistic3A_278 = arith.divf %logistic3A_276, %logistic3A_277 : vector<32x128xf32>
    %slice3A_279 = vector.extract_strided_slice %slice3A_269 {offsets = [0, 128], sizes = [32, 128], strides = [1, 1]} : vector<32x384xf32> to vector<32x128xf32>
    %slice3A_280 = vector.extract_strided_slice %dot_general3A_266 {offsets = [0, 128], sizes = [32, 128], strides = [1, 1]} : vector<32x384xf32> to vector<32x128xf32>
    %add3A_281 = arith.addf %slice3A_279, %slice3A_280 : vector<32x128xf32>
    %logistic3A_282 = arith.negf %add3A_281 : vector<32x128xf32>
    %logistic3A_283 = math.exp %logistic3A_282 : vector<32x128xf32>
    %logistic3A_284 = arith.constant 1.000000e+00 : f32
    %logistic3A_285 = vector.broadcast %logistic3A_284 : f32 to vector<32x128xf32>
    %logistic3A_286 = arith.addf %logistic3A_285, %logistic3A_283 : vector<32x128xf32>
    %logistic3A_287 = arith.divf %logistic3A_285, %logistic3A_286 : vector<32x128xf32>
    %slice3A_288 = vector.extract_strided_slice %slice3A_269 {offsets = [0, 256], sizes = [32, 128], strides = [1, 1]} : vector<32x384xf32> to vector<32x128xf32>
    %slice3A_289 = vector.extract_strided_slice %dot_general3A_266 {offsets = [0, 256], sizes = [32, 128], strides = [1, 1]} : vector<32x384xf32> to vector<32x128xf32>
    %add3A_290 = vector.broadcast %get3A_70 : vector<1x128xf32> to vector<32x128xf32>
    %add3A_291 = arith.addf %slice3A_289, %add3A_290 : vector<32x128xf32>
    %mul3A_292 = arith.mulf %logistic3A_278, %add3A_291 : vector<32x128xf32>
    %add3A_293 = arith.addf %slice3A_288, %mul3A_292 : vector<32x128xf32>
    %tanh3A_294 = math.tanh %add3A_293 : vector<32x128xf32>
    %sub3A_295 = arith.constant 1.000000e+00 : f32
    %sub3A_296 = vector.broadcast %sub3A_295 : f32 to vector<32x128xf32>
    %sub3A_297 = arith.subf %sub3A_296, %logistic3A_287 : vector<32x128xf32>
    %mul3A_298 = arith.mulf %sub3A_297, %tanh3A_294 : vector<32x128xf32>
    %mul3A_299 = arith.mulf %logistic3A_287, %add3A_204 : vector<32x128xf32>
    %add3A_300 = arith.addf %mul3A_298, %mul3A_299 : vector<32x128xf32>
    %slice3A_301 = vector.extract_strided_slice %add3A_53 {offsets = [160, 0], sizes = [32, 384], strides = [1, 1]} : vector<1600x384xf32> to vector<32x384xf32>
    %slice3A_302 = vector.extract_strided_slice %slice3A_301 {offsets = [0, 0], sizes = [32, 128], strides = [1, 1]} : vector<32x384xf32> to vector<32x128xf32>
    %slice3A_303 = vector.extract_strided_slice %dot_general3A_268 {offsets = [0, 0], sizes = [32, 128], strides = [1, 1]} : vector<32x384xf32> to vector<32x128xf32>
    %add3A_304 = arith.addf %slice3A_302, %slice3A_303 : vector<32x128xf32>
    %logistic3A_305 = arith.negf %add3A_304 : vector<32x128xf32>
    %logistic3A_306 = math.exp %logistic3A_305 : vector<32x128xf32>
    %logistic3A_307 = arith.constant 1.000000e+00 : f32
    %logistic3A_308 = vector.broadcast %logistic3A_307 : f32 to vector<32x128xf32>
    %logistic3A_309 = arith.addf %logistic3A_308, %logistic3A_306 : vector<32x128xf32>
    %logistic3A_310 = arith.divf %logistic3A_308, %logistic3A_309 : vector<32x128xf32>
    %slice3A_311 = vector.extract_strided_slice %slice3A_301 {offsets = [0, 128], sizes = [32, 128], strides = [1, 1]} : vector<32x384xf32> to vector<32x128xf32>
    %slice3A_312 = vector.extract_strided_slice %dot_general3A_268 {offsets = [0, 128], sizes = [32, 128], strides = [1, 1]} : vector<32x384xf32> to vector<32x128xf32>
    %add3A_313 = arith.addf %slice3A_311, %slice3A_312 : vector<32x128xf32>
    %logistic3A_314 = arith.negf %add3A_313 : vector<32x128xf32>
    %logistic3A_315 = math.exp %logistic3A_314 : vector<32x128xf32>
    %logistic3A_316 = arith.constant 1.000000e+00 : f32
    %logistic3A_317 = vector.broadcast %logistic3A_316 : f32 to vector<32x128xf32>
    %logistic3A_318 = arith.addf %logistic3A_317, %logistic3A_315 : vector<32x128xf32>
    %logistic3A_319 = arith.divf %logistic3A_317, %logistic3A_318 : vector<32x128xf32>
    %slice3A_320 = vector.extract_strided_slice %slice3A_301 {offsets = [0, 256], sizes = [32, 128], strides = [1, 1]} : vector<32x384xf32> to vector<32x128xf32>
    %slice3A_321 = vector.extract_strided_slice %dot_general3A_268 {offsets = [0, 256], sizes = [32, 128], strides = [1, 1]} : vector<32x384xf32> to vector<32x128xf32>
    %add3A_322 = vector.broadcast %get3A_70 : vector<1x128xf32> to vector<32x128xf32>
    %add3A_323 = arith.addf %slice3A_321, %add3A_322 : vector<32x128xf32>
    %mul3A_324 = arith.mulf %logistic3A_310, %add3A_323 : vector<32x128xf32>
    %add3A_325 = arith.addf %slice3A_320, %mul3A_324 : vector<32x128xf32>
    %tanh3A_326 = math.tanh %add3A_325 : vector<32x128xf32>
    %sub3A_327 = arith.constant 1.000000e+00 : f32
    %sub3A_328 = vector.broadcast %sub3A_327 : f32 to vector<32x128xf32>
    %sub3A_329 = arith.subf %sub3A_328, %logistic3A_319 : vector<32x128xf32>
    %mul3A_330 = arith.mulf %sub3A_329, %tanh3A_326 : vector<32x128xf32>
    %mul3A_331 = arith.mulf %logistic3A_319, %add3A_236 : vector<32x128xf32>
    %add3A_332 = arith.addf %mul3A_330, %mul3A_331 : vector<32x128xf32>
    %get3A_333 = arith.constant 128 : index
    %get3A_334 = arith.constant 0 : index
    %get3A_335 = vector.load %arg5[%get3A_333, %get3A_334] : memref<1600x128xf32, #tpu.memory_space<vmem>>, vector<32x128xf32>
    %mul3A_336 = arith.mulf %add3A_300, %get3A_335 : vector<32x128xf32>
    %reduce_sum3A_337 = arith.constant dense<0.000000e+00> : vector<32xf32>
    %reduce_sum3A_338 = vector.multi_reduction <add>, %mul3A_336, %reduce_sum3A_337 [1] : vector<32x128xf32> to vector<32xf32>
    %broadcast_in_dim3A_339 = vector.shape_cast %reduce_sum3A_338 : vector<32xf32> to vector<32x1xf32>
    %get3A_340 = arith.constant 128 : index
    %get3A_341 = arith.constant 0 : index
    %get3A_342 = vector.load %arg6[%get3A_340, %get3A_341] : memref<1600x1xf32, #tpu.memory_space<vmem>>, vector<32x1xf32>
    %add3A_343 = arith.addf %broadcast_in_dim3A_339, %get3A_342 : vector<32x1xf32>
    %swap3A_344 = arith.constant 128 : index
    %swap3A_345 = arith.constant 0 : index
    %swap3A_346 = vector.load %arg13[%swap3A_344, %swap3A_345] : memref<1600x1xf32, #tpu.memory_space<vmem>>, vector<32x1xf32>
    tpu.vector_store %arg13[%swap3A_344, %swap3A_345], %add3A_343 {strides = array<i32>} : memref<1600x1xf32, #tpu.memory_space<vmem>>, vector<32x1xf32>,
    %get3A_347 = arith.constant 160 : index
    %get3A_348 = arith.constant 0 : index
    %get3A_349 = vector.load %arg5[%get3A_347, %get3A_348] : memref<1600x128xf32, #tpu.memory_space<vmem>>, vector<32x128xf32>
    %mul3A_350 = arith.mulf %add3A_332, %get3A_349 : vector<32x128xf32>
    %reduce_sum3A_351 = arith.constant dense<0.000000e+00> : vector<32xf32>
    %reduce_sum3A_352 = vector.multi_reduction <add>, %mul3A_350, %reduce_sum3A_351 [1] : vector<32x128xf32> to vector<32xf32>
    %broadcast_in_dim3A_353 = vector.shape_cast %reduce_sum3A_352 : vector<32xf32> to vector<32x1xf32>
    %get3A_354 = arith.constant 160 : index
    %get3A_355 = arith.constant 0 : index
    %get3A_356 = vector.load %arg6[%get3A_354, %get3A_355] : memref<1600x1xf32, #tpu.memory_space<vmem>>, vector<32x1xf32>
    %add3A_357 = arith.addf %broadcast_in_dim3A_353, %get3A_356 : vector<32x1xf32>
    %swap3A_358 = arith.constant 160 : index
    %swap3A_359 = arith.constant 0 : index
    %swap3A_360 = vector.load %arg13[%swap3A_358, %swap3A_359] : memref<1600x1xf32, #tpu.memory_space<vmem>>, vector<32x1xf32>
    tpu.vector_store %arg13[%swap3A_358, %swap3A_359], %add3A_357 {strides = array<i32>} : memref<1600x1xf32, #tpu.memory_space<vmem>>, vector<32x1xf32>,
    %dot_general3A_361 = arith.constant dense<0.000000e+00> : vector<32x384xf32>
    %dot_general3A_362 = tpu.matmul %add3A_300, %get3A_67, %dot_general3A_361 {dimension_numbers = #tpu.dot_dimension_numbers<[1], [0], [0], [1], [0, 0, 1, 1], [], []>, transpose_lhs_hint = false} : vector<32x128xf32>, vector<128x384xf32>, vector<32x384xf32> -> vector<32x384xf32>
    %dot_general3A_363 = arith.constant dense<0.000000e+00> : vector<32x384xf32>
    %dot_general3A_364 = tpu.matmul %add3A_332, %get3A_67, %dot_general3A_363 {dimension_numbers = #tpu.dot_dimension_numbers<[1], [0], [0], [1], [0, 0, 1, 1], [], []>, transpose_lhs_hint = false} : vector<32x128xf32>, vector<128x384xf32>, vector<32x384xf32> -> vector<32x384xf32>
    %slice3A_365 = vector.extract_strided_slice %add3A_53 {offsets = [192, 0], sizes = [32, 384], strides = [1, 1]} : vector<1600x384xf32> to vector<32x384xf32>
    %slice3A_366 = vector.extract_strided_slice %slice3A_365 {offsets = [0, 0], sizes = [32, 128], strides = [1, 1]} : vector<32x384xf32> to vector<32x128xf32>
    %slice3A_367 = vector.extract_strided_slice %dot_general3A_362 {offsets = [0, 0], sizes = [32, 128], strides = [1, 1]} : vector<32x384xf32> to vector<32x128xf32>
    %add3A_368 = arith.addf %slice3A_366, %slice3A_367 : vector<32x128xf32>
    %logistic3A_369 = arith.negf %add3A_368 : vector<32x128xf32>
    %logistic3A_370 = math.exp %logistic3A_369 : vector<32x128xf32>
    %logistic3A_371 = arith.constant 1.000000e+00 : f32
    %logistic3A_372 = vector.broadcast %logistic3A_371 : f32 to vector<32x128xf32>
    %logistic3A_373 = arith.addf %logistic3A_372, %logistic3A_370 : vector<32x128xf32>
    %logistic3A_374 = arith.divf %logistic3A_372, %logistic3A_373 : vector<32x128xf32>
    %slice3A_375 = vector.extract_strided_slice %slice3A_365 {offsets = [0, 128], sizes = [32, 128], strides = [1, 1]} : vector<32x384xf32> to vector<32x128xf32>
    %slice3A_376 = vector.extract_strided_slice %dot_general3A_362 {offsets = [0, 128], sizes = [32, 128], strides = [1, 1]} : vector<32x384xf32> to vector<32x128xf32>
    %add3A_377 = arith.addf %slice3A_375, %slice3A_376 : vector<32x128xf32>
    %logistic3A_378 = arith.negf %add3A_377 : vector<32x128xf32>
    %logistic3A_379 = math.exp %logistic3A_378 : vector<32x128xf32>
    %logistic3A_380 = arith.constant 1.000000e+00 : f32
    %logistic3A_381 = vector.broadcast %logistic3A_380 : f32 to vector<32x128xf32>
    %logistic3A_382 = arith.addf %logistic3A_381, %logistic3A_379 : vector<32x128xf32>
    %logistic3A_383 = arith.divf %logistic3A_381, %logistic3A_382 : vector<32x128xf32>
    %slice3A_384 = vector.extract_strided_slice %slice3A_365 {offsets = [0, 256], sizes = [32, 128], strides = [1, 1]} : vector<32x384xf32> to vector<32x128xf32>
    %slice3A_385 = vector.extract_strided_slice %dot_general3A_362 {offsets = [0, 256], sizes = [32, 128], strides = [1, 1]} : vector<32x384xf32> to vector<32x128xf32>
    %add3A_386 = vector.broadcast %get3A_70 : vector<1x128xf32> to vector<32x128xf32>
    %add3A_387 = arith.addf %slice3A_385, %add3A_386 : vector<32x128xf32>
    %mul3A_388 = arith.mulf %logistic3A_374, %add3A_387 : vector<32x128xf32>
    %add3A_389 = arith.addf %slice3A_384, %mul3A_388 : vector<32x128xf32>
    %tanh3A_390 = math.tanh %add3A_389 : vector<32x128xf32>
    %sub3A_391 = arith.constant 1.000000e+00 : f32
    %sub3A_392 = vector.broadcast %sub3A_391 : f32 to vector<32x128xf32>
    %sub3A_393 = arith.subf %sub3A_392, %logistic3A_383 : vector<32x128xf32>
    %mul3A_394 = arith.mulf %sub3A_393, %tanh3A_390 : vector<32x128xf32>
    %mul3A_395 = arith.mulf %logistic3A_383, %add3A_300 : vector<32x128xf32>
    %add3A_396 = arith.addf %mul3A_394, %mul3A_395 : vector<32x128xf32>
    %slice3A_397 = vector.extract_strided_slice %add3A_53 {offsets = [224, 0], sizes = [32, 384], strides = [1, 1]} : vector<1600x384xf32> to vector<32x384xf32>
    %slice3A_398 = vector.extract_strided_slice %slice3A_397 {offsets = [0, 0], sizes = [32, 128], strides = [1, 1]} : vector<32x384xf32> to vector<32x128xf32>
    %slice3A_399 = vector.extract_strided_slice %dot_general3A_364 {offsets = [0, 0], sizes = [32, 128], strides = [1, 1]} : vector<32x384xf32> to vector<32x128xf32>
    %add3A_400 = arith.addf %slice3A_398, %slice3A_399 : vector<32x128xf32>
    %logistic3A_401 = arith.negf %add3A_400 : vector<32x128xf32>
    %logistic3A_402 = math.exp %logistic3A_401 : vector<32x128xf32>
    %logistic3A_403 = arith.constant 1.000000e+00 : f32
    %logistic3A_404 = vector.broadcast %logistic3A_403 : f32 to vector<32x128xf32>
    %logistic3A_405 = arith.addf %logistic3A_404, %logistic3A_402 : vector<32x128xf32>
    %logistic3A_406 = arith.divf %logistic3A_404, %logistic3A_405 : vector<32x128xf32>
    %slice3A_407 = vector.extract_strided_slice %slice3A_397 {offsets = [0, 128], sizes = [32, 128], strides = [1, 1]} : vector<32x384xf32> to vector<32x128xf32>
    %slice3A_408 = vector.extract_strided_slice %dot_general3A_364 {offsets = [0, 128], sizes = [32, 128], strides = [1, 1]} : vector<32x384xf32> to vector<32x128xf32>
    %add3A_409 = arith.addf %slice3A_407, %slice3A_408 : vector<32x128xf32>
    %logistic3A_410 = arith.negf %add3A_409 : vector<32x128xf32>
    %logistic3A_411 = math.exp %logistic3A_410 : vector<32x128xf32>
    %logistic3A_412 = arith.constant 1.000000e+00 : f32
    %logistic3A_413 = vector.broadcast %logistic3A_412 : f32 to vector<32x128xf32>
    %logistic3A_414 = arith.addf %logistic3A_413, %logistic3A_411 : vector<32x128xf32>
    %logistic3A_415 = arith.divf %logistic3A_413, %logistic3A_414 : vector<32x128xf32>
    %slice3A_416 = vector.extract_strided_slice %slice3A_397 {offsets = [0, 256], sizes = [32, 128], strides = [1, 1]} : vector<32x384xf32> to vector<32x128xf32>
    %slice3A_417 = vector.extract_strided_slice %dot_general3A_364 {offsets = [0, 256], sizes = [32, 128], strides = [1, 1]} : vector<32x384xf32> to vector<32x128xf32>
    %add3A_418 = vector.broadcast %get3A_70 : vector<1x128xf32> to vector<32x128xf32>
    %add3A_419 = arith.addf %slice3A_417, %add3A_418 : vector<32x128xf32>
    %mul3A_420 = arith.mulf %logistic3A_406, %add3A_419 : vector<32x128xf32>
    %add3A_421 = arith.addf %slice3A_416, %mul3A_420 : vector<32x128xf32>
    %tanh3A_422 = math.tanh %add3A_421 : vector<32x128xf32>
    %sub3A_423 = arith.constant 1.000000e+00 : f32
    %sub3A_424 = vector.broadcast %sub3A_423 : f32 to vector<32x128xf32>
    %sub3A_425 = arith.subf %sub3A_424, %logistic3A_415 : vector<32x128xf32>
    %mul3A_426 = arith.mulf %sub3A_425, %tanh3A_422 : vector<32x128xf32>
    %mul3A_427 = arith.mulf %logistic3A_415, %add3A_332 : vector<32x128xf32>
    %add3A_428 = arith.addf %mul3A_426, %mul3A_427 : vector<32x128xf32>
    %get3A_429 = arith.constant 192 : index
    %get3A_430 = arith.constant 0 : index
    %get3A_431 = vector.load %arg5[%get3A_429, %get3A_430] : memref<1600x128xf32, #tpu.memory_space<vmem>>, vector<32x128xf32>
    %mul3A_432 = arith.mulf %add3A_396, %get3A_431 : vector<32x128xf32>
    %reduce_sum3A_433 = arith.constant dense<0.000000e+00> : vector<32xf32>
    %reduce_sum3A_434 = vector.multi_reduction <add>, %mul3A_432, %reduce_sum3A_433 [1] : vector<32x128xf32> to vector<32xf32>
    %broadcast_in_dim3A_435 = vector.shape_cast %reduce_sum3A_434 : vector<32xf32> to vector<32x1xf32>
    %get3A_436 = arith.constant 192 : index
    %get3A_437 = arith.constant 0 : index
    %get3A_438 = vector.load %arg6[%get3A_436, %get3A_437] : memref<1600x1xf32, #tpu.memory_space<vmem>>, vector<32x1xf32>
    %add3A_439 = arith.addf %broadcast_in_dim3A_435, %get3A_438 : vector<32x1xf32>
    %swap3A_440 = arith.constant 192 : index
    %swap3A_441 = arith.constant 0 : index
    %swap3A_442 = vector.load %arg13[%swap3A_440, %swap3A_441] : memref<1600x1xf32, #tpu.memory_space<vmem>>, vector<32x1xf32>
    tpu.vector_store %arg13[%swap3A_440, %swap3A_441], %add3A_439 {strides = array<i32>} : memref<1600x1xf32, #tpu.memory_space<vmem>>, vector<32x1xf32>,
    %get3A_443 = arith.constant 224 : index
    %get3A_444 = arith.constant 0 : index
    %get3A_445 = vector.load %arg5[%get3A_443, %get3A_444] : memref<1600x128xf32, #tpu.memory_space<vmem>>, vector<32x128xf32>
    %mul3A_446 = arith.mulf %add3A_428, %get3A_445 : vector<32x128xf32>
    %reduce_sum3A_447 = arith.constant dense<0.000000e+00> : vector<32xf32>
    %reduce_sum3A_448 = vector.multi_reduction <add>, %mul3A_446, %reduce_sum3A_447 [1] : vector<32x128xf32> to vector<32xf32>
    %broadcast_in_dim3A_449 = vector.shape_cast %reduce_sum3A_448 : vector<32xf32> to vector<32x1xf32>
    %get3A_450 = arith.constant 224 : index
    %get3A_451 = arith.constant 0 : index
    %get3A_452 = vector.load %arg6[%get3A_450, %get3A_451] : memref<1600x1xf32, #tpu.memory_space<vmem>>, vector<32x1xf32>
    %add3A_453 = arith.addf %broadcast_in_dim3A_449, %get3A_452 : vector<32x1xf32>
    %swap3A_454 = arith.constant 224 : index
    %swap3A_455 = arith.constant 0 : index
    %swap3A_456 = vector.load %arg13[%swap3A_454, %swap3A_455] : memref<1600x1xf32, #tpu.memory_space<vmem>>, vector<32x1xf32>
    tpu.vector_store %arg13[%swap3A_454, %swap3A_455], %add3A_453 {strides = array<i32>} : memref<1600x1xf32, #tpu.memory_space<vmem>>, vector<32x1xf32>,
    %dot_general3A_457 = arith.constant dense<0.000000e+00> : vector<32x384xf32>
    %dot_general3A_458 = tpu.matmul %add3A_396, %get3A_67, %dot_general3A_457 {dimension_numbers = #tpu.dot_dimension_numbers<[1], [0], [0], [1], [0, 0, 1, 1], [], []>, transpose_lhs_hint = false} : vector<32x128xf32>, vector<128x384xf32>, vector<32x384xf32> -> vector<32x384xf32>
    %dot_general3A_459 = arith.constant dense<0.000000e+00> : vector<32x384xf32>
    %dot_general3A_460 = tpu.matmul %add3A_428, %get3A_67, %dot_general3A_459 {dimension_numbers = #tpu.dot_dimension_numbers<[1], [0], [0], [1], [0, 0, 1, 1], [], []>, transpose_lhs_hint = false} : vector<32x128xf32>, vector<128x384xf32>, vector<32x384xf32> -> vector<32x384xf32>
    %slice3A_461 = vector.extract_strided_slice %add3A_53 {offsets = [256, 0], sizes = [32, 384], strides = [1, 1]} : vector<1600x384xf32> to vector<32x384xf32>
    %slice3A_462 = vector.extract_strided_slice %slice3A_461 {offsets = [0, 0], sizes = [32, 128], strides = [1, 1]} : vector<32x384xf32> to vector<32x128xf32>
    %slice3A_463 = vector.extract_strided_slice %dot_general3A_458 {offsets = [0, 0], sizes = [32, 128], strides = [1, 1]} : vector<32x384xf32> to vector<32x128xf32>
    %add3A_464 = arith.addf %slice3A_462, %slice3A_463 : vector<32x128xf32>
    %logistic3A_465 = arith.negf %add3A_464 : vector<32x128xf32>
    %logistic3A_466 = math.exp %logistic3A_465 : vector<32x128xf32>
    %logistic3A_467 = arith.constant 1.000000e+00 : f32
    %logistic3A_468 = vector.broadcast %logistic3A_467 : f32 to vector<32x128xf32>
    %logistic3A_469 = arith.addf %logistic3A_468, %logistic3A_466 : vector<32x128xf32>
    %logistic3A_470 = arith.divf %logistic3A_468, %logistic3A_469 : vector<32x128xf32>
    %slice3A_471 = vector.extract_strided_slice %slice3A_461 {offsets = [0, 128], sizes = [32, 128], strides = [1, 1]} : vector<32x384xf32> to vector<32x128xf32>
    %slice3A_472 = vector.extract_strided_slice %dot_general3A_458 {offsets = [0, 128], sizes = [32, 128], strides = [1, 1]} : vector<32x384xf32> to vector<32x128xf32>
    %add3A_473 = arith.addf %slice3A_471, %slice3A_472 : vector<32x128xf32>
    %logistic3A_474 = arith.negf %add3A_473 : vector<32x128xf32>
    %logistic3A_475 = math.exp %logistic3A_474 : vector<32x128xf32>
    %logistic3A_476 = arith.constant 1.000000e+00 : f32
    %logistic3A_477 = vector.broadcast %logistic3A_476 : f32 to vector<32x128xf32>
    %logistic3A_478 = arith.addf %logistic3A_477, %logistic3A_475 : vector<32x128xf32>
    %logistic3A_479 = arith.divf %logistic3A_477, %logistic3A_478 : vector<32x128xf32>
    %slice3A_480 = vector.extract_strided_slice %slice3A_461 {offsets = [0, 256], sizes = [32, 128], strides = [1, 1]} : vector<32x384xf32> to vector<32x128xf32>
    %slice3A_481 = vector.extract_strided_slice %dot_general3A_458 {offsets = [0, 256], sizes = [32, 128], strides = [1, 1]} : vector<32x384xf32> to vector<32x128xf32>
    %add3A_482 = vector.broadcast %get3A_70 : vector<1x128xf32> to vector<32x128xf32>
    %add3A_483 = arith.addf %slice3A_481, %add3A_482 : vector<32x128xf32>
    %mul3A_484 = arith.mulf %logistic3A_470, %add3A_483 : vector<32x128xf32>
    %add3A_485 = arith.addf %slice3A_480, %mul3A_484 : vector<32x128xf32>
    %tanh3A_486 = math.tanh %add3A_485 : vector<32x128xf32>
    %sub3A_487 = arith.constant 1.000000e+00 : f32
    %sub3A_488 = vector.broadcast %sub3A_487 : f32 to vector<32x128xf32>
    %sub3A_489 = arith.subf %sub3A_488, %logistic3A_479 : vector<32x128xf32>
    %mul3A_490 = arith.mulf %sub3A_489, %tanh3A_486 : vector<32x128xf32>
    %mul3A_491 = arith.mulf %logistic3A_479, %add3A_396 : vector<32x128xf32>
    %add3A_492 = arith.addf %mul3A_490, %mul3A_491 : vector<32x128xf32>
    %slice3A_493 = vector.extract_strided_slice %add3A_53 {offsets = [288, 0], sizes = [32, 384], strides = [1, 1]} : vector<1600x384xf32> to vector<32x384xf32>
    %slice3A_494 = vector.extract_strided_slice %slice3A_493 {offsets = [0, 0], sizes = [32, 128], strides = [1, 1]} : vector<32x384xf32> to vector<32x128xf32>
    %slice3A_495 = vector.extract_strided_slice %dot_general3A_460 {offsets = [0, 0], sizes = [32, 128], strides = [1, 1]} : vector<32x384xf32> to vector<32x128xf32>
    %add3A_496 = arith.addf %slice3A_494, %slice3A_495 : vector<32x128xf32>
    %logistic3A_497 = arith.negf %add3A_496 : vector<32x128xf32>
    %logistic3A_498 = math.exp %logistic3A_497 : vector<32x128xf32>
    %logistic3A_499 = arith.constant 1.000000e+00 : f32
    %logistic3A_500 = vector.broadcast %logistic3A_499 : f32 to vector<32x128xf32>
    %logistic3A_501 = arith.addf %logistic3A_500, %logistic3A_498 : vector<32x128xf32>
    %logistic3A_502 = arith.divf %logistic3A_500, %logistic3A_501 : vector<32x128xf32>
    %slice3A_503 = vector.extract_strided_slice %slice3A_493 {offsets = [0, 128], sizes = [32, 128], strides = [1, 1]} : vector<32x384xf32> to vector<32x128xf32>
    %slice3A_504 = vector.extract_strided_slice %dot_general3A_460 {offsets = [0, 128], sizes = [32, 128], strides = [1, 1]} : vector<32x384xf32> to vector<32x128xf32>
    %add3A_505 = arith.addf %slice3A_503, %slice3A_504 : vector<32x128xf32>
    %logistic3A_506 = arith.negf %add3A_505 : vector<32x128xf32>
    %logistic3A_507 = math.exp %logistic3A_506 : vector<32x128xf32>
    %logistic3A_508 = arith.constant 1.000000e+00 : f32
    %logistic3A_509 = vector.broadcast %logistic3A_508 : f32 to vector<32x128xf32>
    %logistic3A_510 = arith.addf %logistic3A_509, %logistic3A_507 : vector<32x128xf32>
    %logistic3A_511 = arith.divf %logistic3A_509, %logistic3A_510 : vector<32x128xf32>
    %slice3A_512 = vector.extract_strided_slice %slice3A_493 {offsets = [0, 256], sizes = [32, 128], strides = [1, 1]} : vector<32x384xf32> to vector<32x128xf32>
    %slice3A_513 = vector.extract_strided_slice %dot_general3A_460 {offsets = [0, 256], sizes = [32, 128], strides = [1, 1]} : vector<32x384xf32> to vector<32x128xf32>
    %add3A_514 = vector.broadcast %get3A_70 : vector<1x128xf32> to vector<32x128xf32>
    %add3A_515 = arith.addf %slice3A_513, %add3A_514 : vector<32x128xf32>
    %mul3A_516 = arith.mulf %logistic3A_502, %add3A_515 : vector<32x128xf32>
    %add3A_517 = arith.addf %slice3A_512, %mul3A_516 : vector<32x128xf32>
    %tanh3A_518 = math.tanh %add3A_517 : vector<32x128xf32>
    %sub3A_519 = arith.constant 1.000000e+00 : f32
    %sub3A_520 = vector.broadcast %sub3A_519 : f32 to vector<32x128xf32>
    %sub3A_521 = arith.subf %sub3A_520, %logistic3A_511 : vector<32x128xf32>
    %mul3A_522 = arith.mulf %sub3A_521, %tanh3A_518 : vector<32x128xf32>
    %mul3A_523 = arith.mulf %logistic3A_511, %add3A_428 : vector<32x128xf32>
    %add3A_524 = arith.addf %mul3A_522, %mul3A_523 : vector<32x128xf32>
    %get3A_525 = arith.constant 256 : index
    %get3A_526 = arith.constant 0 : index
    %get3A_527 = vector.load %arg5[%get3A_525, %get3A_526] : memref<1600x128xf32, #tpu.memory_space<vmem>>, vector<32x128xf32>
    %mul3A_528 = arith.mulf %add3A_492, %get3A_527 : vector<32x128xf32>
    %reduce_sum3A_529 = arith.constant dense<0.000000e+00> : vector<32xf32>
    %reduce_sum3A_530 = vector.multi_reduction <add>, %mul3A_528, %reduce_sum3A_529 [1] : vector<32x128xf32> to vector<32xf32>
    %broadcast_in_dim3A_531 = vector.shape_cast %reduce_sum3A_530 : vector<32xf32> to vector<32x1xf32>
    %get3A_532 = arith.constant 256 : index
    %get3A_533 = arith.constant 0 : index
    %get3A_534 = vector.load %arg6[%get3A_532, %get3A_533] : memref<1600x1xf32, #tpu.memory_space<vmem>>, vector<32x1xf32>
    %add3A_535 = arith.addf %broadcast_in_dim3A_531, %get3A_534 : vector<32x1xf32>
    %swap3A_536 = arith.constant 256 : index
    %swap3A_537 = arith.constant 0 : index
    %swap3A_538 = vector.load %arg13[%swap3A_536, %swap3A_537] : memref<1600x1xf32, #tpu.memory_space<vmem>>, vector<32x1xf32>
    tpu.vector_store %arg13[%swap3A_536, %swap3A_537], %add3A_535 {strides = array<i32>} : memref<1600x1xf32, #tpu.memory_space<vmem>>, vector<32x1xf32>,
    %get3A_539 = arith.constant 288 : index
    %get3A_540 = arith.constant 0 : index
    %get3A_541 = vector.load %arg5[%get3A_539, %get3A_540] : memref<1600x128xf32, #tpu.memory_space<vmem>>, vector<32x128xf32>
    %mul3A_542 = arith.mulf %add3A_524, %get3A_541 : vector<32x128xf32>
    %reduce_sum3A_543 = arith.constant dense<0.000000e+00> : vector<32xf32>
    %reduce_sum3A_544 = vector.multi_reduction <add>, %mul3A_542, %reduce_sum3A_543 [1] : vector<32x128xf32> to vector<32xf32>
    %broadcast_in_dim3A_545 = vector.shape_cast %reduce_sum3A_544 : vector<32xf32> to vector<32x1xf32>
    %get3A_546 = arith.constant 288 : index
    %get3A_547 = arith.constant 0 : index
    %get3A_548 = vector.load %arg6[%get3A_546, %get3A_547] : memref<1600x1xf32, #tpu.memory_space<vmem>>, vector<32x1xf32>
    %add3A_549 = arith.addf %broadcast_in_dim3A_545, %get3A_548 : vector<32x1xf32>
    %swap3A_550 = arith.constant 288 : index
    %swap3A_551 = arith.constant 0 : index
    %swap3A_552 = vector.load %arg13[%swap3A_550, %swap3A_551] : memref<1600x1xf32, #tpu.memory_space<vmem>>, vector<32x1xf32>
    tpu.vector_store %arg13[%swap3A_550, %swap3A_551], %add3A_549 {strides = array<i32>} : memref<1600x1xf32, #tpu.memory_space<vmem>>, vector<32x1xf32>,
    %dot_general3A_553 = arith.constant dense<0.000000e+00> : vector<32x384xf32>
    %dot_general3A_554 = tpu.matmul %add3A_492, %get3A_67, %dot_general3A_553 {dimension_numbers = #tpu.dot_dimension_numbers<[1], [0], [0], [1], [0, 0, 1, 1], [], []>, transpose_lhs_hint = false} : vector<32x128xf32>, vector<128x384xf32>, vector<32x384xf32> -> vector<32x384xf32>
    %dot_general3A_555 = arith.constant dense<0.000000e+00> : vector<32x384xf32>
    %dot_general3A_556 = tpu.matmul %add3A_524, %get3A_67, %dot_general3A_555 {dimension_numbers = #tpu.dot_dimension_numbers<[1], [0], [0], [1], [0, 0, 1, 1], [], []>, transpose_lhs_hint = false} : vector<32x128xf32>, vector<128x384xf32>, vector<32x384xf32> -> vector<32x384xf32>
    %slice3A_557 = vector.extract_strided_slice %add3A_53 {offsets = [320, 0], sizes = [32, 384], strides = [1, 1]} : vector<1600x384xf32> to vector<32x384xf32>
    %slice3A_558 = vector.extract_strided_slice %slice3A_557 {offsets = [0, 0], sizes = [32, 128], strides = [1, 1]} : vector<32x384xf32> to vector<32x128xf32>
    %slice3A_559 = vector.extract_strided_slice %dot_general3A_554 {offsets = [0, 0], sizes = [32, 128], strides = [1, 1]} : vector<32x384xf32> to vector<32x128xf32>
    %add3A_560 = arith.addf %slice3A_558, %slice3A_559 : vector<32x128xf32>
    %logistic3A_561 = arith.negf %add3A_560 : vector<32x128xf32>
    %logistic3A_562 = math.exp %logistic3A_561 : vector<32x128xf32>
    %logistic3A_563 = arith.constant 1.000000e+00 : f32
    %logistic3A_564 = vector.broadcast %logistic3A_563 : f32 to vector<32x128xf32>
    %logistic3A_565 = arith.addf %logistic3A_564, %logistic3A_562 : vector<32x128xf32>
    %logistic3A_566 = arith.divf %logistic3A_564, %logistic3A_565 : vector<32x128xf32>
    %slice3A_567 = vector.extract_strided_slice %slice3A_557 {offsets = [0, 128], sizes = [32, 128], strides = [1, 1]} : vector<32x384xf32> to vector<32x128xf32>
    %slice3A_568 = vector.extract_strided_slice %dot_general3A_554 {offsets = [0, 128], sizes = [32, 128], strides = [1, 1]} : vector<32x384xf32> to vector<32x128xf32>
    %add3A_569 = arith.addf %slice3A_567, %slice3A_568 : vector<32x128xf32>
    %logistic3A_570 = arith.negf %add3A_569 : vector<32x128xf32>
    %logistic3A_571 = math.exp %logistic3A_570 : vector<32x128xf32>
    %logistic3A_572 = arith.constant 1.000000e+00 : f32
    %logistic3A_573 = vector.broadcast %logistic3A_572 : f32 to vector<32x128xf32>
    %logistic3A_574 = arith.addf %logistic3A_573, %logistic3A_571 : vector<32x128xf32>
    %logistic3A_575 = arith.divf %logistic3A_573, %logistic3A_574 : vector<32x128xf32>
    %slice3A_576 = vector.extract_strided_slice %slice3A_557 {offsets = [0, 256], sizes = [32, 128], strides = [1, 1]} : vector<32x384xf32> to vector<32x128xf32>
    %slice3A_577 = vector.extract_strided_slice %dot_general3A_554 {offsets = [0, 256], sizes = [32, 128], strides = [1, 1]} : vector<32x384xf32> to vector<32x128xf32>
    %add3A_578 = vector.broadcast %get3A_70 : vector<1x128xf32> to vector<32x128xf32>
    %add3A_579 = arith.addf %slice3A_577, %add3A_578 : vector<32x128xf32>
    %mul3A_580 = arith.mulf %logistic3A_566, %add3A_579 : vector<32x128xf32>
    %add3A_581 = arith.addf %slice3A_576, %mul3A_580 : vector<32x128xf32>
    %tanh3A_582 = math.tanh %add3A_581 : vector<32x128xf32>
    %sub3A_583 = arith.constant 1.000000e+00 : f32
    %sub3A_584 = vector.broadcast %sub3A_583 : f32 to vector<32x128xf32>
    %sub3A_585 = arith.subf %sub3A_584, %logistic3A_575 : vector<32x128xf32>
    %mul3A_586 = arith.mulf %sub3A_585, %tanh3A_582 : vector<32x128xf32>
    %mul3A_587 = arith.mulf %logistic3A_575, %add3A_492 : vector<32x128xf32>
    %add3A_588 = arith.addf %mul3A_586, %mul3A_587 : vector<32x128xf32>
    %slice3A_589 = vector.extract_strided_slice %add3A_53 {offsets = [352, 0], sizes = [32, 384], strides = [1, 1]} : vector<1600x384xf32> to vector<32x384xf32>
    %slice3A_590 = vector.extract_strided_slice %slice3A_589 {offsets = [0, 0], sizes = [32, 128], strides = [1, 1]} : vector<32x384xf32> to vector<32x128xf32>
    %slice3A_591 = vector.extract_strided_slice %dot_general3A_556 {offsets = [0, 0], sizes = [32, 128], strides = [1, 1]} : vector<32x384xf32> to vector<32x128xf32>
    %add3A_592 = arith.addf %slice3A_590, %slice3A_591 : vector<32x128xf32>
    %logistic3A_593 = arith.negf %add3A_592 : vector<32x128xf32>
    %logistic3A_594 = math.exp %logistic3A_593 : vector<32x128xf32>
    %logistic3A_595 = arith.constant 1.000000e+00 : f32
    %logistic3A_596 = vector.broadcast %logistic3A_595 : f32 to vector<32x128xf32>
    %logistic3A_597 = arith.addf %logistic3A_596, %logistic3A_594 : vector<32x128xf32>
    %logistic3A_598 = arith.divf %logistic3A_596, %logistic3A_597 : vector<32x128xf32>
    %slice3A_599 = vector.extract_strided_slice %slice3A_589 {offsets = [0, 128], sizes = [32, 128], strides = [1, 1]} : vector<32x384xf32> to vector<32x128xf32>
    %slice3A_600 = vector.extract_strided_slice %dot_general3A_556 {offsets = [0, 128], sizes = [32, 128], strides = [1, 1]} : vector<32x384xf32> to vector<32x128xf32>
    %add3A_601 = arith.addf %slice3A_599, %slice3A_600 : vector<32x128xf32>
    %logistic3A_602 = arith.negf %add3A_601 : vector<32x128xf32>
    %logistic3A_603 = math.exp %logistic3A_602 : vector<32x128xf32>
    %logistic3A_604 = arith.constant 1.000000e+00 : f32
    %logistic3A_605 = vector.broadcast %logistic3A_604 : f32 to vector<32x128xf32>
    %logistic3A_606 = arith.addf %logistic3A_605, %logistic3A_603 : vector<32x128xf32>
    %logistic3A_607 = arith.divf %logistic3A_605, %logistic3A_606 : vector<32x128xf32>
    %slice3A_608 = vector.extract_strided_slice %slice3A_589 {offsets = [0, 256], sizes = [32, 128], strides = [1, 1]} : vector<32x384xf32> to vector<32x128xf32>
    %slice3A_609 = vector.extract_strided_slice %dot_general3A_556 {offsets = [0, 256], sizes = [32, 128], strides = [1, 1]} : vector<32x384xf32> to vector<32x128xf32>
    %add3A_610 = vector.broadcast %get3A_70 : vector<1x128xf32> to vector<32x128xf32>
    %add3A_611 = arith.addf %slice3A_609, %add3A_610 : vector<32x128xf32>
    %mul3A_612 = arith.mulf %logistic3A_598, %add3A_611 : vector<32x128xf32>
    %add3A_613 = arith.addf %slice3A_608, %mul3A_612 : vector<32x128xf32>
    %tanh3A_614 = math.tanh %add3A_613 : vector<32x128xf32>
    %sub3A_615 = arith.constant 1.000000e+00 : f32
    %sub3A_616 = vector.broadcast %sub3A_615 : f32 to vector<32x128xf32>
    %sub3A_617 = arith.subf %sub3A_616, %logistic3A_607 : vector<32x128xf32>
    %mul3A_618 = arith.mulf %sub3A_617, %tanh3A_614 : vector<32x128xf32>
    %mul3A_619 = arith.mulf %logistic3A_607, %add3A_524 : vector<32x128xf32>
    %add3A_620 = arith.addf %mul3A_618, %mul3A_619 : vector<32x128xf32>
    %get3A_621 = arith.constant 320 : index
    %get3A_622 = arith.constant 0 : index
    %get3A_623 = vector.load %arg5[%get3A_621, %get3A_622] : memref<1600x128xf32, #tpu.memory_space<vmem>>, vector<32x128xf32>
    %mul3A_624 = arith.mulf %add3A_588, %get3A_623 : vector<32x128xf32>
    %reduce_sum3A_625 = arith.constant dense<0.000000e+00> : vector<32xf32>
    %reduce_sum3A_626 = vector.multi_reduction <add>, %mul3A_624, %reduce_sum3A_625 [1] : vector<32x128xf32> to vector<32xf32>
    %broadcast_in_dim3A_627 = vector.shape_cast %reduce_sum3A_626 : vector<32xf32> to vector<32x1xf32>
    %get3A_628 = arith.constant 320 : index
    %get3A_629 = arith.constant 0 : index
    %get3A_630 = vector.load %arg6[%get3A_628, %get3A_629] : memref<1600x1xf32, #tpu.memory_space<vmem>>, vector<32x1xf32>
    %add3A_631 = arith.addf %broadcast_in_dim3A_627, %get3A_630 : vector<32x1xf32>
    %swap3A_632 = arith.constant 320 : index
    %swap3A_633 = arith.constant 0 : index
    %swap3A_634 = vector.load %arg13[%swap3A_632, %swap3A_633] : memref<1600x1xf32, #tpu.memory_space<vmem>>, vector<32x1xf32>
    tpu.vector_store %arg13[%swap3A_632, %swap3A_633], %add3A_631 {strides = array<i32>} : memref<1600x1xf32, #tpu.memory_space<vmem>>, vector<32x1xf32>,
    %get3A_635 = arith.constant 352 : index
    %get3A_636 = arith.constant 0 : index
    %get3A_637 = vector.load %arg5[%get3A_635, %get3A_636] : memref<1600x128xf32, #tpu.memory_space<vmem>>, vector<32x128xf32>
    %mul3A_638 = arith.mulf %add3A_620, %get3A_637 : vector<32x128xf32>
    %reduce_sum3A_639 = arith.constant dense<0.000000e+00> : vector<32xf32>
    %reduce_sum3A_640 = vector.multi_reduction <add>, %mul3A_638, %reduce_sum3A_639 [1] : vector<32x128xf32> to vector<32xf32>
    %broadcast_in_dim3A_641 = vector.shape_cast %reduce_sum3A_640 : vector<32xf32> to vector<32x1xf32>
    %get3A_642 = arith.constant 352 : index
    %get3A_643 = arith.constant 0 : index
    %get3A_644 = vector.load %arg6[%get3A_642, %get3A_643] : memref<1600x1xf32, #tpu.memory_space<vmem>>, vector<32x1xf32>
    %add3A_645 = arith.addf %broadcast_in_dim3A_641, %get3A_644 : vector<32x1xf32>
    %swap3A_646 = arith.constant 352 : index
    %swap3A_647 = arith.constant 0 : index
    %swap3A_648 = vector.load %arg13[%swap3A_646, %swap3A_647] : memref<1600x1xf32, #tpu.memory_space<vmem>>, vector<32x1xf32>
    tpu.vector_store %arg13[%swap3A_646, %swap3A_647], %add3A_645 {strides = array<i32>} : memref<1600x1xf32, #tpu.memory_space<vmem>>, vector<32x1xf32>,
    %dot_general3A_649 = arith.constant dense<0.000000e+00> : vector<32x384xf32>
    %dot_general3A_650 = tpu.matmul %add3A_588, %get3A_67, %dot_general3A_649 {dimension_numbers = #tpu.dot_dimension_numbers<[1], [0], [0], [1], [0, 0, 1, 1], [], []>, transpose_lhs_hint = false} : vector<32x128xf32>, vector<128x384xf32>, vector<32x384xf32> -> vector<32x384xf32>
    %dot_general3A_651 = arith.constant dense<0.000000e+00> : vector<32x384xf32>
    %dot_general3A_652 = tpu.matmul %add3A_620, %get3A_67, %dot_general3A_651 {dimension_numbers = #tpu.dot_dimension_numbers<[1], [0], [0], [1], [0, 0, 1, 1], [], []>, transpose_lhs_hint = false} : vector<32x128xf32>, vector<128x384xf32>, vector<32x384xf32> -> vector<32x384xf32>
    %slice3A_653 = vector.extract_strided_slice %add3A_53 {offsets = [384, 0], sizes = [32, 384], strides = [1, 1]} : vector<1600x384xf32> to vector<32x384xf32>
    %slice3A_654 = vector.extract_strided_slice %slice3A_653 {offsets = [0, 0], sizes = [32, 128], strides = [1, 1]} : vector<32x384xf32> to vector<32x128xf32>
    %slice3A_655 = vector.extract_strided_slice %dot_general3A_650 {offsets = [0, 0], sizes = [32, 128], strides = [1, 1]} : vector<32x384xf32> to vector<32x128xf32>
    %add3A_656 = arith.addf %slice3A_654, %slice3A_655 : vector<32x128xf32>
    %logistic3A_657 = arith.negf %add3A_656 : vector<32x128xf32>
    %logistic3A_658 = math.exp %logistic3A_657 : vector<32x128xf32>
    %logistic3A_659 = arith.constant 1.000000e+00 : f32
    %logistic3A_660 = vector.broadcast %logistic3A_659 : f32 to vector<32x128xf32>
    %logistic3A_661 = arith.addf %logistic3A_660, %logistic3A_658 : vector<32x128xf32>
    %logistic3A_662 = arith.divf %logistic3A_660, %logistic3A_661 : vector<32x128xf32>
    %slice3A_663 = vector.extract_strided_slice %slice3A_653 {offsets = [0, 128], sizes = [32, 128], strides = [1, 1]} : vector<32x384xf32> to vector<32x128xf32>
    %slice3A_664 = vector.extract_strided_slice %dot_general3A_650 {offsets = [0, 128], sizes = [32, 128], strides = [1, 1]} : vector<32x384xf32> to vector<32x128xf32>
    %add3A_665 = arith.addf %slice3A_663, %slice3A_664 : vector<32x128xf32>
    %logistic3A_666 = arith.negf %add3A_665 : vector<32x128xf32>
    %logistic3A_667 = math.exp %logistic3A_666 : vector<32x128xf32>
    %logistic3A_668 = arith.constant 1.000000e+00 : f32
    %logistic3A_669 = vector.broadcast %logistic3A_668 : f32 to vector<32x128xf32>
    %logistic3A_670 = arith.addf %logistic3A_669, %logistic3A_667 : vector<32x128xf32>
    %logistic3A_671 = arith.divf %logistic3A_669, %logistic3A_670 : vector<32x128xf32>
    %slice3A_672 = vector.extract_strided_slice %slice3A_653 {offsets = [0, 256], sizes = [32, 128], strides = [1, 1]} : vector<32x384xf32> to vector<32x128xf32>
    %slice3A_673 = vector.extract_strided_slice %dot_general3A_650 {offsets = [0, 256], sizes = [32, 128], strides = [1, 1]} : vector<32x384xf32> to vector<32x128xf32>
    %add3A_674 = vector.broadcast %get3A_70 : vector<1x128xf32> to vector<32x128xf32>
    %add3A_675 = arith.addf %slice3A_673, %add3A_674 : vector<32x128xf32>
    %mul3A_676 = arith.mulf %logistic3A_662, %add3A_675 : vector<32x128xf32>
    %add3A_677 = arith.addf %slice3A_672, %mul3A_676 : vector<32x128xf32>
    %tanh3A_678 = math.tanh %add3A_677 : vector<32x128xf32>
    %sub3A_679 = arith.constant 1.000000e+00 : f32
    %sub3A_680 = vector.broadcast %sub3A_679 : f32 to vector<32x128xf32>
    %sub3A_681 = arith.subf %sub3A_680, %logistic3A_671 : vector<32x128xf32>
    %mul3A_682 = arith.mulf %sub3A_681, %tanh3A_678 : vector<32x128xf32>
    %mul3A_683 = arith.mulf %logistic3A_671, %add3A_588 : vector<32x128xf32>
    %add3A_684 = arith.addf %mul3A_682, %mul3A_683 : vector<32x128xf32>
    %slice3A_685 = vector.extract_strided_slice %add3A_53 {offsets = [416, 0], sizes = [32, 384], strides = [1, 1]} : vector<1600x384xf32> to vector<32x384xf32>
    %slice3A_686 = vector.extract_strided_slice %slice3A_685 {offsets = [0, 0], sizes = [32, 128], strides = [1, 1]} : vector<32x384xf32> to vector<32x128xf32>
    %slice3A_687 = vector.extract_strided_slice %dot_general3A_652 {offsets = [0, 0], sizes = [32, 128], strides = [1, 1]} : vector<32x384xf32> to vector<32x128xf32>
    %add3A_688 = arith.addf %slice3A_686, %slice3A_687 : vector<32x128xf32>
    %logistic3A_689 = arith.negf %add3A_688 : vector<32x128xf32>
    %logistic3A_690 = math.exp %logistic3A_689 : vector<32x128xf32>
    %logistic3A_691 = arith.constant 1.000000e+00 : f32
    %logistic3A_692 = vector.broadcast %logistic3A_691 : f32 to vector<32x128xf32>
    %logistic3A_693 = arith.addf %logistic3A_692, %logistic3A_690 : vector<32x128xf32>
    %logistic3A_694 = arith.divf %logistic3A_692, %logistic3A_693 : vector<32x128xf32>
    %slice3A_695 = vector.extract_strided_slice %slice3A_685 {offsets = [0, 128], sizes = [32, 128], strides = [1, 1]} : vector<32x384xf32> to vector<32x128xf32>
    %slice3A_696 = vector.extract_strided_slice %dot_general3A_652 {offsets = [0, 128], sizes = [32, 128], strides = [1, 1]} : vector<32x384xf32> to vector<32x128xf32>
    %add3A_697 = arith.addf %slice3A_695, %slice3A_696 : vector<32x128xf32>
    %logistic3A_698 = arith.negf %add3A_697 : vector<32x128xf32>
    %logistic3A_699 = math.exp %logistic3A_698 : vector<32x128xf32>
    %logistic3A_700 = arith.constant 1.000000e+00 : f32
    %logistic3A_701 = vector.broadcast %logistic3A_700 : f32 to vector<32x128xf32>
    %logistic3A_702 = arith.addf %logistic3A_701, %logistic3A_699 : vector<32x128xf32>
    %logistic3A_703 = arith.divf %logistic3A_701, %logistic3A_702 : vector<32x128xf32>
    %slice3A_704 = vector.extract_strided_slice %slice3A_685 {offsets = [0, 256], sizes = [32, 128], strides = [1, 1]} : vector<32x384xf32> to vector<32x128xf32>
    %slice3A_705 = vector.extract_strided_slice %dot_general3A_652 {offsets = [0, 256], sizes = [32, 128], strides = [1, 1]} : vector<32x384xf32> to vector<32x128xf32>
    %add3A_706 = vector.broadcast %get3A_70 : vector<1x128xf32> to vector<32x128xf32>
    %add3A_707 = arith.addf %slice3A_705, %add3A_706 : vector<32x128xf32>
    %mul3A_708 = arith.mulf %logistic3A_694, %add3A_707 : vector<32x128xf32>
    %add3A_709 = arith.addf %slice3A_704, %mul3A_708 : vector<32x128xf32>
    %tanh3A_710 = math.tanh %add3A_709 : vector<32x128xf32>
    %sub3A_711 = arith.constant 1.000000e+00 : f32
    %sub3A_712 = vector.broadcast %sub3A_711 : f32 to vector<32x128xf32>
    %sub3A_713 = arith.subf %sub3A_712, %logistic3A_703 : vector<32x128xf32>
    %mul3A_714 = arith.mulf %sub3A_713, %tanh3A_710 : vector<32x128xf32>
    %mul3A_715 = arith.mulf %logistic3A_703, %add3A_620 : vector<32x128xf32>
    %add3A_716 = arith.addf %mul3A_714, %mul3A_715 : vector<32x128xf32>
    %get3A_717 = arith.constant 384 : index
    %get3A_718 = arith.constant 0 : index
    %get3A_719 = vector.load %arg5[%get3A_717, %get3A_718] : memref<1600x128xf32, #tpu.memory_space<vmem>>, vector<32x128xf32>
    %mul3A_720 = arith.mulf %add3A_684, %get3A_719 : vector<32x128xf32>
    %reduce_sum3A_721 = arith.constant dense<0.000000e+00> : vector<32xf32>
    %reduce_sum3A_722 = vector.multi_reduction <add>, %mul3A_720, %reduce_sum3A_721 [1] : vector<32x128xf32> to vector<32xf32>
    %broadcast_in_dim3A_723 = vector.shape_cast %reduce_sum3A_722 : vector<32xf32> to vector<32x1xf32>
    %get3A_724 = arith.constant 384 : index
    %get3A_725 = arith.constant 0 : index
    %get3A_726 = vector.load %arg6[%get3A_724, %get3A_725] : memref<1600x1xf32, #tpu.memory_space<vmem>>, vector<32x1xf32>
    %add3A_727 = arith.addf %broadcast_in_dim3A_723, %get3A_726 : vector<32x1xf32>
    %swap3A_728 = arith.constant 384 : index
    %swap3A_729 = arith.constant 0 : index
    %swap3A_730 = vector.load %arg13[%swap3A_728, %swap3A_729] : memref<1600x1xf32, #tpu.memory_space<vmem>>, vector<32x1xf32>
    tpu.vector_store %arg13[%swap3A_728, %swap3A_729], %add3A_727 {strides = array<i32>} : memref<1600x1xf32, #tpu.memory_space<vmem>>, vector<32x1xf32>,
    %get3A_731 = arith.constant 416 : index
    %get3A_732 = arith.constant 0 : index
    %get3A_733 = vector.load %arg5[%get3A_731, %get3A_732] : memref<1600x128xf32, #tpu.memory_space<vmem>>, vector<32x128xf32>
    %mul3A_734 = arith.mulf %add3A_716, %get3A_733 : vector<32x128xf32>
    %reduce_sum3A_735 = arith.constant dense<0.000000e+00> : vector<32xf32>
    %reduce_sum3A_736 = vector.multi_reduction <add>, %mul3A_734, %reduce_sum3A_735 [1] : vector<32x128xf32> to vector<32xf32>
    %broadcast_in_dim3A_737 = vector.shape_cast %reduce_sum3A_736 : vector<32xf32> to vector<32x1xf32>
    %get3A_738 = arith.constant 416 : index
    %get3A_739 = arith.constant 0 : index
    %get3A_740 = vector.load %arg6[%get3A_738, %get3A_739] : memref<1600x1xf32, #tpu.memory_space<vmem>>, vector<32x1xf32>
    %add3A_741 = arith.addf %broadcast_in_dim3A_737, %get3A_740 : vector<32x1xf32>
    %swap3A_742 = arith.constant 416 : index
    %swap3A_743 = arith.constant 0 : index
    %swap3A_744 = vector.load %arg13[%swap3A_742, %swap3A_743] : memref<1600x1xf32, #tpu.memory_space<vmem>>, vector<32x1xf32>
    tpu.vector_store %arg13[%swap3A_742, %swap3A_743], %add3A_741 {strides = array<i32>} : memref<1600x1xf32, #tpu.memory_space<vmem>>, vector<32x1xf32>,
    %dot_general3A_745 = arith.constant dense<0.000000e+00> : vector<32x384xf32>
    %dot_general3A_746 = tpu.matmul %add3A_684, %get3A_67, %dot_general3A_745 {dimension_numbers = #tpu.dot_dimension_numbers<[1], [0], [0], [1], [0, 0, 1, 1], [], []>, transpose_lhs_hint = false} : vector<32x128xf32>, vector<128x384xf32>, vector<32x384xf32> -> vector<32x384xf32>
    %dot_general3A_747 = arith.constant dense<0.000000e+00> : vector<32x384xf32>
    %dot_general3A_748 = tpu.matmul %add3A_716, %get3A_67, %dot_general3A_747 {dimension_numbers = #tpu.dot_dimension_numbers<[1], [0], [0], [1], [0, 0, 1, 1], [], []>, transpose_lhs_hint = false} : vector<32x128xf32>, vector<128x384xf32>, vector<32x384xf32> -> vector<32x384xf32>
    %slice3A_749 = vector.extract_strided_slice %add3A_53 {offsets = [448, 0], sizes = [32, 384], strides = [1, 1]} : vector<1600x384xf32> to vector<32x384xf32>
    %slice3A_750 = vector.extract_strided_slice %slice3A_749 {offsets = [0, 0], sizes = [32, 128], strides = [1, 1]} : vector<32x384xf32> to vector<32x128xf32>
    %slice3A_751 = vector.extract_strided_slice %dot_general3A_746 {offsets = [0, 0], sizes = [32, 128], strides = [1, 1]} : vector<32x384xf32> to vector<32x128xf32>
    %add3A_752 = arith.addf %slice3A_750, %slice3A_751 : vector<32x128xf32>
    %logistic3A_753 = arith.negf %add3A_752 : vector<32x128xf32>
    %logistic3A_754 = math.exp %logistic3A_753 : vector<32x128xf32>
    %logistic3A_755 = arith.constant 1.000000e+00 : f32
    %logistic3A_756 = vector.broadcast %logistic3A_755 : f32 to vector<32x128xf32>
    %logistic3A_757 = arith.addf %logistic3A_756, %logistic3A_754 : vector<32x128xf32>
    %logistic3A_758 = arith.divf %logistic3A_756, %logistic3A_757 : vector<32x128xf32>
    %slice3A_759 = vector.extract_strided_slice %slice3A_749 {offsets = [0, 128], sizes = [32, 128], strides = [1, 1]} : vector<32x384xf32> to vector<32x128xf32>
    %slice3A_760 = vector.extract_strided_slice %dot_general3A_746 {offsets = [0, 128], sizes = [32, 128], strides = [1, 1]} : vector<32x384xf32> to vector<32x128xf32>
    %add3A_761 = arith.addf %slice3A_759, %slice3A_760 : vector<32x128xf32>
    %logistic3A_762 = arith.negf %add3A_761 : vector<32x128xf32>
    %logistic3A_763 = math.exp %logistic3A_762 : vector<32x128xf32>
    %logistic3A_764 = arith.constant 1.000000e+00 : f32
    %logistic3A_765 = vector.broadcast %logistic3A_764 : f32 to vector<32x128xf32>
    %logistic3A_766 = arith.addf %logistic3A_765, %logistic3A_763 : vector<32x128xf32>
    %logistic3A_767 = arith.divf %logistic3A_765, %logistic3A_766 : vector<32x128xf32>
    %slice3A_768 = vector.extract_strided_slice %slice3A_749 {offsets = [0, 256], sizes = [32, 128], strides = [1, 1]} : vector<32x384xf32> to vector<32x128xf32>
    %slice3A_769 = vector.extract_strided_slice %dot_general3A_746 {offsets = [0, 256], sizes = [32, 128], strides = [1, 1]} : vector<32x384xf32> to vector<32x128xf32>
    %add3A_770 = vector.broadcast %get3A_70 : vector<1x128xf32> to vector<32x128xf32>
    %add3A_771 = arith.addf %slice3A_769, %add3A_770 : vector<32x128xf32>
    %mul3A_772 = arith.mulf %logistic3A_758, %add3A_771 : vector<32x128xf32>
    %add3A_773 = arith.addf %slice3A_768, %mul3A_772 : vector<32x128xf32>
    %tanh3A_774 = math.tanh %add3A_773 : vector<32x128xf32>
    %sub3A_775 = arith.constant 1.000000e+00 : f32
    %sub3A_776 = vector.broadcast %sub3A_775 : f32 to vector<32x128xf32>
    %sub3A_777 = arith.subf %sub3A_776, %logistic3A_767 : vector<32x128xf32>
    %mul3A_778 = arith.mulf %sub3A_777, %tanh3A_774 : vector<32x128xf32>
    %mul3A_779 = arith.mulf %logistic3A_767, %add3A_684 : vector<32x128xf32>
    %add3A_780 = arith.addf %mul3A_778, %mul3A_779 : vector<32x128xf32>
    %slice3A_781 = vector.extract_strided_slice %add3A_53 {offsets = [480, 0], sizes = [32, 384], strides = [1, 1]} : vector<1600x384xf32> to vector<32x384xf32>
    %slice3A_782 = vector.extract_strided_slice %slice3A_781 {offsets = [0, 0], sizes = [32, 128], strides = [1, 1]} : vector<32x384xf32> to vector<32x128xf32>
    %slice3A_783 = vector.extract_strided_slice %dot_general3A_748 {offsets = [0, 0], sizes = [32, 128], strides = [1, 1]} : vector<32x384xf32> to vector<32x128xf32>
    %add3A_784 = arith.addf %slice3A_782, %slice3A_783 : vector<32x128xf32>
    %logistic3A_785 = arith.negf %add3A_784 : vector<32x128xf32>
    %logistic3A_786 = math.exp %logistic3A_785 : vector<32x128xf32>
    %logistic3A_787 = arith.constant 1.000000e+00 : f32
    %logistic3A_788 = vector.broadcast %logistic3A_787 : f32 to vector<32x128xf32>
    %logistic3A_789 = arith.addf %logistic3A_788, %logistic3A_786 : vector<32x128xf32>
    %logistic3A_790 = arith.divf %logistic3A_788, %logistic3A_789 : vector<32x128xf32>
    %slice3A_791 = vector.extract_strided_slice %slice3A_781 {offsets = [0, 128], sizes = [32, 128], strides = [1, 1]} : vector<32x384xf32> to vector<32x128xf32>
    %slice3A_792 = vector.extract_strided_slice %dot_general3A_748 {offsets = [0, 128], sizes = [32, 128], strides = [1, 1]} : vector<32x384xf32> to vector<32x128xf32>
    %add3A_793 = arith.addf %slice3A_791, %slice3A_792 : vector<32x128xf32>
    %logistic3A_794 = arith.negf %add3A_793 : vector<32x128xf32>
    %logistic3A_795 = math.exp %logistic3A_794 : vector<32x128xf32>
    %logistic3A_796 = arith.constant 1.000000e+00 : f32
    %logistic3A_797 = vector.broadcast %logistic3A_796 : f32 to vector<32x128xf32>
    %logistic3A_798 = arith.addf %logistic3A_797, %logistic3A_795 : vector<32x128xf32>
    %logistic3A_799 = arith.divf %logistic3A_797, %logistic3A_798 : vector<32x128xf32>
    %slice3A_800 = vector.extract_strided_slice %slice3A_781 {offsets = [0, 256], sizes = [32, 128], strides = [1, 1]} : vector<32x384xf32> to vector<32x128xf32>
    %slice3A_801 = vector.extract_strided_slice %dot_general3A_748 {offsets = [0, 256], sizes = [32, 128], strides = [1, 1]} : vector<32x384xf32> to vector<32x128xf32>
    %add3A_802 = vector.broadcast %get3A_70 : vector<1x128xf32> to vector<32x128xf32>
    %add3A_803 = arith.addf %slice3A_801, %add3A_802 : vector<32x128xf32>
    %mul3A_804 = arith.mulf %logistic3A_790, %add3A_803 : vector<32x128xf32>
    %add3A_805 = arith.addf %slice3A_800, %mul3A_804 : vector<32x128xf32>
    %tanh3A_806 = math.tanh %add3A_805 : vector<32x128xf32>
    %sub3A_807 = arith.constant 1.000000e+00 : f32
    %sub3A_808 = vector.broadcast %sub3A_807 : f32 to vector<32x128xf32>
    %sub3A_809 = arith.subf %sub3A_808, %logistic3A_799 : vector<32x128xf32>
    %mul3A_810 = arith.mulf %sub3A_809, %tanh3A_806 : vector<32x128xf32>
    %mul3A_811 = arith.mulf %logistic3A_799, %add3A_716 : vector<32x128xf32>
    %add3A_812 = arith.addf %mul3A_810, %mul3A_811 : vector<32x128xf32>
    %get3A_813 = arith.constant 448 : index
    %get3A_814 = arith.constant 0 : index
    %get3A_815 = vector.load %arg5[%get3A_813, %get3A_814] : memref<1600x128xf32, #tpu.memory_space<vmem>>, vector<32x128xf32>
    %mul3A_816 = arith.mulf %add3A_780, %get3A_815 : vector<32x128xf32>
    %reduce_sum3A_817 = arith.constant dense<0.000000e+00> : vector<32xf32>
    %reduce_sum3A_818 = vector.multi_reduction <add>, %mul3A_816, %reduce_sum3A_817 [1] : vector<32x128xf32> to vector<32xf32>
    %broadcast_in_dim3A_819 = vector.shape_cast %reduce_sum3A_818 : vector<32xf32> to vector<32x1xf32>
    %get3A_820 = arith.constant 448 : index
    %get3A_821 = arith.constant 0 : index
    %get3A_822 = vector.load %arg6[%get3A_820, %get3A_821] : memref<1600x1xf32, #tpu.memory_space<vmem>>, vector<32x1xf32>
    %add3A_823 = arith.addf %broadcast_in_dim3A_819, %get3A_822 : vector<32x1xf32>
    %swap3A_824 = arith.constant 448 : index
    %swap3A_825 = arith.constant 0 : index
    %swap3A_826 = vector.load %arg13[%swap3A_824, %swap3A_825] : memref<1600x1xf32, #tpu.memory_space<vmem>>, vector<32x1xf32>
    tpu.vector_store %arg13[%swap3A_824, %swap3A_825], %add3A_823 {strides = array<i32>} : memref<1600x1xf32, #tpu.memory_space<vmem>>, vector<32x1xf32>,
    %get3A_827 = arith.constant 480 : index
    %get3A_828 = arith.constant 0 : index
    %get3A_829 = vector.load %arg5[%get3A_827, %get3A_828] : memref<1600x128xf32, #tpu.memory_space<vmem>>, vector<32x128xf32>
    %mul3A_830 = arith.mulf %add3A_812, %get3A_829 : vector<32x128xf32>
    %reduce_sum3A_831 = arith.constant dense<0.000000e+00> : vector<32xf32>
    %reduce_sum3A_832 = vector.multi_reduction <add>, %mul3A_830, %reduce_sum3A_831 [1] : vector<32x128xf32> to vector<32xf32>
    %broadcast_in_dim3A_833 = vector.shape_cast %reduce_sum3A_832 : vector<32xf32> to vector<32x1xf32>
    %get3A_834 = arith.constant 480 : index
    %get3A_835 = arith.constant 0 : index
    %get3A_836 = vector.load %arg6[%get3A_834, %get3A_835] : memref<1600x1xf32, #tpu.memory_space<vmem>>, vector<32x1xf32>
    %add3A_837 = arith.addf %broadcast_in_dim3A_833, %get3A_836 : vector<32x1xf32>
    %swap3A_838 = arith.constant 480 : index
    %swap3A_839 = arith.constant 0 : index
    %swap3A_840 = vector.load %arg13[%swap3A_838, %swap3A_839] : memref<1600x1xf32, #tpu.memory_space<vmem>>, vector<32x1xf32>
    tpu.vector_store %arg13[%swap3A_838, %swap3A_839], %add3A_837 {strides = array<i32>} : memref<1600x1xf32, #tpu.memory_space<vmem>>, vector<32x1xf32>,
    %dot_general3A_841 = arith.constant dense<0.000000e+00> : vector<32x384xf32>
    %dot_general3A_842 = tpu.matmul %add3A_780, %get3A_67, %dot_general3A_841 {dimension_numbers = #tpu.dot_dimension_numbers<[1], [0], [0], [1], [0, 0, 1, 1], [], []>, transpose_lhs_hint = false} : vector<32x128xf32>, vector<128x384xf32>, vector<32x384xf32> -> vector<32x384xf32>
    %dot_general3A_843 = arith.constant dense<0.000000e+00> : vector<32x384xf32>
    %dot_general3A_844 = tpu.matmul %add3A_812, %get3A_67, %dot_general3A_843 {dimension_numbers = #tpu.dot_dimension_numbers<[1], [0], [0], [1], [0, 0, 1, 1], [], []>, transpose_lhs_hint = false} : vector<32x128xf32>, vector<128x384xf32>, vector<32x384xf32> -> vector<32x384xf32>
    %slice3A_845 = vector.extract_strided_slice %add3A_53 {offsets = [512, 0], sizes = [32, 384], strides = [1, 1]} : vector<1600x384xf32> to vector<32x384xf32>
    %slice3A_846 = vector.extract_strided_slice %slice3A_845 {offsets = [0, 0], sizes = [32, 128], strides = [1, 1]} : vector<32x384xf32> to vector<32x128xf32>
    %slice3A_847 = vector.extract_strided_slice %dot_general3A_842 {offsets = [0, 0], sizes = [32, 128], strides = [1, 1]} : vector<32x384xf32> to vector<32x128xf32>
    %add3A_848 = arith.addf %slice3A_846, %slice3A_847 : vector<32x128xf32>
    %logistic3A_849 = arith.negf %add3A_848 : vector<32x128xf32>
    %logistic3A_850 = math.exp %logistic3A_849 : vector<32x128xf32>
    %logistic3A_851 = arith.constant 1.000000e+00 : f32
    %logistic3A_852 = vector.broadcast %logistic3A_851 : f32 to vector<32x128xf32>
    %logistic3A_853 = arith.addf %logistic3A_852, %logistic3A_850 : vector<32x128xf32>
    %logistic3A_854 = arith.divf %logistic3A_852, %logistic3A_853 : vector<32x128xf32>
    %slice3A_855 = vector.extract_strided_slice %slice3A_845 {offsets = [0, 128], sizes = [32, 128], strides = [1, 1]} : vector<32x384xf32> to vector<32x128xf32>
    %slice3A_856 = vector.extract_strided_slice %dot_general3A_842 {offsets = [0, 128], sizes = [32, 128], strides = [1, 1]} : vector<32x384xf32> to vector<32x128xf32>
    %add3A_857 = arith.addf %slice3A_855, %slice3A_856 : vector<32x128xf32>
    %logistic3A_858 = arith.negf %add3A_857 : vector<32x128xf32>
    %logistic3A_859 = math.exp %logistic3A_858 : vector<32x128xf32>
    %logistic3A_860 = arith.constant 1.000000e+00 : f32
    %logistic3A_861 = vector.broadcast %logistic3A_860 : f32 to vector<32x128xf32>
    %logistic3A_862 = arith.addf %logistic3A_861, %logistic3A_859 : vector<32x128xf32>
    %logistic3A_863 = arith.divf %logistic3A_861, %logistic3A_862 : vector<32x128xf32>
    %slice3A_864 = vector.extract_strided_slice %slice3A_845 {offsets = [0, 256], sizes = [32, 128], strides = [1, 1]} : vector<32x384xf32> to vector<32x128xf32>
    %slice3A_865 = vector.extract_strided_slice %dot_general3A_842 {offsets = [0, 256], sizes = [32, 128], strides = [1, 1]} : vector<32x384xf32> to vector<32x128xf32>
    %add3A_866 = vector.broadcast %get3A_70 : vector<1x128xf32> to vector<32x128xf32>
    %add3A_867 = arith.addf %slice3A_865, %add3A_866 : vector<32x128xf32>
    %mul3A_868 = arith.mulf %logistic3A_854, %add3A_867 : vector<32x128xf32>
    %add3A_869 = arith.addf %slice3A_864, %mul3A_868 : vector<32x128xf32>
    %tanh3A_870 = math.tanh %add3A_869 : vector<32x128xf32>
    %sub3A_871 = arith.constant 1.000000e+00 : f32
    %sub3A_872 = vector.broadcast %sub3A_871 : f32 to vector<32x128xf32>
    %sub3A_873 = arith.subf %sub3A_872, %logistic3A_863 : vector<32x128xf32>
    %mul3A_874 = arith.mulf %sub3A_873, %tanh3A_870 : vector<32x128xf32>
    %mul3A_875 = arith.mulf %logistic3A_863, %add3A_780 : vector<32x128xf32>
    %add3A_876 = arith.addf %mul3A_874, %mul3A_875 : vector<32x128xf32>
    %slice3A_877 = vector.extract_strided_slice %add3A_53 {offsets = [544, 0], sizes = [32, 384], strides = [1, 1]} : vector<1600x384xf32> to vector<32x384xf32>
    %slice3A_878 = vector.extract_strided_slice %slice3A_877 {offsets = [0, 0], sizes = [32, 128], strides = [1, 1]} : vector<32x384xf32> to vector<32x128xf32>
    %slice3A_879 = vector.extract_strided_slice %dot_general3A_844 {offsets = [0, 0], sizes = [32, 128], strides = [1, 1]} : vector<32x384xf32> to vector<32x128xf32>
    %add3A_880 = arith.addf %slice3A_878, %slice3A_879 : vector<32x128xf32>
    %logistic3A_881 = arith.negf %add3A_880 : vector<32x128xf32>
    %logistic3A_882 = math.exp %logistic3A_881 : vector<32x128xf32>
    %logistic3A_883 = arith.constant 1.000000e+00 : f32
    %logistic3A_884 = vector.broadcast %logistic3A_883 : f32 to vector<32x128xf32>
    %logistic3A_885 = arith.addf %logistic3A_884, %logistic3A_882 : vector<32x128xf32>
    %logistic3A_886 = arith.divf %logistic3A_884, %logistic3A_885 : vector<32x128xf32>
    %slice3A_887 = vector.extract_strided_slice %slice3A_877 {offsets = [0, 128], sizes = [32, 128], strides = [1, 1]} : vector<32x384xf32> to vector<32x128xf32>
    %slice3A_888 = vector.extract_strided_slice %dot_general3A_844 {offsets = [0, 128], sizes = [32, 128], strides = [1, 1]} : vector<32x384xf32> to vector<32x128xf32>
    %add3A_889 = arith.addf %slice3A_887, %slice3A_888 : vector<32x128xf32>
    %logistic3A_890 = arith.negf %add3A_889 : vector<32x128xf32>
    %logistic3A_891 = math.exp %logistic3A_890 : vector<32x128xf32>
    %logistic3A_892 = arith.constant 1.000000e+00 : f32
    %logistic3A_893 = vector.broadcast %logistic3A_892 : f32 to vector<32x128xf32>
    %logistic3A_894 = arith.addf %logistic3A_893, %logistic3A_891 : vector<32x128xf32>
    %logistic3A_895 = arith.divf %logistic3A_893, %logistic3A_894 : vector<32x128xf32>
    %slice3A_896 = vector.extract_strided_slice %slice3A_877 {offsets = [0, 256], sizes = [32, 128], strides = [1, 1]} : vector<32x384xf32> to vector<32x128xf32>
    %slice3A_897 = vector.extract_strided_slice %dot_general3A_844 {offsets = [0, 256], sizes = [32, 128], strides = [1, 1]} : vector<32x384xf32> to vector<32x128xf32>
    %add3A_898 = vector.broadcast %get3A_70 : vector<1x128xf32> to vector<32x128xf32>
    %add3A_899 = arith.addf %slice3A_897, %add3A_898 : vector<32x128xf32>
    %mul3A_900 = arith.mulf %logistic3A_886, %add3A_899 : vector<32x128xf32>
    %add3A_901 = arith.addf %slice3A_896, %mul3A_900 : vector<32x128xf32>
    %tanh3A_902 = math.tanh %add3A_901 : vector<32x128xf32>
    %sub3A_903 = arith.constant 1.000000e+00 : f32
    %sub3A_904 = vector.broadcast %sub3A_903 : f32 to vector<32x128xf32>
    %sub3A_905 = arith.subf %sub3A_904, %logistic3A_895 : vector<32x128xf32>
    %mul3A_906 = arith.mulf %sub3A_905, %tanh3A_902 : vector<32x128xf32>
    %mul3A_907 = arith.mulf %logistic3A_895, %add3A_812 : vector<32x128xf32>
    %add3A_908 = arith.addf %mul3A_906, %mul3A_907 : vector<32x128xf32>
    %get3A_909 = arith.constant 512 : index
    %get3A_910 = arith.constant 0 : index
    %get3A_911 = vector.load %arg5[%get3A_909, %get3A_910] : memref<1600x128xf32, #tpu.memory_space<vmem>>, vector<32x128xf32>
    %mul3A_912 = arith.mulf %add3A_876, %get3A_911 : vector<32x128xf32>
    %reduce_sum3A_913 = arith.constant dense<0.000000e+00> : vector<32xf32>
    %reduce_sum3A_914 = vector.multi_reduction <add>, %mul3A_912, %reduce_sum3A_913 [1] : vector<32x128xf32> to vector<32xf32>
    %broadcast_in_dim3A_915 = vector.shape_cast %reduce_sum3A_914 : vector<32xf32> to vector<32x1xf32>
    %get3A_916 = arith.constant 512 : index
    %get3A_917 = arith.constant 0 : index
    %get3A_918 = vector.load %arg6[%get3A_916, %get3A_917] : memref<1600x1xf32, #tpu.memory_space<vmem>>, vector<32x1xf32>
    %add3A_919 = arith.addf %broadcast_in_dim3A_915, %get3A_918 : vector<32x1xf32>
    %swap3A_920 = arith.constant 512 : index
    %swap3A_921 = arith.constant 0 : index
    %swap3A_922 = vector.load %arg13[%swap3A_920, %swap3A_921] : memref<1600x1xf32, #tpu.memory_space<vmem>>, vector<32x1xf32>
    tpu.vector_store %arg13[%swap3A_920, %swap3A_921], %add3A_919 {strides = array<i32>} : memref<1600x1xf32, #tpu.memory_space<vmem>>, vector<32x1xf32>,
    %get3A_923 = arith.constant 544 : index
    %get3A_924 = arith.constant 0 : index
    %get3A_925 = vector.load %arg5[%get3A_923, %get3A_924] : memref<1600x128xf32, #tpu.memory_space<vmem>>, vector<32x128xf32>
    %mul3A_926 = arith.mulf %add3A_908, %get3A_925 : vector<32x128xf32>
    %reduce_sum3A_927 = arith.constant dense<0.000000e+00> : vector<32xf32>
    %reduce_sum3A_928 = vector.multi_reduction <add>, %mul3A_926, %reduce_sum3A_927 [1] : vector<32x128xf32> to vector<32xf32>
    %broadcast_in_dim3A_929 = vector.shape_cast %reduce_sum3A_928 : vector<32xf32> to vector<32x1xf32>
    %get3A_930 = arith.constant 544 : index
    %get3A_931 = arith.constant 0 : index
    %get3A_932 = vector.load %arg6[%get3A_930, %get3A_931] : memref<1600x1xf32, #tpu.memory_space<vmem>>, vector<32x1xf32>
    %add3A_933 = arith.addf %broadcast_in_dim3A_929, %get3A_932 : vector<32x1xf32>
    %swap3A_934 = arith.constant 544 : index
    %swap3A_935 = arith.constant 0 : index
    %swap3A_936 = vector.load %arg13[%swap3A_934, %swap3A_935] : memref<1600x1xf32, #tpu.memory_space<vmem>>, vector<32x1xf32>
    tpu.vector_store %arg13[%swap3A_934, %swap3A_935], %add3A_933 {strides = array<i32>} : memref<1600x1xf32, #tpu.memory_space<vmem>>, vector<32x1xf32>,
    %dot_general3A_937 = arith.constant dense<0.000000e+00> : vector<32x384xf32>
    %dot_general3A_938 = tpu.matmul %add3A_876, %get3A_67, %dot_general3A_937 {dimension_numbers = #tpu.dot_dimension_numbers<[1], [0], [0], [1], [0, 0, 1, 1], [], []>, transpose_lhs_hint = false} : vector<32x128xf32>, vector<128x384xf32>, vector<32x384xf32> -> vector<32x384xf32>
    %dot_general3A_939 = arith.constant dense<0.000000e+00> : vector<32x384xf32>
    %dot_general3A_940 = tpu.matmul %add3A_908, %get3A_67, %dot_general3A_939 {dimension_numbers = #tpu.dot_dimension_numbers<[1], [0], [0], [1], [0, 0, 1, 1], [], []>, transpose_lhs_hint = false} : vector<32x128xf32>, vector<128x384xf32>, vector<32x384xf32> -> vector<32x384xf32>
    %slice3A_941 = vector.extract_strided_slice %add3A_53 {offsets = [576, 0], sizes = [32, 384], strides = [1, 1]} : vector<1600x384xf32> to vector<32x384xf32>
    %slice3A_942 = vector.extract_strided_slice %slice3A_941 {offsets = [0, 0], sizes = [32, 128], strides = [1, 1]} : vector<32x384xf32> to vector<32x128xf32>
    %slice3A_943 = vector.extract_strided_slice %dot_general3A_938 {offsets = [0, 0], sizes = [32, 128], strides = [1, 1]} : vector<32x384xf32> to vector<32x128xf32>
    %add3A_944 = arith.addf %slice3A_942, %slice3A_943 : vector<32x128xf32>
    %logistic3A_945 = arith.negf %add3A_944 : vector<32x128xf32>
    %logistic3A_946 = math.exp %logistic3A_945 : vector<32x128xf32>
    %logistic3A_947 = arith.constant 1.000000e+00 : f32
    %logistic3A_948 = vector.broadcast %logistic3A_947 : f32 to vector<32x128xf32>
    %logistic3A_949 = arith.addf %logistic3A_948, %logistic3A_946 : vector<32x128xf32>
    %logistic3A_950 = arith.divf %logistic3A_948, %logistic3A_949 : vector<32x128xf32>
    %slice3A_951 = vector.extract_strided_slice %slice3A_941 {offsets = [0, 128], sizes = [32, 128], strides = [1, 1]} : vector<32x384xf32> to vector<32x128xf32>
    %slice3A_952 = vector.extract_strided_slice %dot_general3A_938 {offsets = [0, 128], sizes = [32, 128], strides = [1, 1]} : vector<32x384xf32> to vector<32x128xf32>
    %add3A_953 = arith.addf %slice3A_951, %slice3A_952 : vector<32x128xf32>
    %logistic3A_954 = arith.negf %add3A_953 : vector<32x128xf32>
    %logistic3A_955 = math.exp %logistic3A_954 : vector<32x128xf32>
    %logistic3A_956 = arith.constant 1.000000e+00 : f32
    %logistic3A_957 = vector.broadcast %logistic3A_956 : f32 to vector<32x128xf32>
    %logistic3A_958 = arith.addf %logistic3A_957, %logistic3A_955 : vector<32x128xf32>
    %logistic3A_959 = arith.divf %logistic3A_957, %logistic3A_958 : vector<32x128xf32>
    %slice3A_960 = vector.extract_strided_slice %slice3A_941 {offsets = [0, 256], sizes = [32, 128], strides = [1, 1]} : vector<32x384xf32> to vector<32x128xf32>
    %slice3A_961 = vector.extract_strided_slice %dot_general3A_938 {offsets = [0, 256], sizes = [32, 128], strides = [1, 1]} : vector<32x384xf32> to vector<32x128xf32>
    %add3A_962 = vector.broadcast %get3A_70 : vector<1x128xf32> to vector<32x128xf32>
    %add3A_963 = arith.addf %slice3A_961, %add3A_962 : vector<32x128xf32>
    %mul3A_964 = arith.mulf %logistic3A_950, %add3A_963 : vector<32x128xf32>
    %add3A_965 = arith.addf %slice3A_960, %mul3A_964 : vector<32x128xf32>
    %tanh3A_966 = math.tanh %add3A_965 : vector<32x128xf32>
    %sub3A_967 = arith.constant 1.000000e+00 : f32
    %sub3A_968 = vector.broadcast %sub3A_967 : f32 to vector<32x128xf32>
    %sub3A_969 = arith.subf %sub3A_968, %logistic3A_959 : vector<32x128xf32>
    %mul3A_970 = arith.mulf %sub3A_969, %tanh3A_966 : vector<32x128xf32>
    %mul3A_971 = arith.mulf %logistic3A_959, %add3A_876 : vector<32x128xf32>
    %add3A_972 = arith.addf %mul3A_970, %mul3A_971 : vector<32x128xf32>
    %slice3A_973 = vector.extract_strided_slice %add3A_53 {offsets = [608, 0], sizes = [32, 384], strides = [1, 1]} : vector<1600x384xf32> to vector<32x384xf32>
    %slice3A_974 = vector.extract_strided_slice %slice3A_973 {offsets = [0, 0], sizes = [32, 128], strides = [1, 1]} : vector<32x384xf32> to vector<32x128xf32>
    %slice3A_975 = vector.extract_strided_slice %dot_general3A_940 {offsets = [0, 0], sizes = [32, 128], strides = [1, 1]} : vector<32x384xf32> to vector<32x128xf32>
    %add3A_976 = arith.addf %slice3A_974, %slice3A_975 : vector<32x128xf32>
    %logistic3A_977 = arith.negf %add3A_976 : vector<32x128xf32>
    %logistic3A_978 = math.exp %logistic3A_977 : vector<32x128xf32>
    %logistic3A_979 = arith.constant 1.000000e+00 : f32
    %logistic3A_980 = vector.broadcast %logistic3A_979 : f32 to vector<32x128xf32>
    %logistic3A_981 = arith.addf %logistic3A_980, %logistic3A_978 : vector<32x128xf32>
    %logistic3A_982 = arith.divf %logistic3A_980, %logistic3A_981 : vector<32x128xf32>
    %slice3A_983 = vector.extract_strided_slice %slice3A_973 {offsets = [0, 128], sizes = [32, 128], strides = [1, 1]} : vector<32x384xf32> to vector<32x128xf32>
    %slice3A_984 = vector.extract_strided_slice %dot_general3A_940 {offsets = [0, 128], sizes = [32, 128], strides = [1, 1]} : vector<32x384xf32> to vector<32x128xf32>
    %add3A_985 = arith.addf %slice3A_983, %slice3A_984 : vector<32x128xf32>
    %logistic3A_986 = arith.negf %add3A_985 : vector<32x128xf32>
    %logistic3A_987 = math.exp %logistic3A_986 : vector<32x128xf32>
    %logistic3A_988 = arith.constant 1.000000e+00 : f32
    %logistic3A_989 = vector.broadcast %logistic3A_988 : f32 to vector<32x128xf32>
    %logistic3A_990 = arith.addf %logistic3A_989, %logistic3A_987 : vector<32x128xf32>
    %logistic3A_991 = arith.divf %logistic3A_989, %logistic3A_990 : vector<32x128xf32>
    %slice3A_992 = vector.extract_strided_slice %slice3A_973 {offsets = [0, 256], sizes = [32, 128], strides = [1, 1]} : vector<32x384xf32> to vector<32x128xf32>
    %slice3A_993 = vector.extract_strided_slice %dot_general3A_940 {offsets = [0, 256], sizes = [32, 128], strides = [1, 1]} : vector<32x384xf32> to vector<32x128xf32>
    %add3A_994 = vector.broadcast %get3A_70 : vector<1x128xf32> to vector<32x128xf32>
    %add3A_995 = arith.addf %slice3A_993, %add3A_994 : vector<32x128xf32>
    %mul3A_996 = arith.mulf %logistic3A_982, %add3A_995 : vector<32x128xf32>
    %add3A_997 = arith.addf %slice3A_992, %mul3A_996 : vector<32x128xf32>
    %tanh3A_998 = math.tanh %add3A_997 : vector<32x128xf32>
    %sub3A_999 = arith.constant 1.000000e+00 : f32
    %sub3A_1000 = vector.broadcast %sub3A_999 : f32 to vector<32x128xf32>
    %sub3A_1001 = arith.subf %sub3A_1000, %logistic3A_991 : vector<32x128xf32>
    %mul3A_1002 = arith.mulf %sub3A_1001, %tanh3A_998 : vector<32x128xf32>
    %mul3A_1003 = arith.mulf %logistic3A_991, %add3A_908 : vector<32x128xf32>
    %add3A_1004 = arith.addf %mul3A_1002, %mul3A_1003 : vector<32x128xf32>
    %get3A_1005 = arith.constant 576 : index
    %get3A_1006 = arith.constant 0 : index
    %get3A_1007 = vector.load %arg5[%get3A_1005, %get3A_1006] : memref<1600x128xf32, #tpu.memory_space<vmem>>, vector<32x128xf32>
    %mul3A_1008 = arith.mulf %add3A_972, %get3A_1007 : vector<32x128xf32>
    %reduce_sum3A_1009 = arith.constant dense<0.000000e+00> : vector<32xf32>
    %reduce_sum3A_1010 = vector.multi_reduction <add>, %mul3A_1008, %reduce_sum3A_1009 [1] : vector<32x128xf32> to vector<32xf32>
    %broadcast_in_dim3A_1011 = vector.shape_cast %reduce_sum3A_1010 : vector<32xf32> to vector<32x1xf32>
    %get3A_1012 = arith.constant 576 : index
    %get3A_1013 = arith.constant 0 : index
    %get3A_1014 = vector.load %arg6[%get3A_1012, %get3A_1013] : memref<1600x1xf32, #tpu.memory_space<vmem>>, vector<32x1xf32>
    %add3A_1015 = arith.addf %broadcast_in_dim3A_1011, %get3A_1014 : vector<32x1xf32>
    %swap3A_1016 = arith.constant 576 : index
    %swap3A_1017 = arith.constant 0 : index
    %swap3A_1018 = vector.load %arg13[%swap3A_1016, %swap3A_1017] : memref<1600x1xf32, #tpu.memory_space<vmem>>, vector<32x1xf32>
    tpu.vector_store %arg13[%swap3A_1016, %swap3A_1017], %add3A_1015 {strides = array<i32>} : memref<1600x1xf32, #tpu.memory_space<vmem>>, vector<32x1xf32>,
    %get3A_1019 = arith.constant 608 : index
    %get3A_1020 = arith.constant 0 : index
    %get3A_1021 = vector.load %arg5[%get3A_1019, %get3A_1020] : memref<1600x128xf32, #tpu.memory_space<vmem>>, vector<32x128xf32>
    %mul3A_1022 = arith.mulf %add3A_1004, %get3A_1021 : vector<32x128xf32>
    %reduce_sum3A_1023 = arith.constant dense<0.000000e+00> : vector<32xf32>
    %reduce_sum3A_1024 = vector.multi_reduction <add>, %mul3A_1022, %reduce_sum3A_1023 [1] : vector<32x128xf32> to vector<32xf32>
    %broadcast_in_dim3A_1025 = vector.shape_cast %reduce_sum3A_1024 : vector<32xf32> to vector<32x1xf32>
    %get3A_1026 = arith.constant 608 : index
    %get3A_1027 = arith.constant 0 : index
    %get3A_1028 = vector.load %arg6[%get3A_1026, %get3A_1027] : memref<1600x1xf32, #tpu.memory_space<vmem>>, vector<32x1xf32>
    %add3A_1029 = arith.addf %broadcast_in_dim3A_1025, %get3A_1028 : vector<32x1xf32>
    %swap3A_1030 = arith.constant 608 : index
    %swap3A_1031 = arith.constant 0 : index
    %swap3A_1032 = vector.load %arg13[%swap3A_1030, %swap3A_1031] : memref<1600x1xf32, #tpu.memory_space<vmem>>, vector<32x1xf32>
    tpu.vector_store %arg13[%swap3A_1030, %swap3A_1031], %add3A_1029 {strides = array<i32>} : memref<1600x1xf32, #tpu.memory_space<vmem>>, vector<32x1xf32>,
    %dot_general3A_1033 = arith.constant dense<0.000000e+00> : vector<32x384xf32>
    %dot_general3A_1034 = tpu.matmul %add3A_972, %get3A_67, %dot_general3A_1033 {dimension_numbers = #tpu.dot_dimension_numbers<[1], [0], [0], [1], [0, 0, 1, 1], [], []>, transpose_lhs_hint = false} : vector<32x128xf32>, vector<128x384xf32>, vector<32x384xf32> -> vector<32x384xf32>
    %dot_general3A_1035 = arith.constant dense<0.000000e+00> : vector<32x384xf32>
    %dot_general3A_1036 = tpu.matmul %add3A_1004, %get3A_67, %dot_general3A_1035 {dimension_numbers = #tpu.dot_dimension_numbers<[1], [0], [0], [1], [0, 0, 1, 1], [], []>, transpose_lhs_hint = false} : vector<32x128xf32>, vector<128x384xf32>, vector<32x384xf32> -> vector<32x384xf32>
    %slice3A_1037 = vector.extract_strided_slice %add3A_53 {offsets = [640, 0], sizes = [32, 384], strides = [1, 1]} : vector<1600x384xf32> to vector<32x384xf32>
    %slice3A_1038 = vector.extract_strided_slice %slice3A_1037 {offsets = [0, 0], sizes = [32, 128], strides = [1, 1]} : vector<32x384xf32> to vector<32x128xf32>
    %slice3A_1039 = vector.extract_strided_slice %dot_general3A_1034 {offsets = [0, 0], sizes = [32, 128], strides = [1, 1]} : vector<32x384xf32> to vector<32x128xf32>
    %add3A_1040 = arith.addf %slice3A_1038, %slice3A_1039 : vector<32x128xf32>
    %logistic3A_1041 = arith.negf %add3A_1040 : vector<32x128xf32>
    %logistic3A_1042 = math.exp %logistic3A_1041 : vector<32x128xf32>
    %logistic3A_1043 = arith.constant 1.000000e+00 : f32
    %logistic3A_1044 = vector.broadcast %logistic3A_1043 : f32 to vector<32x128xf32>
    %logistic3A_1045 = arith.addf %logistic3A_1044, %logistic3A_1042 : vector<32x128xf32>
    %logistic3A_1046 = arith.divf %logistic3A_1044, %logistic3A_1045 : vector<32x128xf32>
    %slice3A_1047 = vector.extract_strided_slice %slice3A_1037 {offsets = [0, 128], sizes = [32, 128], strides = [1, 1]} : vector<32x384xf32> to vector<32x128xf32>
    %slice3A_1048 = vector.extract_strided_slice %dot_general3A_1034 {offsets = [0, 128], sizes = [32, 128], strides = [1, 1]} : vector<32x384xf32> to vector<32x128xf32>
    %add3A_1049 = arith.addf %slice3A_1047, %slice3A_1048 : vector<32x128xf32>
    %logistic3A_1050 = arith.negf %add3A_1049 : vector<32x128xf32>
    %logistic3A_1051 = math.exp %logistic3A_1050 : vector<32x128xf32>
    %logistic3A_1052 = arith.constant 1.000000e+00 : f32
    %logistic3A_1053 = vector.broadcast %logistic3A_1052 : f32 to vector<32x128xf32>
    %logistic3A_1054 = arith.addf %logistic3A_1053, %logistic3A_1051 : vector<32x128xf32>
    %logistic3A_1055 = arith.divf %logistic3A_1053, %logistic3A_1054 : vector<32x128xf32>
    %slice3A_1056 = vector.extract_strided_slice %slice3A_1037 {offsets = [0, 256], sizes = [32, 128], strides = [1, 1]} : vector<32x384xf32> to vector<32x128xf32>
    %slice3A_1057 = vector.extract_strided_slice %dot_general3A_1034 {offsets = [0, 256], sizes = [32, 128], strides = [1, 1]} : vector<32x384xf32> to vector<32x128xf32>
    %add3A_1058 = vector.broadcast %get3A_70 : vector<1x128xf32> to vector<32x128xf32>
    %add3A_1059 = arith.addf %slice3A_1057, %add3A_1058 : vector<32x128xf32>
    %mul3A_1060 = arith.mulf %logistic3A_1046, %add3A_1059 : vector<32x128xf32>
    %add3A_1061 = arith.addf %slice3A_1056, %mul3A_1060 : vector<32x128xf32>
    %tanh3A_1062 = math.tanh %add3A_1061 : vector<32x128xf32>
    %sub3A_1063 = arith.constant 1.000000e+00 : f32
    %sub3A_1064 = vector.broadcast %sub3A_1063 : f32 to vector<32x128xf32>
    %sub3A_1065 = arith.subf %sub3A_1064, %logistic3A_1055 : vector<32x128xf32>
    %mul3A_1066 = arith.mulf %sub3A_1065, %tanh3A_1062 : vector<32x128xf32>
    %mul3A_1067 = arith.mulf %logistic3A_1055, %add3A_972 : vector<32x128xf32>
    %add3A_1068 = arith.addf %mul3A_1066, %mul3A_1067 : vector<32x128xf32>
    %slice3A_1069 = vector.extract_strided_slice %add3A_53 {offsets = [672, 0], sizes = [32, 384], strides = [1, 1]} : vector<1600x384xf32> to vector<32x384xf32>
    %slice3A_1070 = vector.extract_strided_slice %slice3A_1069 {offsets = [0, 0], sizes = [32, 128], strides = [1, 1]} : vector<32x384xf32> to vector<32x128xf32>
    %slice3A_1071 = vector.extract_strided_slice %dot_general3A_1036 {offsets = [0, 0], sizes = [32, 128], strides = [1, 1]} : vector<32x384xf32> to vector<32x128xf32>
    %add3A_1072 = arith.addf %slice3A_1070, %slice3A_1071 : vector<32x128xf32>
    %logistic3A_1073 = arith.negf %add3A_1072 : vector<32x128xf32>
    %logistic3A_1074 = math.exp %logistic3A_1073 : vector<32x128xf32>
    %logistic3A_1075 = arith.constant 1.000000e+00 : f32
    %logistic3A_1076 = vector.broadcast %logistic3A_1075 : f32 to vector<32x128xf32>
    %logistic3A_1077 = arith.addf %logistic3A_1076, %logistic3A_1074 : vector<32x128xf32>
    %logistic3A_1078 = arith.divf %logistic3A_1076, %logistic3A_1077 : vector<32x128xf32>
    %slice3A_1079 = vector.extract_strided_slice %slice3A_1069 {offsets = [0, 128], sizes = [32, 128], strides = [1, 1]} : vector<32x384xf32> to vector<32x128xf32>
    %slice3A_1080 = vector.extract_strided_slice %dot_general3A_1036 {offsets = [0, 128], sizes = [32, 128], strides = [1, 1]} : vector<32x384xf32> to vector<32x128xf32>
    %add3A_1081 = arith.addf %slice3A_1079, %slice3A_1080 : vector<32x128xf32>
    %logistic3A_1082 = arith.negf %add3A_1081 : vector<32x128xf32>
    %logistic3A_1083 = math.exp %logistic3A_1082 : vector<32x128xf32>
    %logistic3A_1084 = arith.constant 1.000000e+00 : f32
    %logistic3A_1085 = vector.broadcast %logistic3A_1084 : f32 to vector<32x128xf32>
    %logistic3A_1086 = arith.addf %logistic3A_1085, %logistic3A_1083 : vector<32x128xf32>
    %logistic3A_1087 = arith.divf %logistic3A_1085, %logistic3A_1086 : vector<32x128xf32>
    %slice3A_1088 = vector.extract_strided_slice %slice3A_1069 {offsets = [0, 256], sizes = [32, 128], strides = [1, 1]} : vector<32x384xf32> to vector<32x128xf32>
    %slice3A_1089 = vector.extract_strided_slice %dot_general3A_1036 {offsets = [0, 256], sizes = [32, 128], strides = [1, 1]} : vector<32x384xf32> to vector<32x128xf32>
    %add3A_1090 = vector.broadcast %get3A_70 : vector<1x128xf32> to vector<32x128xf32>
    %add3A_1091 = arith.addf %slice3A_1089, %add3A_1090 : vector<32x128xf32>
    %mul3A_1092 = arith.mulf %logistic3A_1078, %add3A_1091 : vector<32x128xf32>
    %add3A_1093 = arith.addf %slice3A_1088, %mul3A_1092 : vector<32x128xf32>
    %tanh3A_1094 = math.tanh %add3A_1093 : vector<32x128xf32>
    %sub3A_1095 = arith.constant 1.000000e+00 : f32
    %sub3A_1096 = vector.broadcast %sub3A_1095 : f32 to vector<32x128xf32>
    %sub3A_1097 = arith.subf %sub3A_1096, %logistic3A_1087 : vector<32x128xf32>
    %mul3A_1098 = arith.mulf %sub3A_1097, %tanh3A_1094 : vector<32x128xf32>
    %mul3A_1099 = arith.mulf %logistic3A_1087, %add3A_1004 : vector<32x128xf32>
    %add3A_1100 = arith.addf %mul3A_1098, %mul3A_1099 : vector<32x128xf32>
    %get3A_1101 = arith.constant 640 : index
    %get3A_1102 = arith.constant 0 : index
    %get3A_1103 = vector.load %arg5[%get3A_1101, %get3A_1102] : memref<1600x128xf32, #tpu.memory_space<vmem>>, vector<32x128xf32>
    %mul3A_1104 = arith.mulf %add3A_1068, %get3A_1103 : vector<32x128xf32>
    %reduce_sum3A_1105 = arith.constant dense<0.000000e+00> : vector<32xf32>
    %reduce_sum3A_1106 = vector.multi_reduction <add>, %mul3A_1104, %reduce_sum3A_1105 [1] : vector<32x128xf32> to vector<32xf32>
    %broadcast_in_dim3A_1107 = vector.shape_cast %reduce_sum3A_1106 : vector<32xf32> to vector<32x1xf32>
    %get3A_1108 = arith.constant 640 : index
    %get3A_1109 = arith.constant 0 : index
    %get3A_1110 = vector.load %arg6[%get3A_1108, %get3A_1109] : memref<1600x1xf32, #tpu.memory_space<vmem>>, vector<32x1xf32>
    %add3A_1111 = arith.addf %broadcast_in_dim3A_1107, %get3A_1110 : vector<32x1xf32>
    %swap3A_1112 = arith.constant 640 : index
    %swap3A_1113 = arith.constant 0 : index
    %swap3A_1114 = vector.load %arg13[%swap3A_1112, %swap3A_1113] : memref<1600x1xf32, #tpu.memory_space<vmem>>, vector<32x1xf32>
    tpu.vector_store %arg13[%swap3A_1112, %swap3A_1113], %add3A_1111 {strides = array<i32>} : memref<1600x1xf32, #tpu.memory_space<vmem>>, vector<32x1xf32>,
    %get3A_1115 = arith.constant 672 : index
    %get3A_1116 = arith.constant 0 : index
    %get3A_1117 = vector.load %arg5[%get3A_1115, %get3A_1116] : memref<1600x128xf32, #tpu.memory_space<vmem>>, vector<32x128xf32>
    %mul3A_1118 = arith.mulf %add3A_1100, %get3A_1117 : vector<32x128xf32>
    %reduce_sum3A_1119 = arith.constant dense<0.000000e+00> : vector<32xf32>
    %reduce_sum3A_1120 = vector.multi_reduction <add>, %mul3A_1118, %reduce_sum3A_1119 [1] : vector<32x128xf32> to vector<32xf32>
    %broadcast_in_dim3A_1121 = vector.shape_cast %reduce_sum3A_1120 : vector<32xf32> to vector<32x1xf32>
    %get3A_1122 = arith.constant 672 : index
    %get3A_1123 = arith.constant 0 : index
    %get3A_1124 = vector.load %arg6[%get3A_1122, %get3A_1123] : memref<1600x1xf32, #tpu.memory_space<vmem>>, vector<32x1xf32>
    %add3A_1125 = arith.addf %broadcast_in_dim3A_1121, %get3A_1124 : vector<32x1xf32>
    %swap3A_1126 = arith.constant 672 : index
    %swap3A_1127 = arith.constant 0 : index
    %swap3A_1128 = vector.load %arg13[%swap3A_1126, %swap3A_1127] : memref<1600x1xf32, #tpu.memory_space<vmem>>, vector<32x1xf32>
    tpu.vector_store %arg13[%swap3A_1126, %swap3A_1127], %add3A_1125 {strides = array<i32>} : memref<1600x1xf32, #tpu.memory_space<vmem>>, vector<32x1xf32>,
    %dot_general3A_1129 = arith.constant dense<0.000000e+00> : vector<32x384xf32>
    %dot_general3A_1130 = tpu.matmul %add3A_1068, %get3A_67, %dot_general3A_1129 {dimension_numbers = #tpu.dot_dimension_numbers<[1], [0], [0], [1], [0, 0, 1, 1], [], []>, transpose_lhs_hint = false} : vector<32x128xf32>, vector<128x384xf32>, vector<32x384xf32> -> vector<32x384xf32>
    %dot_general3A_1131 = arith.constant dense<0.000000e+00> : vector<32x384xf32>
    %dot_general3A_1132 = tpu.matmul %add3A_1100, %get3A_67, %dot_general3A_1131 {dimension_numbers = #tpu.dot_dimension_numbers<[1], [0], [0], [1], [0, 0, 1, 1], [], []>, transpose_lhs_hint = false} : vector<32x128xf32>, vector<128x384xf32>, vector<32x384xf32> -> vector<32x384xf32>
    %slice3A_1133 = vector.extract_strided_slice %add3A_53 {offsets = [704, 0], sizes = [32, 384], strides = [1, 1]} : vector<1600x384xf32> to vector<32x384xf32>
    %slice3A_1134 = vector.extract_strided_slice %slice3A_1133 {offsets = [0, 0], sizes = [32, 128], strides = [1, 1]} : vector<32x384xf32> to vector<32x128xf32>
    %slice3A_1135 = vector.extract_strided_slice %dot_general3A_1130 {offsets = [0, 0], sizes = [32, 128], strides = [1, 1]} : vector<32x384xf32> to vector<32x128xf32>
    %add3A_1136 = arith.addf %slice3A_1134, %slice3A_1135 : vector<32x128xf32>
    %logistic3A_1137 = arith.negf %add3A_1136 : vector<32x128xf32>
    %logistic3A_1138 = math.exp %logistic3A_1137 : vector<32x128xf32>
    %logistic3A_1139 = arith.constant 1.000000e+00 : f32
    %logistic3A_1140 = vector.broadcast %logistic3A_1139 : f32 to vector<32x128xf32>
    %logistic3A_1141 = arith.addf %logistic3A_1140, %logistic3A_1138 : vector<32x128xf32>
    %logistic3A_1142 = arith.divf %logistic3A_1140, %logistic3A_1141 : vector<32x128xf32>
    %slice3A_1143 = vector.extract_strided_slice %slice3A_1133 {offsets = [0, 128], sizes = [32, 128], strides = [1, 1]} : vector<32x384xf32> to vector<32x128xf32>
    %slice3A_1144 = vector.extract_strided_slice %dot_general3A_1130 {offsets = [0, 128], sizes = [32, 128], strides = [1, 1]} : vector<32x384xf32> to vector<32x128xf32>
    %add3A_1145 = arith.addf %slice3A_1143, %slice3A_1144 : vector<32x128xf32>
    %logistic3A_1146 = arith.negf %add3A_1145 : vector<32x128xf32>
    %logistic3A_1147 = math.exp %logistic3A_1146 : vector<32x128xf32>
    %logistic3A_1148 = arith.constant 1.000000e+00 : f32
    %logistic3A_1149 = vector.broadcast %logistic3A_1148 : f32 to vector<32x128xf32>
    %logistic3A_1150 = arith.addf %logistic3A_1149, %logistic3A_1147 : vector<32x128xf32>
    %logistic3A_1151 = arith.divf %logistic3A_1149, %logistic3A_1150 : vector<32x128xf32>
    %slice3A_1152 = vector.extract_strided_slice %slice3A_1133 {offsets = [0, 256], sizes = [32, 128], strides = [1, 1]} : vector<32x384xf32> to vector<32x128xf32>
    %slice3A_1153 = vector.extract_strided_slice %dot_general3A_1130 {offsets = [0, 256], sizes = [32, 128], strides = [1, 1]} : vector<32x384xf32> to vector<32x128xf32>
    %add3A_1154 = vector.broadcast %get3A_70 : vector<1x128xf32> to vector<32x128xf32>
    %add3A_1155 = arith.addf %slice3A_1153, %add3A_1154 : vector<32x128xf32>
    %mul3A_1156 = arith.mulf %logistic3A_1142, %add3A_1155 : vector<32x128xf32>
    %add3A_1157 = arith.addf %slice3A_1152, %mul3A_1156 : vector<32x128xf32>
    %tanh3A_1158 = math.tanh %add3A_1157 : vector<32x128xf32>
    %sub3A_1159 = arith.constant 1.000000e+00 : f32
    %sub3A_1160 = vector.broadcast %sub3A_1159 : f32 to vector<32x128xf32>
    %sub3A_1161 = arith.subf %sub3A_1160, %logistic3A_1151 : vector<32x128xf32>
    %mul3A_1162 = arith.mulf %sub3A_1161, %tanh3A_1158 : vector<32x128xf32>
    %mul3A_1163 = arith.mulf %logistic3A_1151, %add3A_1068 : vector<32x128xf32>
    %add3A_1164 = arith.addf %mul3A_1162, %mul3A_1163 : vector<32x128xf32>
    %slice3A_1165 = vector.extract_strided_slice %add3A_53 {offsets = [736, 0], sizes = [32, 384], strides = [1, 1]} : vector<1600x384xf32> to vector<32x384xf32>
    %slice3A_1166 = vector.extract_strided_slice %slice3A_1165 {offsets = [0, 0], sizes = [32, 128], strides = [1, 1]} : vector<32x384xf32> to vector<32x128xf32>
    %slice3A_1167 = vector.extract_strided_slice %dot_general3A_1132 {offsets = [0, 0], sizes = [32, 128], strides = [1, 1]} : vector<32x384xf32> to vector<32x128xf32>
    %add3A_1168 = arith.addf %slice3A_1166, %slice3A_1167 : vector<32x128xf32>
    %logistic3A_1169 = arith.negf %add3A_1168 : vector<32x128xf32>
    %logistic3A_1170 = math.exp %logistic3A_1169 : vector<32x128xf32>
    %logistic3A_1171 = arith.constant 1.000000e+00 : f32
    %logistic3A_1172 = vector.broadcast %logistic3A_1171 : f32 to vector<32x128xf32>
    %logistic3A_1173 = arith.addf %logistic3A_1172, %logistic3A_1170 : vector<32x128xf32>
    %logistic3A_1174 = arith.divf %logistic3A_1172, %logistic3A_1173 : vector<32x128xf32>
    %slice3A_1175 = vector.extract_strided_slice %slice3A_1165 {offsets = [0, 128], sizes = [32, 128], strides = [1, 1]} : vector<32x384xf32> to vector<32x128xf32>
    %slice3A_1176 = vector.extract_strided_slice %dot_general3A_1132 {offsets = [0, 128], sizes = [32, 128], strides = [1, 1]} : vector<32x384xf32> to vector<32x128xf32>
    %add3A_1177 = arith.addf %slice3A_1175, %slice3A_1176 : vector<32x128xf32>
    %logistic3A_1178 = arith.negf %add3A_1177 : vector<32x128xf32>
    %logistic3A_1179 = math.exp %logistic3A_1178 : vector<32x128xf32>
    %logistic3A_1180 = arith.constant 1.000000e+00 : f32
    %logistic3A_1181 = vector.broadcast %logistic3A_1180 : f32 to vector<32x128xf32>
    %logistic3A_1182 = arith.addf %logistic3A_1181, %logistic3A_1179 : vector<32x128xf32>
    %logistic3A_1183 = arith.divf %logistic3A_1181, %logistic3A_1182 : vector<32x128xf32>
    %slice3A_1184 = vector.extract_strided_slice %slice3A_1165 {offsets = [0, 256], sizes = [32, 128], strides = [1, 1]} : vector<32x384xf32> to vector<32x128xf32>
    %slice3A_1185 = vector.extract_strided_slice %dot_general3A_1132 {offsets = [0, 256], sizes = [32, 128], strides = [1, 1]} : vector<32x384xf32> to vector<32x128xf32>
    %add3A_1186 = vector.broadcast %get3A_70 : vector<1x128xf32> to vector<32x128xf32>
    %add3A_1187 = arith.addf %slice3A_1185, %add3A_1186 : vector<32x128xf32>
    %mul3A_1188 = arith.mulf %logistic3A_1174, %add3A_1187 : vector<32x128xf32>
    %add3A_1189 = arith.addf %slice3A_1184, %mul3A_1188 : vector<32x128xf32>
    %tanh3A_1190 = math.tanh %add3A_1189 : vector<32x128xf32>
    %sub3A_1191 = arith.constant 1.000000e+00 : f32
    %sub3A_1192 = vector.broadcast %sub3A_1191 : f32 to vector<32x128xf32>
    %sub3A_1193 = arith.subf %sub3A_1192, %logistic3A_1183 : vector<32x128xf32>
    %mul3A_1194 = arith.mulf %sub3A_1193, %tanh3A_1190 : vector<32x128xf32>
    %mul3A_1195 = arith.mulf %logistic3A_1183, %add3A_1100 : vector<32x128xf32>
    %add3A_1196 = arith.addf %mul3A_1194, %mul3A_1195 : vector<32x128xf32>
    %get3A_1197 = arith.constant 704 : index
    %get3A_1198 = arith.constant 0 : index
    %get3A_1199 = vector.load %arg5[%get3A_1197, %get3A_1198] : memref<1600x128xf32, #tpu.memory_space<vmem>>, vector<32x128xf32>
    %mul3A_1200 = arith.mulf %add3A_1164, %get3A_1199 : vector<32x128xf32>
    %reduce_sum3A_1201 = arith.constant dense<0.000000e+00> : vector<32xf32>
    %reduce_sum3A_1202 = vector.multi_reduction <add>, %mul3A_1200, %reduce_sum3A_1201 [1] : vector<32x128xf32> to vector<32xf32>
    %broadcast_in_dim3A_1203 = vector.shape_cast %reduce_sum3A_1202 : vector<32xf32> to vector<32x1xf32>
    %get3A_1204 = arith.constant 704 : index
    %get3A_1205 = arith.constant 0 : index
    %get3A_1206 = vector.load %arg6[%get3A_1204, %get3A_1205] : memref<1600x1xf32, #tpu.memory_space<vmem>>, vector<32x1xf32>
    %add3A_1207 = arith.addf %broadcast_in_dim3A_1203, %get3A_1206 : vector<32x1xf32>
    %swap3A_1208 = arith.constant 704 : index
    %swap3A_1209 = arith.constant 0 : index
    %swap3A_1210 = vector.load %arg13[%swap3A_1208, %swap3A_1209] : memref<1600x1xf32, #tpu.memory_space<vmem>>, vector<32x1xf32>
    tpu.vector_store %arg13[%swap3A_1208, %swap3A_1209], %add3A_1207 {strides = array<i32>} : memref<1600x1xf32, #tpu.memory_space<vmem>>, vector<32x1xf32>,
    %get3A_1211 = arith.constant 736 : index
    %get3A_1212 = arith.constant 0 : index
    %get3A_1213 = vector.load %arg5[%get3A_1211, %get3A_1212] : memref<1600x128xf32, #tpu.memory_space<vmem>>, vector<32x128xf32>
    %mul3A_1214 = arith.mulf %add3A_1196, %get3A_1213 : vector<32x128xf32>
    %reduce_sum3A_1215 = arith.constant dense<0.000000e+00> : vector<32xf32>
    %reduce_sum3A_1216 = vector.multi_reduction <add>, %mul3A_1214, %reduce_sum3A_1215 [1] : vector<32x128xf32> to vector<32xf32>
    %broadcast_in_dim3A_1217 = vector.shape_cast %reduce_sum3A_1216 : vector<32xf32> to vector<32x1xf32>
    %get3A_1218 = arith.constant 736 : index
    %get3A_1219 = arith.constant 0 : index
    %get3A_1220 = vector.load %arg6[%get3A_1218, %get3A_1219] : memref<1600x1xf32, #tpu.memory_space<vmem>>, vector<32x1xf32>
    %add3A_1221 = arith.addf %broadcast_in_dim3A_1217, %get3A_1220 : vector<32x1xf32>
    %swap3A_1222 = arith.constant 736 : index
    %swap3A_1223 = arith.constant 0 : index
    %swap3A_1224 = vector.load %arg13[%swap3A_1222, %swap3A_1223] : memref<1600x1xf32, #tpu.memory_space<vmem>>, vector<32x1xf32>
    tpu.vector_store %arg13[%swap3A_1222, %swap3A_1223], %add3A_1221 {strides = array<i32>} : memref<1600x1xf32, #tpu.memory_space<vmem>>, vector<32x1xf32>,
    %dot_general3A_1225 = arith.constant dense<0.000000e+00> : vector<32x384xf32>
    %dot_general3A_1226 = tpu.matmul %add3A_1164, %get3A_67, %dot_general3A_1225 {dimension_numbers = #tpu.dot_dimension_numbers<[1], [0], [0], [1], [0, 0, 1, 1], [], []>, transpose_lhs_hint = false} : vector<32x128xf32>, vector<128x384xf32>, vector<32x384xf32> -> vector<32x384xf32>
    %dot_general3A_1227 = arith.constant dense<0.000000e+00> : vector<32x384xf32>
    %dot_general3A_1228 = tpu.matmul %add3A_1196, %get3A_67, %dot_general3A_1227 {dimension_numbers = #tpu.dot_dimension_numbers<[1], [0], [0], [1], [0, 0, 1, 1], [], []>, transpose_lhs_hint = false} : vector<32x128xf32>, vector<128x384xf32>, vector<32x384xf32> -> vector<32x384xf32>
    %slice3A_1229 = vector.extract_strided_slice %add3A_53 {offsets = [768, 0], sizes = [32, 384], strides = [1, 1]} : vector<1600x384xf32> to vector<32x384xf32>
    %slice3A_1230 = vector.extract_strided_slice %slice3A_1229 {offsets = [0, 0], sizes = [32, 128], strides = [1, 1]} : vector<32x384xf32> to vector<32x128xf32>
    %slice3A_1231 = vector.extract_strided_slice %dot_general3A_1226 {offsets = [0, 0], sizes = [32, 128], strides = [1, 1]} : vector<32x384xf32> to vector<32x128xf32>
    %add3A_1232 = arith.addf %slice3A_1230, %slice3A_1231 : vector<32x128xf32>
    %logistic3A_1233 = arith.negf %add3A_1232 : vector<32x128xf32>
    %logistic3A_1234 = math.exp %logistic3A_1233 : vector<32x128xf32>
    %logistic3A_1235 = arith.constant 1.000000e+00 : f32
    %logistic3A_1236 = vector.broadcast %logistic3A_1235 : f32 to vector<32x128xf32>
    %logistic3A_1237 = arith.addf %logistic3A_1236, %logistic3A_1234 : vector<32x128xf32>
    %logistic3A_1238 = arith.divf %logistic3A_1236, %logistic3A_1237 : vector<32x128xf32>
    %slice3A_1239 = vector.extract_strided_slice %slice3A_1229 {offsets = [0, 128], sizes = [32, 128], strides = [1, 1]} : vector<32x384xf32> to vector<32x128xf32>
    %slice3A_1240 = vector.extract_strided_slice %dot_general3A_1226 {offsets = [0, 128], sizes = [32, 128], strides = [1, 1]} : vector<32x384xf32> to vector<32x128xf32>
    %add3A_1241 = arith.addf %slice3A_1239, %slice3A_1240 : vector<32x128xf32>
    %logistic3A_1242 = arith.negf %add3A_1241 : vector<32x128xf32>
    %logistic3A_1243 = math.exp %logistic3A_1242 : vector<32x128xf32>
    %logistic3A_1244 = arith.constant 1.000000e+00 : f32
    %logistic3A_1245 = vector.broadcast %logistic3A_1244 : f32 to vector<32x128xf32>
    %logistic3A_1246 = arith.addf %logistic3A_1245, %logistic3A_1243 : vector<32x128xf32>
    %logistic3A_1247 = arith.divf %logistic3A_1245, %logistic3A_1246 : vector<32x128xf32>
    %slice3A_1248 = vector.extract_strided_slice %slice3A_1229 {offsets = [0, 256], sizes = [32, 128], strides = [1, 1]} : vector<32x384xf32> to vector<32x128xf32>
    %slice3A_1249 = vector.extract_strided_slice %dot_general3A_1226 {offsets = [0, 256], sizes = [32, 128], strides = [1, 1]} : vector<32x384xf32> to vector<32x128xf32>
    %add3A_1250 = vector.broadcast %get3A_70 : vector<1x128xf32> to vector<32x128xf32>
    %add3A_1251 = arith.addf %slice3A_1249, %add3A_1250 : vector<32x128xf32>
    %mul3A_1252 = arith.mulf %logistic3A_1238, %add3A_1251 : vector<32x128xf32>
    %add3A_1253 = arith.addf %slice3A_1248, %mul3A_1252 : vector<32x128xf32>
    %tanh3A_1254 = math.tanh %add3A_1253 : vector<32x128xf32>
    %sub3A_1255 = arith.constant 1.000000e+00 : f32
    %sub3A_1256 = vector.broadcast %sub3A_1255 : f32 to vector<32x128xf32>
    %sub3A_1257 = arith.subf %sub3A_1256, %logistic3A_1247 : vector<32x128xf32>
    %mul3A_1258 = arith.mulf %sub3A_1257, %tanh3A_1254 : vector<32x128xf32>
    %mul3A_1259 = arith.mulf %logistic3A_1247, %add3A_1164 : vector<32x128xf32>
    %add3A_1260 = arith.addf %mul3A_1258, %mul3A_1259 : vector<32x128xf32>
    %slice3A_1261 = vector.extract_strided_slice %add3A_53 {offsets = [800, 0], sizes = [32, 384], strides = [1, 1]} : vector<1600x384xf32> to vector<32x384xf32>
    %slice3A_1262 = vector.extract_strided_slice %slice3A_1261 {offsets = [0, 0], sizes = [32, 128], strides = [1, 1]} : vector<32x384xf32> to vector<32x128xf32>
    %slice3A_1263 = vector.extract_strided_slice %dot_general3A_1228 {offsets = [0, 0], sizes = [32, 128], strides = [1, 1]} : vector<32x384xf32> to vector<32x128xf32>
    %add3A_1264 = arith.addf %slice3A_1262, %slice3A_1263 : vector<32x128xf32>
    %logistic3A_1265 = arith.negf %add3A_1264 : vector<32x128xf32>
    %logistic3A_1266 = math.exp %logistic3A_1265 : vector<32x128xf32>
    %logistic3A_1267 = arith.constant 1.000000e+00 : f32
    %logistic3A_1268 = vector.broadcast %logistic3A_1267 : f32 to vector<32x128xf32>
    %logistic3A_1269 = arith.addf %logistic3A_1268, %logistic3A_1266 : vector<32x128xf32>
    %logistic3A_1270 = arith.divf %logistic3A_1268, %logistic3A_1269 : vector<32x128xf32>
    %slice3A_1271 = vector.extract_strided_slice %slice3A_1261 {offsets = [0, 128], sizes = [32, 128], strides = [1, 1]} : vector<32x384xf32> to vector<32x128xf32>
    %slice3A_1272 = vector.extract_strided_slice %dot_general3A_1228 {offsets = [0, 128], sizes = [32, 128], strides = [1, 1]} : vector<32x384xf32> to vector<32x128xf32>
    %add3A_1273 = arith.addf %slice3A_1271, %slice3A_1272 : vector<32x128xf32>
    %logistic3A_1274 = arith.negf %add3A_1273 : vector<32x128xf32>
    %logistic3A_1275 = math.exp %logistic3A_1274 : vector<32x128xf32>
    %logistic3A_1276 = arith.constant 1.000000e+00 : f32
    %logistic3A_1277 = vector.broadcast %logistic3A_1276 : f32 to vector<32x128xf32>
    %logistic3A_1278 = arith.addf %logistic3A_1277, %logistic3A_1275 : vector<32x128xf32>
    %logistic3A_1279 = arith.divf %logistic3A_1277, %logistic3A_1278 : vector<32x128xf32>
    %slice3A_1280 = vector.extract_strided_slice %slice3A_1261 {offsets = [0, 256], sizes = [32, 128], strides = [1, 1]} : vector<32x384xf32> to vector<32x128xf32>
    %slice3A_1281 = vector.extract_strided_slice %dot_general3A_1228 {offsets = [0, 256], sizes = [32, 128], strides = [1, 1]} : vector<32x384xf32> to vector<32x128xf32>
    %add3A_1282 = vector.broadcast %get3A_70 : vector<1x128xf32> to vector<32x128xf32>
    %add3A_1283 = arith.addf %slice3A_1281, %add3A_1282 : vector<32x128xf32>
    %mul3A_1284 = arith.mulf %logistic3A_1270, %add3A_1283 : vector<32x128xf32>
    %add3A_1285 = arith.addf %slice3A_1280, %mul3A_1284 : vector<32x128xf32>
    %tanh3A_1286 = math.tanh %add3A_1285 : vector<32x128xf32>
    %sub3A_1287 = arith.constant 1.000000e+00 : f32
    %sub3A_1288 = vector.broadcast %sub3A_1287 : f32 to vector<32x128xf32>
    %sub3A_1289 = arith.subf %sub3A_1288, %logistic3A_1279 : vector<32x128xf32>
    %mul3A_1290 = arith.mulf %sub3A_1289, %tanh3A_1286 : vector<32x128xf32>
    %mul3A_1291 = arith.mulf %logistic3A_1279, %add3A_1196 : vector<32x128xf32>
    %add3A_1292 = arith.addf %mul3A_1290, %mul3A_1291 : vector<32x128xf32>
    %get3A_1293 = arith.constant 768 : index
    %get3A_1294 = arith.constant 0 : index
    %get3A_1295 = vector.load %arg5[%get3A_1293, %get3A_1294] : memref<1600x128xf32, #tpu.memory_space<vmem>>, vector<32x128xf32>
    %mul3A_1296 = arith.mulf %add3A_1260, %get3A_1295 : vector<32x128xf32>
    %reduce_sum3A_1297 = arith.constant dense<0.000000e+00> : vector<32xf32>
    %reduce_sum3A_1298 = vector.multi_reduction <add>, %mul3A_1296, %reduce_sum3A_1297 [1] : vector<32x128xf32> to vector<32xf32>
    %broadcast_in_dim3A_1299 = vector.shape_cast %reduce_sum3A_1298 : vector<32xf32> to vector<32x1xf32>
    %get3A_1300 = arith.constant 768 : index
    %get3A_1301 = arith.constant 0 : index
    %get3A_1302 = vector.load %arg6[%get3A_1300, %get3A_1301] : memref<1600x1xf32, #tpu.memory_space<vmem>>, vector<32x1xf32>
    %add3A_1303 = arith.addf %broadcast_in_dim3A_1299, %get3A_1302 : vector<32x1xf32>
    %swap3A_1304 = arith.constant 768 : index
    %swap3A_1305 = arith.constant 0 : index
    %swap3A_1306 = vector.load %arg13[%swap3A_1304, %swap3A_1305] : memref<1600x1xf32, #tpu.memory_space<vmem>>, vector<32x1xf32>
    tpu.vector_store %arg13[%swap3A_1304, %swap3A_1305], %add3A_1303 {strides = array<i32>} : memref<1600x1xf32, #tpu.memory_space<vmem>>, vector<32x1xf32>,
    %get3A_1307 = arith.constant 800 : index
    %get3A_1308 = arith.constant 0 : index
    %get3A_1309 = vector.load %arg5[%get3A_1307, %get3A_1308] : memref<1600x128xf32, #tpu.memory_space<vmem>>, vector<32x128xf32>
    %mul3A_1310 = arith.mulf %add3A_1292, %get3A_1309 : vector<32x128xf32>
    %reduce_sum3A_1311 = arith.constant dense<0.000000e+00> : vector<32xf32>
    %reduce_sum3A_1312 = vector.multi_reduction <add>, %mul3A_1310, %reduce_sum3A_1311 [1] : vector<32x128xf32> to vector<32xf32>
    %broadcast_in_dim3A_1313 = vector.shape_cast %reduce_sum3A_1312 : vector<32xf32> to vector<32x1xf32>
    %get3A_1314 = arith.constant 800 : index
    %get3A_1315 = arith.constant 0 : index
    %get3A_1316 = vector.load %arg6[%get3A_1314, %get3A_1315] : memref<1600x1xf32, #tpu.memory_space<vmem>>, vector<32x1xf32>
    %add3A_1317 = arith.addf %broadcast_in_dim3A_1313, %get3A_1316 : vector<32x1xf32>
    %swap3A_1318 = arith.constant 800 : index
    %swap3A_1319 = arith.constant 0 : index
    %swap3A_1320 = vector.load %arg13[%swap3A_1318, %swap3A_1319] : memref<1600x1xf32, #tpu.memory_space<vmem>>, vector<32x1xf32>
    tpu.vector_store %arg13[%swap3A_1318, %swap3A_1319], %add3A_1317 {strides = array<i32>} : memref<1600x1xf32, #tpu.memory_space<vmem>>, vector<32x1xf32>,
    %dot_general3A_1321 = arith.constant dense<0.000000e+00> : vector<32x384xf32>
    %dot_general3A_1322 = tpu.matmul %add3A_1260, %get3A_67, %dot_general3A_1321 {dimension_numbers = #tpu.dot_dimension_numbers<[1], [0], [0], [1], [0, 0, 1, 1], [], []>, transpose_lhs_hint = false} : vector<32x128xf32>, vector<128x384xf32>, vector<32x384xf32> -> vector<32x384xf32>
    %dot_general3A_1323 = arith.constant dense<0.000000e+00> : vector<32x384xf32>
    %dot_general3A_1324 = tpu.matmul %add3A_1292, %get3A_67, %dot_general3A_1323 {dimension_numbers = #tpu.dot_dimension_numbers<[1], [0], [0], [1], [0, 0, 1, 1], [], []>, transpose_lhs_hint = false} : vector<32x128xf32>, vector<128x384xf32>, vector<32x384xf32> -> vector<32x384xf32>
    %slice3A_1325 = vector.extract_strided_slice %add3A_53 {offsets = [832, 0], sizes = [32, 384], strides = [1, 1]} : vector<1600x384xf32> to vector<32x384xf32>
    %slice3A_1326 = vector.extract_strided_slice %slice3A_1325 {offsets = [0, 0], sizes = [32, 128], strides = [1, 1]} : vector<32x384xf32> to vector<32x128xf32>
    %slice3A_1327 = vector.extract_strided_slice %dot_general3A_1322 {offsets = [0, 0], sizes = [32, 128], strides = [1, 1]} : vector<32x384xf32> to vector<32x128xf32>
    %add3A_1328 = arith.addf %slice3A_1326, %slice3A_1327 : vector<32x128xf32>
    %logistic3A_1329 = arith.negf %add3A_1328 : vector<32x128xf32>
    %logistic3A_1330 = math.exp %logistic3A_1329 : vector<32x128xf32>
    %logistic3A_1331 = arith.constant 1.000000e+00 : f32
    %logistic3A_1332 = vector.broadcast %logistic3A_1331 : f32 to vector<32x128xf32>
    %logistic3A_1333 = arith.addf %logistic3A_1332, %logistic3A_1330 : vector<32x128xf32>
    %logistic3A_1334 = arith.divf %logistic3A_1332, %logistic3A_1333 : vector<32x128xf32>
    %slice3A_1335 = vector.extract_strided_slice %slice3A_1325 {offsets = [0, 128], sizes = [32, 128], strides = [1, 1]} : vector<32x384xf32> to vector<32x128xf32>
    %slice3A_1336 = vector.extract_strided_slice %dot_general3A_1322 {offsets = [0, 128], sizes = [32, 128], strides = [1, 1]} : vector<32x384xf32> to vector<32x128xf32>
    %add3A_1337 = arith.addf %slice3A_1335, %slice3A_1336 : vector<32x128xf32>
    %logistic3A_1338 = arith.negf %add3A_1337 : vector<32x128xf32>
    %logistic3A_1339 = math.exp %logistic3A_1338 : vector<32x128xf32>
    %logistic3A_1340 = arith.constant 1.000000e+00 : f32
    %logistic3A_1341 = vector.broadcast %logistic3A_1340 : f32 to vector<32x128xf32>
    %logistic3A_1342 = arith.addf %logistic3A_1341, %logistic3A_1339 : vector<32x128xf32>
    %logistic3A_1343 = arith.divf %logistic3A_1341, %logistic3A_1342 : vector<32x128xf32>
    %slice3A_1344 = vector.extract_strided_slice %slice3A_1325 {offsets = [0, 256], sizes = [32, 128], strides = [1, 1]} : vector<32x384xf32> to vector<32x128xf32>
    %slice3A_1345 = vector.extract_strided_slice %dot_general3A_1322 {offsets = [0, 256], sizes = [32, 128], strides = [1, 1]} : vector<32x384xf32> to vector<32x128xf32>
    %add3A_1346 = vector.broadcast %get3A_70 : vector<1x128xf32> to vector<32x128xf32>
    %add3A_1347 = arith.addf %slice3A_1345, %add3A_1346 : vector<32x128xf32>
    %mul3A_1348 = arith.mulf %logistic3A_1334, %add3A_1347 : vector<32x128xf32>
    %add3A_1349 = arith.addf %slice3A_1344, %mul3A_1348 : vector<32x128xf32>
    %tanh3A_1350 = math.tanh %add3A_1349 : vector<32x128xf32>
    %sub3A_1351 = arith.constant 1.000000e+00 : f32
    %sub3A_1352 = vector.broadcast %sub3A_1351 : f32 to vector<32x128xf32>
    %sub3A_1353 = arith.subf %sub3A_1352, %logistic3A_1343 : vector<32x128xf32>
    %mul3A_1354 = arith.mulf %sub3A_1353, %tanh3A_1350 : vector<32x128xf32>
    %mul3A_1355 = arith.mulf %logistic3A_1343, %add3A_1260 : vector<32x128xf32>
    %add3A_1356 = arith.addf %mul3A_1354, %mul3A_1355 : vector<32x128xf32>
    %slice3A_1357 = vector.extract_strided_slice %add3A_53 {offsets = [864, 0], sizes = [32, 384], strides = [1, 1]} : vector<1600x384xf32> to vector<32x384xf32>
    %slice3A_1358 = vector.extract_strided_slice %slice3A_1357 {offsets = [0, 0], sizes = [32, 128], strides = [1, 1]} : vector<32x384xf32> to vector<32x128xf32>
    %slice3A_1359 = vector.extract_strided_slice %dot_general3A_1324 {offsets = [0, 0], sizes = [32, 128], strides = [1, 1]} : vector<32x384xf32> to vector<32x128xf32>
    %add3A_1360 = arith.addf %slice3A_1358, %slice3A_1359 : vector<32x128xf32>
    %logistic3A_1361 = arith.negf %add3A_1360 : vector<32x128xf32>
    %logistic3A_1362 = math.exp %logistic3A_1361 : vector<32x128xf32>
    %logistic3A_1363 = arith.constant 1.000000e+00 : f32
    %logistic3A_1364 = vector.broadcast %logistic3A_1363 : f32 to vector<32x128xf32>
    %logistic3A_1365 = arith.addf %logistic3A_1364, %logistic3A_1362 : vector<32x128xf32>
    %logistic3A_1366 = arith.divf %logistic3A_1364, %logistic3A_1365 : vector<32x128xf32>
    %slice3A_1367 = vector.extract_strided_slice %slice3A_1357 {offsets = [0, 128], sizes = [32, 128], strides = [1, 1]} : vector<32x384xf32> to vector<32x128xf32>
    %slice3A_1368 = vector.extract_strided_slice %dot_general3A_1324 {offsets = [0, 128], sizes = [32, 128], strides = [1, 1]} : vector<32x384xf32> to vector<32x128xf32>
    %add3A_1369 = arith.addf %slice3A_1367, %slice3A_1368 : vector<32x128xf32>
    %logistic3A_1370 = arith.negf %add3A_1369 : vector<32x128xf32>
    %logistic3A_1371 = math.exp %logistic3A_1370 : vector<32x128xf32>
    %logistic3A_1372 = arith.constant 1.000000e+00 : f32
    %logistic3A_1373 = vector.broadcast %logistic3A_1372 : f32 to vector<32x128xf32>
    %logistic3A_1374 = arith.addf %logistic3A_1373, %logistic3A_1371 : vector<32x128xf32>
    %logistic3A_1375 = arith.divf %logistic3A_1373, %logistic3A_1374 : vector<32x128xf32>
    %slice3A_1376 = vector.extract_strided_slice %slice3A_1357 {offsets = [0, 256], sizes = [32, 128], strides = [1, 1]} : vector<32x384xf32> to vector<32x128xf32>
    %slice3A_1377 = vector.extract_strided_slice %dot_general3A_1324 {offsets = [0, 256], sizes = [32, 128], strides = [1, 1]} : vector<32x384xf32> to vector<32x128xf32>
    %add3A_1378 = vector.broadcast %get3A_70 : vector<1x128xf32> to vector<32x128xf32>
    %add3A_1379 = arith.addf %slice3A_1377, %add3A_1378 : vector<32x128xf32>
    %mul3A_1380 = arith.mulf %logistic3A_1366, %add3A_1379 : vector<32x128xf32>
    %add3A_1381 = arith.addf %slice3A_1376, %mul3A_1380 : vector<32x128xf32>
    %tanh3A_1382 = math.tanh %add3A_1381 : vector<32x128xf32>
    %sub3A_1383 = arith.constant 1.000000e+00 : f32
    %sub3A_1384 = vector.broadcast %sub3A_1383 : f32 to vector<32x128xf32>
    %sub3A_1385 = arith.subf %sub3A_1384, %logistic3A_1375 : vector<32x128xf32>
    %mul3A_1386 = arith.mulf %sub3A_1385, %tanh3A_1382 : vector<32x128xf32>
    %mul3A_1387 = arith.mulf %logistic3A_1375, %add3A_1292 : vector<32x128xf32>
    %add3A_1388 = arith.addf %mul3A_1386, %mul3A_1387 : vector<32x128xf32>
    %get3A_1389 = arith.constant 832 : index
    %get3A_1390 = arith.constant 0 : index
    %get3A_1391 = vector.load %arg5[%get3A_1389, %get3A_1390] : memref<1600x128xf32, #tpu.memory_space<vmem>>, vector<32x128xf32>
    %mul3A_1392 = arith.mulf %add3A_1356, %get3A_1391 : vector<32x128xf32>
    %reduce_sum3A_1393 = arith.constant dense<0.000000e+00> : vector<32xf32>
    %reduce_sum3A_1394 = vector.multi_reduction <add>, %mul3A_1392, %reduce_sum3A_1393 [1] : vector<32x128xf32> to vector<32xf32>
    %broadcast_in_dim3A_1395 = vector.shape_cast %reduce_sum3A_1394 : vector<32xf32> to vector<32x1xf32>
    %get3A_1396 = arith.constant 832 : index
    %get3A_1397 = arith.constant 0 : index
    %get3A_1398 = vector.load %arg6[%get3A_1396, %get3A_1397] : memref<1600x1xf32, #tpu.memory_space<vmem>>, vector<32x1xf32>
    %add3A_1399 = arith.addf %broadcast_in_dim3A_1395, %get3A_1398 : vector<32x1xf32>
    %swap3A_1400 = arith.constant 832 : index
    %swap3A_1401 = arith.constant 0 : index
    %swap3A_1402 = vector.load %arg13[%swap3A_1400, %swap3A_1401] : memref<1600x1xf32, #tpu.memory_space<vmem>>, vector<32x1xf32>
    tpu.vector_store %arg13[%swap3A_1400, %swap3A_1401], %add3A_1399 {strides = array<i32>} : memref<1600x1xf32, #tpu.memory_space<vmem>>, vector<32x1xf32>,
    %get3A_1403 = arith.constant 864 : index
    %get3A_1404 = arith.constant 0 : index
    %get3A_1405 = vector.load %arg5[%get3A_1403, %get3A_1404] : memref<1600x128xf32, #tpu.memory_space<vmem>>, vector<32x128xf32>
    %mul3A_1406 = arith.mulf %add3A_1388, %get3A_1405 : vector<32x128xf32>
    %reduce_sum3A_1407 = arith.constant dense<0.000000e+00> : vector<32xf32>
    %reduce_sum3A_1408 = vector.multi_reduction <add>, %mul3A_1406, %reduce_sum3A_1407 [1] : vector<32x128xf32> to vector<32xf32>
    %broadcast_in_dim3A_1409 = vector.shape_cast %reduce_sum3A_1408 : vector<32xf32> to vector<32x1xf32>
    %get3A_1410 = arith.constant 864 : index
    %get3A_1411 = arith.constant 0 : index
    %get3A_1412 = vector.load %arg6[%get3A_1410, %get3A_1411] : memref<1600x1xf32, #tpu.memory_space<vmem>>, vector<32x1xf32>
    %add3A_1413 = arith.addf %broadcast_in_dim3A_1409, %get3A_1412 : vector<32x1xf32>
    %swap3A_1414 = arith.constant 864 : index
    %swap3A_1415 = arith.constant 0 : index
    %swap3A_1416 = vector.load %arg13[%swap3A_1414, %swap3A_1415] : memref<1600x1xf32, #tpu.memory_space<vmem>>, vector<32x1xf32>
    tpu.vector_store %arg13[%swap3A_1414, %swap3A_1415], %add3A_1413 {strides = array<i32>} : memref<1600x1xf32, #tpu.memory_space<vmem>>, vector<32x1xf32>,
    %dot_general3A_1417 = arith.constant dense<0.000000e+00> : vector<32x384xf32>
    %dot_general3A_1418 = tpu.matmul %add3A_1356, %get3A_67, %dot_general3A_1417 {dimension_numbers = #tpu.dot_dimension_numbers<[1], [0], [0], [1], [0, 0, 1, 1], [], []>, transpose_lhs_hint = false} : vector<32x128xf32>, vector<128x384xf32>, vector<32x384xf32> -> vector<32x384xf32>
    %dot_general3A_1419 = arith.constant dense<0.000000e+00> : vector<32x384xf32>
    %dot_general3A_1420 = tpu.matmul %add3A_1388, %get3A_67, %dot_general3A_1419 {dimension_numbers = #tpu.dot_dimension_numbers<[1], [0], [0], [1], [0, 0, 1, 1], [], []>, transpose_lhs_hint = false} : vector<32x128xf32>, vector<128x384xf32>, vector<32x384xf32> -> vector<32x384xf32>
    %slice3A_1421 = vector.extract_strided_slice %add3A_53 {offsets = [896, 0], sizes = [32, 384], strides = [1, 1]} : vector<1600x384xf32> to vector<32x384xf32>
    %slice3A_1422 = vector.extract_strided_slice %slice3A_1421 {offsets = [0, 0], sizes = [32, 128], strides = [1, 1]} : vector<32x384xf32> to vector<32x128xf32>
    %slice3A_1423 = vector.extract_strided_slice %dot_general3A_1418 {offsets = [0, 0], sizes = [32, 128], strides = [1, 1]} : vector<32x384xf32> to vector<32x128xf32>
    %add3A_1424 = arith.addf %slice3A_1422, %slice3A_1423 : vector<32x128xf32>
    %logistic3A_1425 = arith.negf %add3A_1424 : vector<32x128xf32>
    %logistic3A_1426 = math.exp %logistic3A_1425 : vector<32x128xf32>
    %logistic3A_1427 = arith.constant 1.000000e+00 : f32
    %logistic3A_1428 = vector.broadcast %logistic3A_1427 : f32 to vector<32x128xf32>
    %logistic3A_1429 = arith.addf %logistic3A_1428, %logistic3A_1426 : vector<32x128xf32>
    %logistic3A_1430 = arith.divf %logistic3A_1428, %logistic3A_1429 : vector<32x128xf32>
    %slice3A_1431 = vector.extract_strided_slice %slice3A_1421 {offsets = [0, 128], sizes = [32, 128], strides = [1, 1]} : vector<32x384xf32> to vector<32x128xf32>
    %slice3A_1432 = vector.extract_strided_slice %dot_general3A_1418 {offsets = [0, 128], sizes = [32, 128], strides = [1, 1]} : vector<32x384xf32> to vector<32x128xf32>
    %add3A_1433 = arith.addf %slice3A_1431, %slice3A_1432 : vector<32x128xf32>
    %logistic3A_1434 = arith.negf %add3A_1433 : vector<32x128xf32>
    %logistic3A_1435 = math.exp %logistic3A_1434 : vector<32x128xf32>
    %logistic3A_1436 = arith.constant 1.000000e+00 : f32
    %logistic3A_1437 = vector.broadcast %logistic3A_1436 : f32 to vector<32x128xf32>
    %logistic3A_1438 = arith.addf %logistic3A_1437, %logistic3A_1435 : vector<32x128xf32>
    %logistic3A_1439 = arith.divf %logistic3A_1437, %logistic3A_1438 : vector<32x128xf32>
    %slice3A_1440 = vector.extract_strided_slice %slice3A_1421 {offsets = [0, 256], sizes = [32, 128], strides = [1, 1]} : vector<32x384xf32> to vector<32x128xf32>
    %slice3A_1441 = vector.extract_strided_slice %dot_general3A_1418 {offsets = [0, 256], sizes = [32, 128], strides = [1, 1]} : vector<32x384xf32> to vector<32x128xf32>
    %add3A_1442 = vector.broadcast %get3A_70 : vector<1x128xf32> to vector<32x128xf32>
    %add3A_1443 = arith.addf %slice3A_1441, %add3A_1442 : vector<32x128xf32>
    %mul3A_1444 = arith.mulf %logistic3A_1430, %add3A_1443 : vector<32x128xf32>
    %add3A_1445 = arith.addf %slice3A_1440, %mul3A_1444 : vector<32x128xf32>
    %tanh3A_1446 = math.tanh %add3A_1445 : vector<32x128xf32>
    %sub3A_1447 = arith.constant 1.000000e+00 : f32
    %sub3A_1448 = vector.broadcast %sub3A_1447 : f32 to vector<32x128xf32>
    %sub3A_1449 = arith.subf %sub3A_1448, %logistic3A_1439 : vector<32x128xf32>
    %mul3A_1450 = arith.mulf %sub3A_1449, %tanh3A_1446 : vector<32x128xf32>
    %mul3A_1451 = arith.mulf %logistic3A_1439, %add3A_1356 : vector<32x128xf32>
    %add3A_1452 = arith.addf %mul3A_1450, %mul3A_1451 : vector<32x128xf32>
    %slice3A_1453 = vector.extract_strided_slice %add3A_53 {offsets = [928, 0], sizes = [32, 384], strides = [1, 1]} : vector<1600x384xf32> to vector<32x384xf32>
    %slice3A_1454 = vector.extract_strided_slice %slice3A_1453 {offsets = [0, 0], sizes = [32, 128], strides = [1, 1]} : vector<32x384xf32> to vector<32x128xf32>
    %slice3A_1455 = vector.extract_strided_slice %dot_general3A_1420 {offsets = [0, 0], sizes = [32, 128], strides = [1, 1]} : vector<32x384xf32> to vector<32x128xf32>
    %add3A_1456 = arith.addf %slice3A_1454, %slice3A_1455 : vector<32x128xf32>
    %logistic3A_1457 = arith.negf %add3A_1456 : vector<32x128xf32>
    %logistic3A_1458 = math.exp %logistic3A_1457 : vector<32x128xf32>
    %logistic3A_1459 = arith.constant 1.000000e+00 : f32
    %logistic3A_1460 = vector.broadcast %logistic3A_1459 : f32 to vector<32x128xf32>
    %logistic3A_1461 = arith.addf %logistic3A_1460, %logistic3A_1458 : vector<32x128xf32>
    %logistic3A_1462 = arith.divf %logistic3A_1460, %logistic3A_1461 : vector<32x128xf32>
    %slice3A_1463 = vector.extract_strided_slice %slice3A_1453 {offsets = [0, 128], sizes = [32, 128], strides = [1, 1]} : vector<32x384xf32> to vector<32x128xf32>
    %slice3A_1464 = vector.extract_strided_slice %dot_general3A_1420 {offsets = [0, 128], sizes = [32, 128], strides = [1, 1]} : vector<32x384xf32> to vector<32x128xf32>
    %add3A_1465 = arith.addf %slice3A_1463, %slice3A_1464 : vector<32x128xf32>
    %logistic3A_1466 = arith.negf %add3A_1465 : vector<32x128xf32>
    %logistic3A_1467 = math.exp %logistic3A_1466 : vector<32x128xf32>
    %logistic3A_1468 = arith.constant 1.000000e+00 : f32
    %logistic3A_1469 = vector.broadcast %logistic3A_1468 : f32 to vector<32x128xf32>
    %logistic3A_1470 = arith.addf %logistic3A_1469, %logistic3A_1467 : vector<32x128xf32>
    %logistic3A_1471 = arith.divf %logistic3A_1469, %logistic3A_1470 : vector<32x128xf32>
    %slice3A_1472 = vector.extract_strided_slice %slice3A_1453 {offsets = [0, 256], sizes = [32, 128], strides = [1, 1]} : vector<32x384xf32> to vector<32x128xf32>
    %slice3A_1473 = vector.extract_strided_slice %dot_general3A_1420 {offsets = [0, 256], sizes = [32, 128], strides = [1, 1]} : vector<32x384xf32> to vector<32x128xf32>
    %add3A_1474 = vector.broadcast %get3A_70 : vector<1x128xf32> to vector<32x128xf32>
    %add3A_1475 = arith.addf %slice3A_1473, %add3A_1474 : vector<32x128xf32>
    %mul3A_1476 = arith.mulf %logistic3A_1462, %add3A_1475 : vector<32x128xf32>
    %add3A_1477 = arith.addf %slice3A_1472, %mul3A_1476 : vector<32x128xf32>
    %tanh3A_1478 = math.tanh %add3A_1477 : vector<32x128xf32>
    %sub3A_1479 = arith.constant 1.000000e+00 : f32
    %sub3A_1480 = vector.broadcast %sub3A_1479 : f32 to vector<32x128xf32>
    %sub3A_1481 = arith.subf %sub3A_1480, %logistic3A_1471 : vector<32x128xf32>
    %mul3A_1482 = arith.mulf %sub3A_1481, %tanh3A_1478 : vector<32x128xf32>
    %mul3A_1483 = arith.mulf %logistic3A_1471, %add3A_1388 : vector<32x128xf32>
    %add3A_1484 = arith.addf %mul3A_1482, %mul3A_1483 : vector<32x128xf32>
    %get3A_1485 = arith.constant 896 : index
    %get3A_1486 = arith.constant 0 : index
    %get3A_1487 = vector.load %arg5[%get3A_1485, %get3A_1486] : memref<1600x128xf32, #tpu.memory_space<vmem>>, vector<32x128xf32>
    %mul3A_1488 = arith.mulf %add3A_1452, %get3A_1487 : vector<32x128xf32>
    %reduce_sum3A_1489 = arith.constant dense<0.000000e+00> : vector<32xf32>
    %reduce_sum3A_1490 = vector.multi_reduction <add>, %mul3A_1488, %reduce_sum3A_1489 [1] : vector<32x128xf32> to vector<32xf32>
    %broadcast_in_dim3A_1491 = vector.shape_cast %reduce_sum3A_1490 : vector<32xf32> to vector<32x1xf32>
    %get3A_1492 = arith.constant 896 : index
    %get3A_1493 = arith.constant 0 : index
    %get3A_1494 = vector.load %arg6[%get3A_1492, %get3A_1493] : memref<1600x1xf32, #tpu.memory_space<vmem>>, vector<32x1xf32>
    %add3A_1495 = arith.addf %broadcast_in_dim3A_1491, %get3A_1494 : vector<32x1xf32>
    %swap3A_1496 = arith.constant 896 : index
    %swap3A_1497 = arith.constant 0 : index
    %swap3A_1498 = vector.load %arg13[%swap3A_1496, %swap3A_1497] : memref<1600x1xf32, #tpu.memory_space<vmem>>, vector<32x1xf32>
    tpu.vector_store %arg13[%swap3A_1496, %swap3A_1497], %add3A_1495 {strides = array<i32>} : memref<1600x1xf32, #tpu.memory_space<vmem>>, vector<32x1xf32>,
    %get3A_1499 = arith.constant 928 : index
    %get3A_1500 = arith.constant 0 : index
    %get3A_1501 = vector.load %arg5[%get3A_1499, %get3A_1500] : memref<1600x128xf32, #tpu.memory_space<vmem>>, vector<32x128xf32>
    %mul3A_1502 = arith.mulf %add3A_1484, %get3A_1501 : vector<32x128xf32>
    %reduce_sum3A_1503 = arith.constant dense<0.000000e+00> : vector<32xf32>
    %reduce_sum3A_1504 = vector.multi_reduction <add>, %mul3A_1502, %reduce_sum3A_1503 [1] : vector<32x128xf32> to vector<32xf32>
    %broadcast_in_dim3A_1505 = vector.shape_cast %reduce_sum3A_1504 : vector<32xf32> to vector<32x1xf32>
    %get3A_1506 = arith.constant 928 : index
    %get3A_1507 = arith.constant 0 : index
    %get3A_1508 = vector.load %arg6[%get3A_1506, %get3A_1507] : memref<1600x1xf32, #tpu.memory_space<vmem>>, vector<32x1xf32>
    %add3A_1509 = arith.addf %broadcast_in_dim3A_1505, %get3A_1508 : vector<32x1xf32>
    %swap3A_1510 = arith.constant 928 : index
    %swap3A_1511 = arith.constant 0 : index
    %swap3A_1512 = vector.load %arg13[%swap3A_1510, %swap3A_1511] : memref<1600x1xf32, #tpu.memory_space<vmem>>, vector<32x1xf32>
    tpu.vector_store %arg13[%swap3A_1510, %swap3A_1511], %add3A_1509 {strides = array<i32>} : memref<1600x1xf32, #tpu.memory_space<vmem>>, vector<32x1xf32>,
    %dot_general3A_1513 = arith.constant dense<0.000000e+00> : vector<32x384xf32>
    %dot_general3A_1514 = tpu.matmul %add3A_1452, %get3A_67, %dot_general3A_1513 {dimension_numbers = #tpu.dot_dimension_numbers<[1], [0], [0], [1], [0, 0, 1, 1], [], []>, transpose_lhs_hint = false} : vector<32x128xf32>, vector<128x384xf32>, vector<32x384xf32> -> vector<32x384xf32>
    %dot_general3A_1515 = arith.constant dense<0.000000e+00> : vector<32x384xf32>
    %dot_general3A_1516 = tpu.matmul %add3A_1484, %get3A_67, %dot_general3A_1515 {dimension_numbers = #tpu.dot_dimension_numbers<[1], [0], [0], [1], [0, 0, 1, 1], [], []>, transpose_lhs_hint = false} : vector<32x128xf32>, vector<128x384xf32>, vector<32x384xf32> -> vector<32x384xf32>
    %slice3A_1517 = vector.extract_strided_slice %add3A_53 {offsets = [960, 0], sizes = [32, 384], strides = [1, 1]} : vector<1600x384xf32> to vector<32x384xf32>
    %slice3A_1518 = vector.extract_strided_slice %slice3A_1517 {offsets = [0, 0], sizes = [32, 128], strides = [1, 1]} : vector<32x384xf32> to vector<32x128xf32>
    %slice3A_1519 = vector.extract_strided_slice %dot_general3A_1514 {offsets = [0, 0], sizes = [32, 128], strides = [1, 1]} : vector<32x384xf32> to vector<32x128xf32>
    %add3A_1520 = arith.addf %slice3A_1518, %slice3A_1519 : vector<32x128xf32>
    %logistic3A_1521 = arith.negf %add3A_1520 : vector<32x128xf32>
    %logistic3A_1522 = math.exp %logistic3A_1521 : vector<32x128xf32>
    %logistic3A_1523 = arith.constant 1.000000e+00 : f32
    %logistic3A_1524 = vector.broadcast %logistic3A_1523 : f32 to vector<32x128xf32>
    %logistic3A_1525 = arith.addf %logistic3A_1524, %logistic3A_1522 : vector<32x128xf32>
    %logistic3A_1526 = arith.divf %logistic3A_1524, %logistic3A_1525 : vector<32x128xf32>
    %slice3A_1527 = vector.extract_strided_slice %slice3A_1517 {offsets = [0, 128], sizes = [32, 128], strides = [1, 1]} : vector<32x384xf32> to vector<32x128xf32>
    %slice3A_1528 = vector.extract_strided_slice %dot_general3A_1514 {offsets = [0, 128], sizes = [32, 128], strides = [1, 1]} : vector<32x384xf32> to vector<32x128xf32>
    %add3A_1529 = arith.addf %slice3A_1527, %slice3A_1528 : vector<32x128xf32>
    %logistic3A_1530 = arith.negf %add3A_1529 : vector<32x128xf32>
    %logistic3A_1531 = math.exp %logistic3A_1530 : vector<32x128xf32>
    %logistic3A_1532 = arith.constant 1.000000e+00 : f32
    %logistic3A_1533 = vector.broadcast %logistic3A_1532 : f32 to vector<32x128xf32>
    %logistic3A_1534 = arith.addf %logistic3A_1533, %logistic3A_1531 : vector<32x128xf32>
    %logistic3A_1535 = arith.divf %logistic3A_1533, %logistic3A_1534 : vector<32x128xf32>
    %slice3A_1536 = vector.extract_strided_slice %slice3A_1517 {offsets = [0, 256], sizes = [32, 128], strides = [1, 1]} : vector<32x384xf32> to vector<32x128xf32>
    %slice3A_1537 = vector.extract_strided_slice %dot_general3A_1514 {offsets = [0, 256], sizes = [32, 128], strides = [1, 1]} : vector<32x384xf32> to vector<32x128xf32>
    %add3A_1538 = vector.broadcast %get3A_70 : vector<1x128xf32> to vector<32x128xf32>
    %add3A_1539 = arith.addf %slice3A_1537, %add3A_1538 : vector<32x128xf32>
    %mul3A_1540 = arith.mulf %logistic3A_1526, %add3A_1539 : vector<32x128xf32>
    %add3A_1541 = arith.addf %slice3A_1536, %mul3A_1540 : vector<32x128xf32>
    %tanh3A_1542 = math.tanh %add3A_1541 : vector<32x128xf32>
    %sub3A_1543 = arith.constant 1.000000e+00 : f32
    %sub3A_1544 = vector.broadcast %sub3A_1543 : f32 to vector<32x128xf32>
    %sub3A_1545 = arith.subf %sub3A_1544, %logistic3A_1535 : vector<32x128xf32>
    %mul3A_1546 = arith.mulf %sub3A_1545, %tanh3A_1542 : vector<32x128xf32>
    %mul3A_1547 = arith.mulf %logistic3A_1535, %add3A_1452 : vector<32x128xf32>
    %add3A_1548 = arith.addf %mul3A_1546, %mul3A_1547 : vector<32x128xf32>
    %slice3A_1549 = vector.extract_strided_slice %add3A_53 {offsets = [992, 0], sizes = [32, 384], strides = [1, 1]} : vector<1600x384xf32> to vector<32x384xf32>
    %slice3A_1550 = vector.extract_strided_slice %slice3A_1549 {offsets = [0, 0], sizes = [32, 128], strides = [1, 1]} : vector<32x384xf32> to vector<32x128xf32>
    %slice3A_1551 = vector.extract_strided_slice %dot_general3A_1516 {offsets = [0, 0], sizes = [32, 128], strides = [1, 1]} : vector<32x384xf32> to vector<32x128xf32>
    %add3A_1552 = arith.addf %slice3A_1550, %slice3A_1551 : vector<32x128xf32>
    %logistic3A_1553 = arith.negf %add3A_1552 : vector<32x128xf32>
    %logistic3A_1554 = math.exp %logistic3A_1553 : vector<32x128xf32>
    %logistic3A_1555 = arith.constant 1.000000e+00 : f32
    %logistic3A_1556 = vector.broadcast %logistic3A_1555 : f32 to vector<32x128xf32>
    %logistic3A_1557 = arith.addf %logistic3A_1556, %logistic3A_1554 : vector<32x128xf32>
    %logistic3A_1558 = arith.divf %logistic3A_1556, %logistic3A_1557 : vector<32x128xf32>
    %slice3A_1559 = vector.extract_strided_slice %slice3A_1549 {offsets = [0, 128], sizes = [32, 128], strides = [1, 1]} : vector<32x384xf32> to vector<32x128xf32>
    %slice3A_1560 = vector.extract_strided_slice %dot_general3A_1516 {offsets = [0, 128], sizes = [32, 128], strides = [1, 1]} : vector<32x384xf32> to vector<32x128xf32>
    %add3A_1561 = arith.addf %slice3A_1559, %slice3A_1560 : vector<32x128xf32>
    %logistic3A_1562 = arith.negf %add3A_1561 : vector<32x128xf32>
    %logistic3A_1563 = math.exp %logistic3A_1562 : vector<32x128xf32>
    %logistic3A_1564 = arith.constant 1.000000e+00 : f32
    %logistic3A_1565 = vector.broadcast %logistic3A_1564 : f32 to vector<32x128xf32>
    %logistic3A_1566 = arith.addf %logistic3A_1565, %logistic3A_1563 : vector<32x128xf32>
    %logistic3A_1567 = arith.divf %logistic3A_1565, %logistic3A_1566 : vector<32x128xf32>
    %slice3A_1568 = vector.extract_strided_slice %slice3A_1549 {offsets = [0, 256], sizes = [32, 128], strides = [1, 1]} : vector<32x384xf32> to vector<32x128xf32>
    %slice3A_1569 = vector.extract_strided_slice %dot_general3A_1516 {offsets = [0, 256], sizes = [32, 128], strides = [1, 1]} : vector<32x384xf32> to vector<32x128xf32>
    %add3A_1570 = vector.broadcast %get3A_70 : vector<1x128xf32> to vector<32x128xf32>
    %add3A_1571 = arith.addf %slice3A_1569, %add3A_1570 : vector<32x128xf32>
    %mul3A_1572 = arith.mulf %logistic3A_1558, %add3A_1571 : vector<32x128xf32>
    %add3A_1573 = arith.addf %slice3A_1568, %mul3A_1572 : vector<32x128xf32>
    %tanh3A_1574 = math.tanh %add3A_1573 : vector<32x128xf32>
    %sub3A_1575 = arith.constant 1.000000e+00 : f32
    %sub3A_1576 = vector.broadcast %sub3A_1575 : f32 to vector<32x128xf32>
    %sub3A_1577 = arith.subf %sub3A_1576, %logistic3A_1567 : vector<32x128xf32>
    %mul3A_1578 = arith.mulf %sub3A_1577, %tanh3A_1574 : vector<32x128xf32>
    %mul3A_1579 = arith.mulf %logistic3A_1567, %add3A_1484 : vector<32x128xf32>
    %add3A_1580 = arith.addf %mul3A_1578, %mul3A_1579 : vector<32x128xf32>
    %get3A_1581 = arith.constant 960 : index
    %get3A_1582 = arith.constant 0 : index
    %get3A_1583 = vector.load %arg5[%get3A_1581, %get3A_1582] : memref<1600x128xf32, #tpu.memory_space<vmem>>, vector<32x128xf32>
    %mul3A_1584 = arith.mulf %add3A_1548, %get3A_1583 : vector<32x128xf32>
    %reduce_sum3A_1585 = arith.constant dense<0.000000e+00> : vector<32xf32>
    %reduce_sum3A_1586 = vector.multi_reduction <add>, %mul3A_1584, %reduce_sum3A_1585 [1] : vector<32x128xf32> to vector<32xf32>
    %broadcast_in_dim3A_1587 = vector.shape_cast %reduce_sum3A_1586 : vector<32xf32> to vector<32x1xf32>
    %get3A_1588 = arith.constant 960 : index
    %get3A_1589 = arith.constant 0 : index
    %get3A_1590 = vector.load %arg6[%get3A_1588, %get3A_1589] : memref<1600x1xf32, #tpu.memory_space<vmem>>, vector<32x1xf32>
    %add3A_1591 = arith.addf %broadcast_in_dim3A_1587, %get3A_1590 : vector<32x1xf32>
    %swap3A_1592 = arith.constant 960 : index
    %swap3A_1593 = arith.constant 0 : index
    %swap3A_1594 = vector.load %arg13[%swap3A_1592, %swap3A_1593] : memref<1600x1xf32, #tpu.memory_space<vmem>>, vector<32x1xf32>
    tpu.vector_store %arg13[%swap3A_1592, %swap3A_1593], %add3A_1591 {strides = array<i32>} : memref<1600x1xf32, #tpu.memory_space<vmem>>, vector<32x1xf32>,
    %get3A_1595 = arith.constant 992 : index
    %get3A_1596 = arith.constant 0 : index
    %get3A_1597 = vector.load %arg5[%get3A_1595, %get3A_1596] : memref<1600x128xf32, #tpu.memory_space<vmem>>, vector<32x128xf32>
    %mul3A_1598 = arith.mulf %add3A_1580, %get3A_1597 : vector<32x128xf32>
    %reduce_sum3A_1599 = arith.constant dense<0.000000e+00> : vector<32xf32>
    %reduce_sum3A_1600 = vector.multi_reduction <add>, %mul3A_1598, %reduce_sum3A_1599 [1] : vector<32x128xf32> to vector<32xf32>
    %broadcast_in_dim3A_1601 = vector.shape_cast %reduce_sum3A_1600 : vector<32xf32> to vector<32x1xf32>
    %get3A_1602 = arith.constant 992 : index
    %get3A_1603 = arith.constant 0 : index
    %get3A_1604 = vector.load %arg6[%get3A_1602, %get3A_1603] : memref<1600x1xf32, #tpu.memory_space<vmem>>, vector<32x1xf32>
    %add3A_1605 = arith.addf %broadcast_in_dim3A_1601, %get3A_1604 : vector<32x1xf32>
    %swap3A_1606 = arith.constant 992 : index
    %swap3A_1607 = arith.constant 0 : index
    %swap3A_1608 = vector.load %arg13[%swap3A_1606, %swap3A_1607] : memref<1600x1xf32, #tpu.memory_space<vmem>>, vector<32x1xf32>
    tpu.vector_store %arg13[%swap3A_1606, %swap3A_1607], %add3A_1605 {strides = array<i32>} : memref<1600x1xf32, #tpu.memory_space<vmem>>, vector<32x1xf32>,
    %dot_general3A_1609 = arith.constant dense<0.000000e+00> : vector<32x384xf32>
    %dot_general3A_1610 = tpu.matmul %add3A_1548, %get3A_67, %dot_general3A_1609 {dimension_numbers = #tpu.dot_dimension_numbers<[1], [0], [0], [1], [0, 0, 1, 1], [], []>, transpose_lhs_hint = false} : vector<32x128xf32>, vector<128x384xf32>, vector<32x384xf32> -> vector<32x384xf32>
    %dot_general3A_1611 = arith.constant dense<0.000000e+00> : vector<32x384xf32>
    %dot_general3A_1612 = tpu.matmul %add3A_1580, %get3A_67, %dot_general3A_1611 {dimension_numbers = #tpu.dot_dimension_numbers<[1], [0], [0], [1], [0, 0, 1, 1], [], []>, transpose_lhs_hint = false} : vector<32x128xf32>, vector<128x384xf32>, vector<32x384xf32> -> vector<32x384xf32>
    %slice3A_1613 = vector.extract_strided_slice %add3A_53 {offsets = [1024, 0], sizes = [32, 384], strides = [1, 1]} : vector<1600x384xf32> to vector<32x384xf32>
    %slice3A_1614 = vector.extract_strided_slice %slice3A_1613 {offsets = [0, 0], sizes = [32, 128], strides = [1, 1]} : vector<32x384xf32> to vector<32x128xf32>
    %slice3A_1615 = vector.extract_strided_slice %dot_general3A_1610 {offsets = [0, 0], sizes = [32, 128], strides = [1, 1]} : vector<32x384xf32> to vector<32x128xf32>
    %add3A_1616 = arith.addf %slice3A_1614, %slice3A_1615 : vector<32x128xf32>
    %logistic3A_1617 = arith.negf %add3A_1616 : vector<32x128xf32>
    %logistic3A_1618 = math.exp %logistic3A_1617 : vector<32x128xf32>
    %logistic3A_1619 = arith.constant 1.000000e+00 : f32
    %logistic3A_1620 = vector.broadcast %logistic3A_1619 : f32 to vector<32x128xf32>
    %logistic3A_1621 = arith.addf %logistic3A_1620, %logistic3A_1618 : vector<32x128xf32>
    %logistic3A_1622 = arith.divf %logistic3A_1620, %logistic3A_1621 : vector<32x128xf32>
    %slice3A_1623 = vector.extract_strided_slice %slice3A_1613 {offsets = [0, 128], sizes = [32, 128], strides = [1, 1]} : vector<32x384xf32> to vector<32x128xf32>
    %slice3A_1624 = vector.extract_strided_slice %dot_general3A_1610 {offsets = [0, 128], sizes = [32, 128], strides = [1, 1]} : vector<32x384xf32> to vector<32x128xf32>
    %add3A_1625 = arith.addf %slice3A_1623, %slice3A_1624 : vector<32x128xf32>
    %logistic3A_1626 = arith.negf %add3A_1625 : vector<32x128xf32>
    %logistic3A_1627 = math.exp %logistic3A_1626 : vector<32x128xf32>
    %logistic3A_1628 = arith.constant 1.000000e+00 : f32
    %logistic3A_1629 = vector.broadcast %logistic3A_1628 : f32 to vector<32x128xf32>
    %logistic3A_1630 = arith.addf %logistic3A_1629, %logistic3A_1627 : vector<32x128xf32>
    %logistic3A_1631 = arith.divf %logistic3A_1629, %logistic3A_1630 : vector<32x128xf32>
    %slice3A_1632 = vector.extract_strided_slice %slice3A_1613 {offsets = [0, 256], sizes = [32, 128], strides = [1, 1]} : vector<32x384xf32> to vector<32x128xf32>
    %slice3A_1633 = vector.extract_strided_slice %dot_general3A_1610 {offsets = [0, 256], sizes = [32, 128], strides = [1, 1]} : vector<32x384xf32> to vector<32x128xf32>
    %add3A_1634 = vector.broadcast %get3A_70 : vector<1x128xf32> to vector<32x128xf32>
    %add3A_1635 = arith.addf %slice3A_1633, %add3A_1634 : vector<32x128xf32>
    %mul3A_1636 = arith.mulf %logistic3A_1622, %add3A_1635 : vector<32x128xf32>
    %add3A_1637 = arith.addf %slice3A_1632, %mul3A_1636 : vector<32x128xf32>
    %tanh3A_1638 = math.tanh %add3A_1637 : vector<32x128xf32>
    %sub3A_1639 = arith.constant 1.000000e+00 : f32
    %sub3A_1640 = vector.broadcast %sub3A_1639 : f32 to vector<32x128xf32>
    %sub3A_1641 = arith.subf %sub3A_1640, %logistic3A_1631 : vector<32x128xf32>
    %mul3A_1642 = arith.mulf %sub3A_1641, %tanh3A_1638 : vector<32x128xf32>
    %mul3A_1643 = arith.mulf %logistic3A_1631, %add3A_1548 : vector<32x128xf32>
    %add3A_1644 = arith.addf %mul3A_1642, %mul3A_1643 : vector<32x128xf32>
    %slice3A_1645 = vector.extract_strided_slice %add3A_53 {offsets = [1056, 0], sizes = [32, 384], strides = [1, 1]} : vector<1600x384xf32> to vector<32x384xf32>
    %slice3A_1646 = vector.extract_strided_slice %slice3A_1645 {offsets = [0, 0], sizes = [32, 128], strides = [1, 1]} : vector<32x384xf32> to vector<32x128xf32>
    %slice3A_1647 = vector.extract_strided_slice %dot_general3A_1612 {offsets = [0, 0], sizes = [32, 128], strides = [1, 1]} : vector<32x384xf32> to vector<32x128xf32>
    %add3A_1648 = arith.addf %slice3A_1646, %slice3A_1647 : vector<32x128xf32>
    %logistic3A_1649 = arith.negf %add3A_1648 : vector<32x128xf32>
    %logistic3A_1650 = math.exp %logistic3A_1649 : vector<32x128xf32>
    %logistic3A_1651 = arith.constant 1.000000e+00 : f32
    %logistic3A_1652 = vector.broadcast %logistic3A_1651 : f32 to vector<32x128xf32>
    %logistic3A_1653 = arith.addf %logistic3A_1652, %logistic3A_1650 : vector<32x128xf32>
    %logistic3A_1654 = arith.divf %logistic3A_1652, %logistic3A_1653 : vector<32x128xf32>
    %slice3A_1655 = vector.extract_strided_slice %slice3A_1645 {offsets = [0, 128], sizes = [32, 128], strides = [1, 1]} : vector<32x384xf32> to vector<32x128xf32>
    %slice3A_1656 = vector.extract_strided_slice %dot_general3A_1612 {offsets = [0, 128], sizes = [32, 128], strides = [1, 1]} : vector<32x384xf32> to vector<32x128xf32>
    %add3A_1657 = arith.addf %slice3A_1655, %slice3A_1656 : vector<32x128xf32>
    %logistic3A_1658 = arith.negf %add3A_1657 : vector<32x128xf32>
    %logistic3A_1659 = math.exp %logistic3A_1658 : vector<32x128xf32>
    %logistic3A_1660 = arith.constant 1.000000e+00 : f32
    %logistic3A_1661 = vector.broadcast %logistic3A_1660 : f32 to vector<32x128xf32>
    %logistic3A_1662 = arith.addf %logistic3A_1661, %logistic3A_1659 : vector<32x128xf32>
    %logistic3A_1663 = arith.divf %logistic3A_1661, %logistic3A_1662 : vector<32x128xf32>
    %slice3A_1664 = vector.extract_strided_slice %slice3A_1645 {offsets = [0, 256], sizes = [32, 128], strides = [1, 1]} : vector<32x384xf32> to vector<32x128xf32>
    %slice3A_1665 = vector.extract_strided_slice %dot_general3A_1612 {offsets = [0, 256], sizes = [32, 128], strides = [1, 1]} : vector<32x384xf32> to vector<32x128xf32>
    %add3A_1666 = vector.broadcast %get3A_70 : vector<1x128xf32> to vector<32x128xf32>
    %add3A_1667 = arith.addf %slice3A_1665, %add3A_1666 : vector<32x128xf32>
    %mul3A_1668 = arith.mulf %logistic3A_1654, %add3A_1667 : vector<32x128xf32>
    %add3A_1669 = arith.addf %slice3A_1664, %mul3A_1668 : vector<32x128xf32>
    %tanh3A_1670 = math.tanh %add3A_1669 : vector<32x128xf32>
    %sub3A_1671 = arith.constant 1.000000e+00 : f32
    %sub3A_1672 = vector.broadcast %sub3A_1671 : f32 to vector<32x128xf32>
    %sub3A_1673 = arith.subf %sub3A_1672, %logistic3A_1663 : vector<32x128xf32>
    %mul3A_1674 = arith.mulf %sub3A_1673, %tanh3A_1670 : vector<32x128xf32>
    %mul3A_1675 = arith.mulf %logistic3A_1663, %add3A_1580 : vector<32x128xf32>
    %add3A_1676 = arith.addf %mul3A_1674, %mul3A_1675 : vector<32x128xf32>
    %get3A_1677 = arith.constant 1024 : index
    %get3A_1678 = arith.constant 0 : index
    %get3A_1679 = vector.load %arg5[%get3A_1677, %get3A_1678] : memref<1600x128xf32, #tpu.memory_space<vmem>>, vector<32x128xf32>
    %mul3A_1680 = arith.mulf %add3A_1644, %get3A_1679 : vector<32x128xf32>
    %reduce_sum3A_1681 = arith.constant dense<0.000000e+00> : vector<32xf32>
    %reduce_sum3A_1682 = vector.multi_reduction <add>, %mul3A_1680, %reduce_sum3A_1681 [1] : vector<32x128xf32> to vector<32xf32>
    %broadcast_in_dim3A_1683 = vector.shape_cast %reduce_sum3A_1682 : vector<32xf32> to vector<32x1xf32>
    %get3A_1684 = arith.constant 1024 : index
    %get3A_1685 = arith.constant 0 : index
    %get3A_1686 = vector.load %arg6[%get3A_1684, %get3A_1685] : memref<1600x1xf32, #tpu.memory_space<vmem>>, vector<32x1xf32>
    %add3A_1687 = arith.addf %broadcast_in_dim3A_1683, %get3A_1686 : vector<32x1xf32>
    %swap3A_1688 = arith.constant 1024 : index
    %swap3A_1689 = arith.constant 0 : index
    %swap3A_1690 = vector.load %arg13[%swap3A_1688, %swap3A_1689] : memref<1600x1xf32, #tpu.memory_space<vmem>>, vector<32x1xf32>
    tpu.vector_store %arg13[%swap3A_1688, %swap3A_1689], %add3A_1687 {strides = array<i32>} : memref<1600x1xf32, #tpu.memory_space<vmem>>, vector<32x1xf32>,
    %get3A_1691 = arith.constant 1056 : index
    %get3A_1692 = arith.constant 0 : index
    %get3A_1693 = vector.load %arg5[%get3A_1691, %get3A_1692] : memref<1600x128xf32, #tpu.memory_space<vmem>>, vector<32x128xf32>
    %mul3A_1694 = arith.mulf %add3A_1676, %get3A_1693 : vector<32x128xf32>
    %reduce_sum3A_1695 = arith.constant dense<0.000000e+00> : vector<32xf32>
    %reduce_sum3A_1696 = vector.multi_reduction <add>, %mul3A_1694, %reduce_sum3A_1695 [1] : vector<32x128xf32> to vector<32xf32>
    %broadcast_in_dim3A_1697 = vector.shape_cast %reduce_sum3A_1696 : vector<32xf32> to vector<32x1xf32>
    %get3A_1698 = arith.constant 1056 : index
    %get3A_1699 = arith.constant 0 : index
    %get3A_1700 = vector.load %arg6[%get3A_1698, %get3A_1699] : memref<1600x1xf32, #tpu.memory_space<vmem>>, vector<32x1xf32>
    %add3A_1701 = arith.addf %broadcast_in_dim3A_1697, %get3A_1700 : vector<32x1xf32>
    %swap3A_1702 = arith.constant 1056 : index
    %swap3A_1703 = arith.constant 0 : index
    %swap3A_1704 = vector.load %arg13[%swap3A_1702, %swap3A_1703] : memref<1600x1xf32, #tpu.memory_space<vmem>>, vector<32x1xf32>
    tpu.vector_store %arg13[%swap3A_1702, %swap3A_1703], %add3A_1701 {strides = array<i32>} : memref<1600x1xf32, #tpu.memory_space<vmem>>, vector<32x1xf32>,
    %dot_general3A_1705 = arith.constant dense<0.000000e+00> : vector<32x384xf32>
    %dot_general3A_1706 = tpu.matmul %add3A_1644, %get3A_67, %dot_general3A_1705 {dimension_numbers = #tpu.dot_dimension_numbers<[1], [0], [0], [1], [0, 0, 1, 1], [], []>, transpose_lhs_hint = false} : vector<32x128xf32>, vector<128x384xf32>, vector<32x384xf32> -> vector<32x384xf32>
    %dot_general3A_1707 = arith.constant dense<0.000000e+00> : vector<32x384xf32>
    %dot_general3A_1708 = tpu.matmul %add3A_1676, %get3A_67, %dot_general3A_1707 {dimension_numbers = #tpu.dot_dimension_numbers<[1], [0], [0], [1], [0, 0, 1, 1], [], []>, transpose_lhs_hint = false} : vector<32x128xf32>, vector<128x384xf32>, vector<32x384xf32> -> vector<32x384xf32>
    %slice3A_1709 = vector.extract_strided_slice %add3A_53 {offsets = [1088, 0], sizes = [32, 384], strides = [1, 1]} : vector<1600x384xf32> to vector<32x384xf32>
    %slice3A_1710 = vector.extract_strided_slice %slice3A_1709 {offsets = [0, 0], sizes = [32, 128], strides = [1, 1]} : vector<32x384xf32> to vector<32x128xf32>
    %slice3A_1711 = vector.extract_strided_slice %dot_general3A_1706 {offsets = [0, 0], sizes = [32, 128], strides = [1, 1]} : vector<32x384xf32> to vector<32x128xf32>
    %add3A_1712 = arith.addf %slice3A_1710, %slice3A_1711 : vector<32x128xf32>
    %logistic3A_1713 = arith.negf %add3A_1712 : vector<32x128xf32>
    %logistic3A_1714 = math.exp %logistic3A_1713 : vector<32x128xf32>
    %logistic3A_1715 = arith.constant 1.000000e+00 : f32
    %logistic3A_1716 = vector.broadcast %logistic3A_1715 : f32 to vector<32x128xf32>
    %logistic3A_1717 = arith.addf %logistic3A_1716, %logistic3A_1714 : vector<32x128xf32>
    %logistic3A_1718 = arith.divf %logistic3A_1716, %logistic3A_1717 : vector<32x128xf32>
    %slice3A_1719 = vector.extract_strided_slice %slice3A_1709 {offsets = [0, 128], sizes = [32, 128], strides = [1, 1]} : vector<32x384xf32> to vector<32x128xf32>
    %slice3A_1720 = vector.extract_strided_slice %dot_general3A_1706 {offsets = [0, 128], sizes = [32, 128], strides = [1, 1]} : vector<32x384xf32> to vector<32x128xf32>
    %add3A_1721 = arith.addf %slice3A_1719, %slice3A_1720 : vector<32x128xf32>
    %logistic3A_1722 = arith.negf %add3A_1721 : vector<32x128xf32>
    %logistic3A_1723 = math.exp %logistic3A_1722 : vector<32x128xf32>
    %logistic3A_1724 = arith.constant 1.000000e+00 : f32
    %logistic3A_1725 = vector.broadcast %logistic3A_1724 : f32 to vector<32x128xf32>
    %logistic3A_1726 = arith.addf %logistic3A_1725, %logistic3A_1723 : vector<32x128xf32>
    %logistic3A_1727 = arith.divf %logistic3A_1725, %logistic3A_1726 : vector<32x128xf32>
    %slice3A_1728 = vector.extract_strided_slice %slice3A_1709 {offsets = [0, 256], sizes = [32, 128], strides = [1, 1]} : vector<32x384xf32> to vector<32x128xf32>
    %slice3A_1729 = vector.extract_strided_slice %dot_general3A_1706 {offsets = [0, 256], sizes = [32, 128], strides = [1, 1]} : vector<32x384xf32> to vector<32x128xf32>
    %add3A_1730 = vector.broadcast %get3A_70 : vector<1x128xf32> to vector<32x128xf32>
    %add3A_1731 = arith.addf %slice3A_1729, %add3A_1730 : vector<32x128xf32>
    %mul3A_1732 = arith.mulf %logistic3A_1718, %add3A_1731 : vector<32x128xf32>
    %add3A_1733 = arith.addf %slice3A_1728, %mul3A_1732 : vector<32x128xf32>
    %tanh3A_1734 = math.tanh %add3A_1733 : vector<32x128xf32>
    %sub3A_1735 = arith.constant 1.000000e+00 : f32
    %sub3A_1736 = vector.broadcast %sub3A_1735 : f32 to vector<32x128xf32>
    %sub3A_1737 = arith.subf %sub3A_1736, %logistic3A_1727 : vector<32x128xf32>
    %mul3A_1738 = arith.mulf %sub3A_1737, %tanh3A_1734 : vector<32x128xf32>
    %mul3A_1739 = arith.mulf %logistic3A_1727, %add3A_1644 : vector<32x128xf32>
    %add3A_1740 = arith.addf %mul3A_1738, %mul3A_1739 : vector<32x128xf32>
    %slice3A_1741 = vector.extract_strided_slice %add3A_53 {offsets = [1120, 0], sizes = [32, 384], strides = [1, 1]} : vector<1600x384xf32> to vector<32x384xf32>
    %slice3A_1742 = vector.extract_strided_slice %slice3A_1741 {offsets = [0, 0], sizes = [32, 128], strides = [1, 1]} : vector<32x384xf32> to vector<32x128xf32>
    %slice3A_1743 = vector.extract_strided_slice %dot_general3A_1708 {offsets = [0, 0], sizes = [32, 128], strides = [1, 1]} : vector<32x384xf32> to vector<32x128xf32>
    %add3A_1744 = arith.addf %slice3A_1742, %slice3A_1743 : vector<32x128xf32>
    %logistic3A_1745 = arith.negf %add3A_1744 : vector<32x128xf32>
    %logistic3A_1746 = math.exp %logistic3A_1745 : vector<32x128xf32>
    %logistic3A_1747 = arith.constant 1.000000e+00 : f32
    %logistic3A_1748 = vector.broadcast %logistic3A_1747 : f32 to vector<32x128xf32>
    %logistic3A_1749 = arith.addf %logistic3A_1748, %logistic3A_1746 : vector<32x128xf32>
    %logistic3A_1750 = arith.divf %logistic3A_1748, %logistic3A_1749 : vector<32x128xf32>
    %slice3A_1751 = vector.extract_strided_slice %slice3A_1741 {offsets = [0, 128], sizes = [32, 128], strides = [1, 1]} : vector<32x384xf32> to vector<32x128xf32>
    %slice3A_1752 = vector.extract_strided_slice %dot_general3A_1708 {offsets = [0, 128], sizes = [32, 128], strides = [1, 1]} : vector<32x384xf32> to vector<32x128xf32>
    %add3A_1753 = arith.addf %slice3A_1751, %slice3A_1752 : vector<32x128xf32>
    %logistic3A_1754 = arith.negf %add3A_1753 : vector<32x128xf32>
    %logistic3A_1755 = math.exp %logistic3A_1754 : vector<32x128xf32>
    %logistic3A_1756 = arith.constant 1.000000e+00 : f32
    %logistic3A_1757 = vector.broadcast %logistic3A_1756 : f32 to vector<32x128xf32>
    %logistic3A_1758 = arith.addf %logistic3A_1757, %logistic3A_1755 : vector<32x128xf32>
    %logistic3A_1759 = arith.divf %logistic3A_1757, %logistic3A_1758 : vector<32x128xf32>
    %slice3A_1760 = vector.extract_strided_slice %slice3A_1741 {offsets = [0, 256], sizes = [32, 128], strides = [1, 1]} : vector<32x384xf32> to vector<32x128xf32>
    %slice3A_1761 = vector.extract_strided_slice %dot_general3A_1708 {offsets = [0, 256], sizes = [32, 128], strides = [1, 1]} : vector<32x384xf32> to vector<32x128xf32>
    %add3A_1762 = vector.broadcast %get3A_70 : vector<1x128xf32> to vector<32x128xf32>
    %add3A_1763 = arith.addf %slice3A_1761, %add3A_1762 : vector<32x128xf32>
    %mul3A_1764 = arith.mulf %logistic3A_1750, %add3A_1763 : vector<32x128xf32>
    %add3A_1765 = arith.addf %slice3A_1760, %mul3A_1764 : vector<32x128xf32>
    %tanh3A_1766 = math.tanh %add3A_1765 : vector<32x128xf32>
    %sub3A_1767 = arith.constant 1.000000e+00 : f32
    %sub3A_1768 = vector.broadcast %sub3A_1767 : f32 to vector<32x128xf32>
    %sub3A_1769 = arith.subf %sub3A_1768, %logistic3A_1759 : vector<32x128xf32>
    %mul3A_1770 = arith.mulf %sub3A_1769, %tanh3A_1766 : vector<32x128xf32>
    %mul3A_1771 = arith.mulf %logistic3A_1759, %add3A_1676 : vector<32x128xf32>
    %add3A_1772 = arith.addf %mul3A_1770, %mul3A_1771 : vector<32x128xf32>
    %get3A_1773 = arith.constant 1088 : index
    %get3A_1774 = arith.constant 0 : index
    %get3A_1775 = vector.load %arg5[%get3A_1773, %get3A_1774] : memref<1600x128xf32, #tpu.memory_space<vmem>>, vector<32x128xf32>
    %mul3A_1776 = arith.mulf %add3A_1740, %get3A_1775 : vector<32x128xf32>
    %reduce_sum3A_1777 = arith.constant dense<0.000000e+00> : vector<32xf32>
    %reduce_sum3A_1778 = vector.multi_reduction <add>, %mul3A_1776, %reduce_sum3A_1777 [1] : vector<32x128xf32> to vector<32xf32>
    %broadcast_in_dim3A_1779 = vector.shape_cast %reduce_sum3A_1778 : vector<32xf32> to vector<32x1xf32>
    %get3A_1780 = arith.constant 1088 : index
    %get3A_1781 = arith.constant 0 : index
    %get3A_1782 = vector.load %arg6[%get3A_1780, %get3A_1781] : memref<1600x1xf32, #tpu.memory_space<vmem>>, vector<32x1xf32>
    %add3A_1783 = arith.addf %broadcast_in_dim3A_1779, %get3A_1782 : vector<32x1xf32>
    %swap3A_1784 = arith.constant 1088 : index
    %swap3A_1785 = arith.constant 0 : index
    %swap3A_1786 = vector.load %arg13[%swap3A_1784, %swap3A_1785] : memref<1600x1xf32, #tpu.memory_space<vmem>>, vector<32x1xf32>
    tpu.vector_store %arg13[%swap3A_1784, %swap3A_1785], %add3A_1783 {strides = array<i32>} : memref<1600x1xf32, #tpu.memory_space<vmem>>, vector<32x1xf32>,
    %get3A_1787 = arith.constant 1120 : index
    %get3A_1788 = arith.constant 0 : index
    %get3A_1789 = vector.load %arg5[%get3A_1787, %get3A_1788] : memref<1600x128xf32, #tpu.memory_space<vmem>>, vector<32x128xf32>
    %mul3A_1790 = arith.mulf %add3A_1772, %get3A_1789 : vector<32x128xf32>
    %reduce_sum3A_1791 = arith.constant dense<0.000000e+00> : vector<32xf32>
    %reduce_sum3A_1792 = vector.multi_reduction <add>, %mul3A_1790, %reduce_sum3A_1791 [1] : vector<32x128xf32> to vector<32xf32>
    %broadcast_in_dim3A_1793 = vector.shape_cast %reduce_sum3A_1792 : vector<32xf32> to vector<32x1xf32>
    %get3A_1794 = arith.constant 1120 : index
    %get3A_1795 = arith.constant 0 : index
    %get3A_1796 = vector.load %arg6[%get3A_1794, %get3A_1795] : memref<1600x1xf32, #tpu.memory_space<vmem>>, vector<32x1xf32>
    %add3A_1797 = arith.addf %broadcast_in_dim3A_1793, %get3A_1796 : vector<32x1xf32>
    %swap3A_1798 = arith.constant 1120 : index
    %swap3A_1799 = arith.constant 0 : index
    %swap3A_1800 = vector.load %arg13[%swap3A_1798, %swap3A_1799] : memref<1600x1xf32, #tpu.memory_space<vmem>>, vector<32x1xf32>
    tpu.vector_store %arg13[%swap3A_1798, %swap3A_1799], %add3A_1797 {strides = array<i32>} : memref<1600x1xf32, #tpu.memory_space<vmem>>, vector<32x1xf32>,
    %dot_general3A_1801 = arith.constant dense<0.000000e+00> : vector<32x384xf32>
    %dot_general3A_1802 = tpu.matmul %add3A_1740, %get3A_67, %dot_general3A_1801 {dimension_numbers = #tpu.dot_dimension_numbers<[1], [0], [0], [1], [0, 0, 1, 1], [], []>, transpose_lhs_hint = false} : vector<32x128xf32>, vector<128x384xf32>, vector<32x384xf32> -> vector<32x384xf32>
    %dot_general3A_1803 = arith.constant dense<0.000000e+00> : vector<32x384xf32>
    %dot_general3A_1804 = tpu.matmul %add3A_1772, %get3A_67, %dot_general3A_1803 {dimension_numbers = #tpu.dot_dimension_numbers<[1], [0], [0], [1], [0, 0, 1, 1], [], []>, transpose_lhs_hint = false} : vector<32x128xf32>, vector<128x384xf32>, vector<32x384xf32> -> vector<32x384xf32>
    %slice3A_1805 = vector.extract_strided_slice %add3A_53 {offsets = [1152, 0], sizes = [32, 384], strides = [1, 1]} : vector<1600x384xf32> to vector<32x384xf32>
    %slice3A_1806 = vector.extract_strided_slice %slice3A_1805 {offsets = [0, 0], sizes = [32, 128], strides = [1, 1]} : vector<32x384xf32> to vector<32x128xf32>
    %slice3A_1807 = vector.extract_strided_slice %dot_general3A_1802 {offsets = [0, 0], sizes = [32, 128], strides = [1, 1]} : vector<32x384xf32> to vector<32x128xf32>
    %add3A_1808 = arith.addf %slice3A_1806, %slice3A_1807 : vector<32x128xf32>
    %logistic3A_1809 = arith.negf %add3A_1808 : vector<32x128xf32>
    %logistic3A_1810 = math.exp %logistic3A_1809 : vector<32x128xf32>
    %logistic3A_1811 = arith.constant 1.000000e+00 : f32
    %logistic3A_1812 = vector.broadcast %logistic3A_1811 : f32 to vector<32x128xf32>
    %logistic3A_1813 = arith.addf %logistic3A_1812, %logistic3A_1810 : vector<32x128xf32>
    %logistic3A_1814 = arith.divf %logistic3A_1812, %logistic3A_1813 : vector<32x128xf32>
    %slice3A_1815 = vector.extract_strided_slice %slice3A_1805 {offsets = [0, 128], sizes = [32, 128], strides = [1, 1]} : vector<32x384xf32> to vector<32x128xf32>
    %slice3A_1816 = vector.extract_strided_slice %dot_general3A_1802 {offsets = [0, 128], sizes = [32, 128], strides = [1, 1]} : vector<32x384xf32> to vector<32x128xf32>
    %add3A_1817 = arith.addf %slice3A_1815, %slice3A_1816 : vector<32x128xf32>
    %logistic3A_1818 = arith.negf %add3A_1817 : vector<32x128xf32>
    %logistic3A_1819 = math.exp %logistic3A_1818 : vector<32x128xf32>
    %logistic3A_1820 = arith.constant 1.000000e+00 : f32
    %logistic3A_1821 = vector.broadcast %logistic3A_1820 : f32 to vector<32x128xf32>
    %logistic3A_1822 = arith.addf %logistic3A_1821, %logistic3A_1819 : vector<32x128xf32>
    %logistic3A_1823 = arith.divf %logistic3A_1821, %logistic3A_1822 : vector<32x128xf32>
    %slice3A_1824 = vector.extract_strided_slice %slice3A_1805 {offsets = [0, 256], sizes = [32, 128], strides = [1, 1]} : vector<32x384xf32> to vector<32x128xf32>
    %slice3A_1825 = vector.extract_strided_slice %dot_general3A_1802 {offsets = [0, 256], sizes = [32, 128], strides = [1, 1]} : vector<32x384xf32> to vector<32x128xf32>
    %add3A_1826 = vector.broadcast %get3A_70 : vector<1x128xf32> to vector<32x128xf32>
    %add3A_1827 = arith.addf %slice3A_1825, %add3A_1826 : vector<32x128xf32>
    %mul3A_1828 = arith.mulf %logistic3A_1814, %add3A_1827 : vector<32x128xf32>
    %add3A_1829 = arith.addf %slice3A_1824, %mul3A_1828 : vector<32x128xf32>
    %tanh3A_1830 = math.tanh %add3A_1829 : vector<32x128xf32>
    %sub3A_1831 = arith.constant 1.000000e+00 : f32
    %sub3A_1832 = vector.broadcast %sub3A_1831 : f32 to vector<32x128xf32>
    %sub3A_1833 = arith.subf %sub3A_1832, %logistic3A_1823 : vector<32x128xf32>
    %mul3A_1834 = arith.mulf %sub3A_1833, %tanh3A_1830 : vector<32x128xf32>
    %mul3A_1835 = arith.mulf %logistic3A_1823, %add3A_1740 : vector<32x128xf32>
    %add3A_1836 = arith.addf %mul3A_1834, %mul3A_1835 : vector<32x128xf32>
    %slice3A_1837 = vector.extract_strided_slice %add3A_53 {offsets = [1184, 0], sizes = [32, 384], strides = [1, 1]} : vector<1600x384xf32> to vector<32x384xf32>
    %slice3A_1838 = vector.extract_strided_slice %slice3A_1837 {offsets = [0, 0], sizes = [32, 128], strides = [1, 1]} : vector<32x384xf32> to vector<32x128xf32>
    %slice3A_1839 = vector.extract_strided_slice %dot_general3A_1804 {offsets = [0, 0], sizes = [32, 128], strides = [1, 1]} : vector<32x384xf32> to vector<32x128xf32>
    %add3A_1840 = arith.addf %slice3A_1838, %slice3A_1839 : vector<32x128xf32>
    %logistic3A_1841 = arith.negf %add3A_1840 : vector<32x128xf32>
    %logistic3A_1842 = math.exp %logistic3A_1841 : vector<32x128xf32>
    %logistic3A_1843 = arith.constant 1.000000e+00 : f32
    %logistic3A_1844 = vector.broadcast %logistic3A_1843 : f32 to vector<32x128xf32>
    %logistic3A_1845 = arith.addf %logistic3A_1844, %logistic3A_1842 : vector<32x128xf32>
    %logistic3A_1846 = arith.divf %logistic3A_1844, %logistic3A_1845 : vector<32x128xf32>
    %slice3A_1847 = vector.extract_strided_slice %slice3A_1837 {offsets = [0, 128], sizes = [32, 128], strides = [1, 1]} : vector<32x384xf32> to vector<32x128xf32>
    %slice3A_1848 = vector.extract_strided_slice %dot_general3A_1804 {offsets = [0, 128], sizes = [32, 128], strides = [1, 1]} : vector<32x384xf32> to vector<32x128xf32>
    %add3A_1849 = arith.addf %slice3A_1847, %slice3A_1848 : vector<32x128xf32>
    %logistic3A_1850 = arith.negf %add3A_1849 : vector<32x128xf32>
    %logistic3A_1851 = math.exp %logistic3A_1850 : vector<32x128xf32>
    %logistic3A_1852 = arith.constant 1.000000e+00 : f32
    %logistic3A_1853 = vector.broadcast %logistic3A_1852 : f32 to vector<32x128xf32>
    %logistic3A_1854 = arith.addf %logistic3A_1853, %logistic3A_1851 : vector<32x128xf32>
    %logistic3A_1855 = arith.divf %logistic3A_1853, %logistic3A_1854 : vector<32x128xf32>
    %slice3A_1856 = vector.extract_strided_slice %slice3A_1837 {offsets = [0, 256], sizes = [32, 128], strides = [1, 1]} : vector<32x384xf32> to vector<32x128xf32>
    %slice3A_1857 = vector.extract_strided_slice %dot_general3A_1804 {offsets = [0, 256], sizes = [32, 128], strides = [1, 1]} : vector<32x384xf32> to vector<32x128xf32>
    %add3A_1858 = vector.broadcast %get3A_70 : vector<1x128xf32> to vector<32x128xf32>
    %add3A_1859 = arith.addf %slice3A_1857, %add3A_1858 : vector<32x128xf32>
    %mul3A_1860 = arith.mulf %logistic3A_1846, %add3A_1859 : vector<32x128xf32>
    %add3A_1861 = arith.addf %slice3A_1856, %mul3A_1860 : vector<32x128xf32>
    %tanh3A_1862 = math.tanh %add3A_1861 : vector<32x128xf32>
    %sub3A_1863 = arith.constant 1.000000e+00 : f32
    %sub3A_1864 = vector.broadcast %sub3A_1863 : f32 to vector<32x128xf32>
    %sub3A_1865 = arith.subf %sub3A_1864, %logistic3A_1855 : vector<32x128xf32>
    %mul3A_1866 = arith.mulf %sub3A_1865, %tanh3A_1862 : vector<32x128xf32>
    %mul3A_1867 = arith.mulf %logistic3A_1855, %add3A_1772 : vector<32x128xf32>
    %add3A_1868 = arith.addf %mul3A_1866, %mul3A_1867 : vector<32x128xf32>
    %get3A_1869 = arith.constant 1152 : index
    %get3A_1870 = arith.constant 0 : index
    %get3A_1871 = vector.load %arg5[%get3A_1869, %get3A_1870] : memref<1600x128xf32, #tpu.memory_space<vmem>>, vector<32x128xf32>
    %mul3A_1872 = arith.mulf %add3A_1836, %get3A_1871 : vector<32x128xf32>
    %reduce_sum3A_1873 = arith.constant dense<0.000000e+00> : vector<32xf32>
    %reduce_sum3A_1874 = vector.multi_reduction <add>, %mul3A_1872, %reduce_sum3A_1873 [1] : vector<32x128xf32> to vector<32xf32>
    %broadcast_in_dim3A_1875 = vector.shape_cast %reduce_sum3A_1874 : vector<32xf32> to vector<32x1xf32>
    %get3A_1876 = arith.constant 1152 : index
    %get3A_1877 = arith.constant 0 : index
    %get3A_1878 = vector.load %arg6[%get3A_1876, %get3A_1877] : memref<1600x1xf32, #tpu.memory_space<vmem>>, vector<32x1xf32>
    %add3A_1879 = arith.addf %broadcast_in_dim3A_1875, %get3A_1878 : vector<32x1xf32>
    %swap3A_1880 = arith.constant 1152 : index
    %swap3A_1881 = arith.constant 0 : index
    %swap3A_1882 = vector.load %arg13[%swap3A_1880, %swap3A_1881] : memref<1600x1xf32, #tpu.memory_space<vmem>>, vector<32x1xf32>
    tpu.vector_store %arg13[%swap3A_1880, %swap3A_1881], %add3A_1879 {strides = array<i32>} : memref<1600x1xf32, #tpu.memory_space<vmem>>, vector<32x1xf32>,
    %get3A_1883 = arith.constant 1184 : index
    %get3A_1884 = arith.constant 0 : index
    %get3A_1885 = vector.load %arg5[%get3A_1883, %get3A_1884] : memref<1600x128xf32, #tpu.memory_space<vmem>>, vector<32x128xf32>
    %mul3A_1886 = arith.mulf %add3A_1868, %get3A_1885 : vector<32x128xf32>
    %reduce_sum3A_1887 = arith.constant dense<0.000000e+00> : vector<32xf32>
    %reduce_sum3A_1888 = vector.multi_reduction <add>, %mul3A_1886, %reduce_sum3A_1887 [1] : vector<32x128xf32> to vector<32xf32>
    %broadcast_in_dim3A_1889 = vector.shape_cast %reduce_sum3A_1888 : vector<32xf32> to vector<32x1xf32>
    %get3A_1890 = arith.constant 1184 : index
    %get3A_1891 = arith.constant 0 : index
    %get3A_1892 = vector.load %arg6[%get3A_1890, %get3A_1891] : memref<1600x1xf32, #tpu.memory_space<vmem>>, vector<32x1xf32>
    %add3A_1893 = arith.addf %broadcast_in_dim3A_1889, %get3A_1892 : vector<32x1xf32>
    %swap3A_1894 = arith.constant 1184 : index
    %swap3A_1895 = arith.constant 0 : index
    %swap3A_1896 = vector.load %arg13[%swap3A_1894, %swap3A_1895] : memref<1600x1xf32, #tpu.memory_space<vmem>>, vector<32x1xf32>
    tpu.vector_store %arg13[%swap3A_1894, %swap3A_1895], %add3A_1893 {strides = array<i32>} : memref<1600x1xf32, #tpu.memory_space<vmem>>, vector<32x1xf32>,
    %dot_general3A_1897 = arith.constant dense<0.000000e+00> : vector<32x384xf32>
    %dot_general3A_1898 = tpu.matmul %add3A_1836, %get3A_67, %dot_general3A_1897 {dimension_numbers = #tpu.dot_dimension_numbers<[1], [0], [0], [1], [0, 0, 1, 1], [], []>, transpose_lhs_hint = false} : vector<32x128xf32>, vector<128x384xf32>, vector<32x384xf32> -> vector<32x384xf32>
    %dot_general3A_1899 = arith.constant dense<0.000000e+00> : vector<32x384xf32>
    %dot_general3A_1900 = tpu.matmul %add3A_1868, %get3A_67, %dot_general3A_1899 {dimension_numbers = #tpu.dot_dimension_numbers<[1], [0], [0], [1], [0, 0, 1, 1], [], []>, transpose_lhs_hint = false} : vector<32x128xf32>, vector<128x384xf32>, vector<32x384xf32> -> vector<32x384xf32>
    %slice3A_1901 = vector.extract_strided_slice %add3A_53 {offsets = [1216, 0], sizes = [32, 384], strides = [1, 1]} : vector<1600x384xf32> to vector<32x384xf32>
    %slice3A_1902 = vector.extract_strided_slice %slice3A_1901 {offsets = [0, 0], sizes = [32, 128], strides = [1, 1]} : vector<32x384xf32> to vector<32x128xf32>
    %slice3A_1903 = vector.extract_strided_slice %dot_general3A_1898 {offsets = [0, 0], sizes = [32, 128], strides = [1, 1]} : vector<32x384xf32> to vector<32x128xf32>
    %add3A_1904 = arith.addf %slice3A_1902, %slice3A_1903 : vector<32x128xf32>
    %logistic3A_1905 = arith.negf %add3A_1904 : vector<32x128xf32>
    %logistic3A_1906 = math.exp %logistic3A_1905 : vector<32x128xf32>
    %logistic3A_1907 = arith.constant 1.000000e+00 : f32
    %logistic3A_1908 = vector.broadcast %logistic3A_1907 : f32 to vector<32x128xf32>
    %logistic3A_1909 = arith.addf %logistic3A_1908, %logistic3A_1906 : vector<32x128xf32>
    %logistic3A_1910 = arith.divf %logistic3A_1908, %logistic3A_1909 : vector<32x128xf32>
    %slice3A_1911 = vector.extract_strided_slice %slice3A_1901 {offsets = [0, 128], sizes = [32, 128], strides = [1, 1]} : vector<32x384xf32> to vector<32x128xf32>
    %slice3A_1912 = vector.extract_strided_slice %dot_general3A_1898 {offsets = [0, 128], sizes = [32, 128], strides = [1, 1]} : vector<32x384xf32> to vector<32x128xf32>
    %add3A_1913 = arith.addf %slice3A_1911, %slice3A_1912 : vector<32x128xf32>
    %logistic3A_1914 = arith.negf %add3A_1913 : vector<32x128xf32>
    %logistic3A_1915 = math.exp %logistic3A_1914 : vector<32x128xf32>
    %logistic3A_1916 = arith.constant 1.000000e+00 : f32
    %logistic3A_1917 = vector.broadcast %logistic3A_1916 : f32 to vector<32x128xf32>
    %logistic3A_1918 = arith.addf %logistic3A_1917, %logistic3A_1915 : vector<32x128xf32>
    %logistic3A_1919 = arith.divf %logistic3A_1917, %logistic3A_1918 : vector<32x128xf32>
    %slice3A_1920 = vector.extract_strided_slice %slice3A_1901 {offsets = [0, 256], sizes = [32, 128], strides = [1, 1]} : vector<32x384xf32> to vector<32x128xf32>
    %slice3A_1921 = vector.extract_strided_slice %dot_general3A_1898 {offsets = [0, 256], sizes = [32, 128], strides = [1, 1]} : vector<32x384xf32> to vector<32x128xf32>
    %add3A_1922 = vector.broadcast %get3A_70 : vector<1x128xf32> to vector<32x128xf32>
    %add3A_1923 = arith.addf %slice3A_1921, %add3A_1922 : vector<32x128xf32>
    %mul3A_1924 = arith.mulf %logistic3A_1910, %add3A_1923 : vector<32x128xf32>
    %add3A_1925 = arith.addf %slice3A_1920, %mul3A_1924 : vector<32x128xf32>
    %tanh3A_1926 = math.tanh %add3A_1925 : vector<32x128xf32>
    %sub3A_1927 = arith.constant 1.000000e+00 : f32
    %sub3A_1928 = vector.broadcast %sub3A_1927 : f32 to vector<32x128xf32>
    %sub3A_1929 = arith.subf %sub3A_1928, %logistic3A_1919 : vector<32x128xf32>
    %mul3A_1930 = arith.mulf %sub3A_1929, %tanh3A_1926 : vector<32x128xf32>
    %mul3A_1931 = arith.mulf %logistic3A_1919, %add3A_1836 : vector<32x128xf32>
    %add3A_1932 = arith.addf %mul3A_1930, %mul3A_1931 : vector<32x128xf32>
    %slice3A_1933 = vector.extract_strided_slice %add3A_53 {offsets = [1248, 0], sizes = [32, 384], strides = [1, 1]} : vector<1600x384xf32> to vector<32x384xf32>
    %slice3A_1934 = vector.extract_strided_slice %slice3A_1933 {offsets = [0, 0], sizes = [32, 128], strides = [1, 1]} : vector<32x384xf32> to vector<32x128xf32>
    %slice3A_1935 = vector.extract_strided_slice %dot_general3A_1900 {offsets = [0, 0], sizes = [32, 128], strides = [1, 1]} : vector<32x384xf32> to vector<32x128xf32>
    %add3A_1936 = arith.addf %slice3A_1934, %slice3A_1935 : vector<32x128xf32>
    %logistic3A_1937 = arith.negf %add3A_1936 : vector<32x128xf32>
    %logistic3A_1938 = math.exp %logistic3A_1937 : vector<32x128xf32>
    %logistic3A_1939 = arith.constant 1.000000e+00 : f32
    %logistic3A_1940 = vector.broadcast %logistic3A_1939 : f32 to vector<32x128xf32>
    %logistic3A_1941 = arith.addf %logistic3A_1940, %logistic3A_1938 : vector<32x128xf32>
    %logistic3A_1942 = arith.divf %logistic3A_1940, %logistic3A_1941 : vector<32x128xf32>
    %slice3A_1943 = vector.extract_strided_slice %slice3A_1933 {offsets = [0, 128], sizes = [32, 128], strides = [1, 1]} : vector<32x384xf32> to vector<32x128xf32>
    %slice3A_1944 = vector.extract_strided_slice %dot_general3A_1900 {offsets = [0, 128], sizes = [32, 128], strides = [1, 1]} : vector<32x384xf32> to vector<32x128xf32>
    %add3A_1945 = arith.addf %slice3A_1943, %slice3A_1944 : vector<32x128xf32>
    %logistic3A_1946 = arith.negf %add3A_1945 : vector<32x128xf32>
    %logistic3A_1947 = math.exp %logistic3A_1946 : vector<32x128xf32>
    %logistic3A_1948 = arith.constant 1.000000e+00 : f32
    %logistic3A_1949 = vector.broadcast %logistic3A_1948 : f32 to vector<32x128xf32>
    %logistic3A_1950 = arith.addf %logistic3A_1949, %logistic3A_1947 : vector<32x128xf32>
    %logistic3A_1951 = arith.divf %logistic3A_1949, %logistic3A_1950 : vector<32x128xf32>
    %slice3A_1952 = vector.extract_strided_slice %slice3A_1933 {offsets = [0, 256], sizes = [32, 128], strides = [1, 1]} : vector<32x384xf32> to vector<32x128xf32>
    %slice3A_1953 = vector.extract_strided_slice %dot_general3A_1900 {offsets = [0, 256], sizes = [32, 128], strides = [1, 1]} : vector<32x384xf32> to vector<32x128xf32>
    %add3A_1954 = vector.broadcast %get3A_70 : vector<1x128xf32> to vector<32x128xf32>
    %add3A_1955 = arith.addf %slice3A_1953, %add3A_1954 : vector<32x128xf32>
    %mul3A_1956 = arith.mulf %logistic3A_1942, %add3A_1955 : vector<32x128xf32>
    %add3A_1957 = arith.addf %slice3A_1952, %mul3A_1956 : vector<32x128xf32>
    %tanh3A_1958 = math.tanh %add3A_1957 : vector<32x128xf32>
    %sub3A_1959 = arith.constant 1.000000e+00 : f32
    %sub3A_1960 = vector.broadcast %sub3A_1959 : f32 to vector<32x128xf32>
    %sub3A_1961 = arith.subf %sub3A_1960, %logistic3A_1951 : vector<32x128xf32>
    %mul3A_1962 = arith.mulf %sub3A_1961, %tanh3A_1958 : vector<32x128xf32>
    %mul3A_1963 = arith.mulf %logistic3A_1951, %add3A_1868 : vector<32x128xf32>
    %add3A_1964 = arith.addf %mul3A_1962, %mul3A_1963 : vector<32x128xf32>
    %get3A_1965 = arith.constant 1216 : index
    %get3A_1966 = arith.constant 0 : index
    %get3A_1967 = vector.load %arg5[%get3A_1965, %get3A_1966] : memref<1600x128xf32, #tpu.memory_space<vmem>>, vector<32x128xf32>
    %mul3A_1968 = arith.mulf %add3A_1932, %get3A_1967 : vector<32x128xf32>
    %reduce_sum3A_1969 = arith.constant dense<0.000000e+00> : vector<32xf32>
    %reduce_sum3A_1970 = vector.multi_reduction <add>, %mul3A_1968, %reduce_sum3A_1969 [1] : vector<32x128xf32> to vector<32xf32>
    %broadcast_in_dim3A_1971 = vector.shape_cast %reduce_sum3A_1970 : vector<32xf32> to vector<32x1xf32>
    %get3A_1972 = arith.constant 1216 : index
    %get3A_1973 = arith.constant 0 : index
    %get3A_1974 = vector.load %arg6[%get3A_1972, %get3A_1973] : memref<1600x1xf32, #tpu.memory_space<vmem>>, vector<32x1xf32>
    %add3A_1975 = arith.addf %broadcast_in_dim3A_1971, %get3A_1974 : vector<32x1xf32>
    %swap3A_1976 = arith.constant 1216 : index
    %swap3A_1977 = arith.constant 0 : index
    %swap3A_1978 = vector.load %arg13[%swap3A_1976, %swap3A_1977] : memref<1600x1xf32, #tpu.memory_space<vmem>>, vector<32x1xf32>
    tpu.vector_store %arg13[%swap3A_1976, %swap3A_1977], %add3A_1975 {strides = array<i32>} : memref<1600x1xf32, #tpu.memory_space<vmem>>, vector<32x1xf32>,
    %get3A_1979 = arith.constant 1248 : index
    %get3A_1980 = arith.constant 0 : index
    %get3A_1981 = vector.load %arg5[%get3A_1979, %get3A_1980] : memref<1600x128xf32, #tpu.memory_space<vmem>>, vector<32x128xf32>
    %mul3A_1982 = arith.mulf %add3A_1964, %get3A_1981 : vector<32x128xf32>
    %reduce_sum3A_1983 = arith.constant dense<0.000000e+00> : vector<32xf32>
    %reduce_sum3A_1984 = vector.multi_reduction <add>, %mul3A_1982, %reduce_sum3A_1983 [1] : vector<32x128xf32> to vector<32xf32>
    %broadcast_in_dim3A_1985 = vector.shape_cast %reduce_sum3A_1984 : vector<32xf32> to vector<32x1xf32>
    %get3A_1986 = arith.constant 1248 : index
    %get3A_1987 = arith.constant 0 : index
    %get3A_1988 = vector.load %arg6[%get3A_1986, %get3A_1987] : memref<1600x1xf32, #tpu.memory_space<vmem>>, vector<32x1xf32>
    %add3A_1989 = arith.addf %broadcast_in_dim3A_1985, %get3A_1988 : vector<32x1xf32>
    %swap3A_1990 = arith.constant 1248 : index
    %swap3A_1991 = arith.constant 0 : index
    %swap3A_1992 = vector.load %arg13[%swap3A_1990, %swap3A_1991] : memref<1600x1xf32, #tpu.memory_space<vmem>>, vector<32x1xf32>
    tpu.vector_store %arg13[%swap3A_1990, %swap3A_1991], %add3A_1989 {strides = array<i32>} : memref<1600x1xf32, #tpu.memory_space<vmem>>, vector<32x1xf32>,
    %dot_general3A_1993 = arith.constant dense<0.000000e+00> : vector<32x384xf32>
    %dot_general3A_1994 = tpu.matmul %add3A_1932, %get3A_67, %dot_general3A_1993 {dimension_numbers = #tpu.dot_dimension_numbers<[1], [0], [0], [1], [0, 0, 1, 1], [], []>, transpose_lhs_hint = false} : vector<32x128xf32>, vector<128x384xf32>, vector<32x384xf32> -> vector<32x384xf32>
    %dot_general3A_1995 = arith.constant dense<0.000000e+00> : vector<32x384xf32>
    %dot_general3A_1996 = tpu.matmul %add3A_1964, %get3A_67, %dot_general3A_1995 {dimension_numbers = #tpu.dot_dimension_numbers<[1], [0], [0], [1], [0, 0, 1, 1], [], []>, transpose_lhs_hint = false} : vector<32x128xf32>, vector<128x384xf32>, vector<32x384xf32> -> vector<32x384xf32>
    %slice3A_1997 = vector.extract_strided_slice %add3A_53 {offsets = [1280, 0], sizes = [32, 384], strides = [1, 1]} : vector<1600x384xf32> to vector<32x384xf32>
    %slice3A_1998 = vector.extract_strided_slice %slice3A_1997 {offsets = [0, 0], sizes = [32, 128], strides = [1, 1]} : vector<32x384xf32> to vector<32x128xf32>
    %slice3A_1999 = vector.extract_strided_slice %dot_general3A_1994 {offsets = [0, 0], sizes = [32, 128], strides = [1, 1]} : vector<32x384xf32> to vector<32x128xf32>
    %add3A_2000 = arith.addf %slice3A_1998, %slice3A_1999 : vector<32x128xf32>
    %logistic3A_2001 = arith.negf %add3A_2000 : vector<32x128xf32>
    %logistic3A_2002 = math.exp %logistic3A_2001 : vector<32x128xf32>
    %logistic3A_2003 = arith.constant 1.000000e+00 : f32
    %logistic3A_2004 = vector.broadcast %logistic3A_2003 : f32 to vector<32x128xf32>
    %logistic3A_2005 = arith.addf %logistic3A_2004, %logistic3A_2002 : vector<32x128xf32>
    %logistic3A_2006 = arith.divf %logistic3A_2004, %logistic3A_2005 : vector<32x128xf32>
    %slice3A_2007 = vector.extract_strided_slice %slice3A_1997 {offsets = [0, 128], sizes = [32, 128], strides = [1, 1]} : vector<32x384xf32> to vector<32x128xf32>
    %slice3A_2008 = vector.extract_strided_slice %dot_general3A_1994 {offsets = [0, 128], sizes = [32, 128], strides = [1, 1]} : vector<32x384xf32> to vector<32x128xf32>
    %add3A_2009 = arith.addf %slice3A_2007, %slice3A_2008 : vector<32x128xf32>
    %logistic3A_2010 = arith.negf %add3A_2009 : vector<32x128xf32>
    %logistic3A_2011 = math.exp %logistic3A_2010 : vector<32x128xf32>
    %logistic3A_2012 = arith.constant 1.000000e+00 : f32
    %logistic3A_2013 = vector.broadcast %logistic3A_2012 : f32 to vector<32x128xf32>
    %logistic3A_2014 = arith.addf %logistic3A_2013, %logistic3A_2011 : vector<32x128xf32>
    %logistic3A_2015 = arith.divf %logistic3A_2013, %logistic3A_2014 : vector<32x128xf32>
    %slice3A_2016 = vector.extract_strided_slice %slice3A_1997 {offsets = [0, 256], sizes = [32, 128], strides = [1, 1]} : vector<32x384xf32> to vector<32x128xf32>
    %slice3A_2017 = vector.extract_strided_slice %dot_general3A_1994 {offsets = [0, 256], sizes = [32, 128], strides = [1, 1]} : vector<32x384xf32> to vector<32x128xf32>
    %add3A_2018 = vector.broadcast %get3A_70 : vector<1x128xf32> to vector<32x128xf32>
    %add3A_2019 = arith.addf %slice3A_2017, %add3A_2018 : vector<32x128xf32>
    %mul3A_2020 = arith.mulf %logistic3A_2006, %add3A_2019 : vector<32x128xf32>
    %add3A_2021 = arith.addf %slice3A_2016, %mul3A_2020 : vector<32x128xf32>
    %tanh3A_2022 = math.tanh %add3A_2021 : vector<32x128xf32>
    %sub3A_2023 = arith.constant 1.000000e+00 : f32
    %sub3A_2024 = vector.broadcast %sub3A_2023 : f32 to vector<32x128xf32>
    %sub3A_2025 = arith.subf %sub3A_2024, %logistic3A_2015 : vector<32x128xf32>
    %mul3A_2026 = arith.mulf %sub3A_2025, %tanh3A_2022 : vector<32x128xf32>
    %mul3A_2027 = arith.mulf %logistic3A_2015, %add3A_1932 : vector<32x128xf32>
    %add3A_2028 = arith.addf %mul3A_2026, %mul3A_2027 : vector<32x128xf32>
    %slice3A_2029 = vector.extract_strided_slice %add3A_53 {offsets = [1312, 0], sizes = [32, 384], strides = [1, 1]} : vector<1600x384xf32> to vector<32x384xf32>
    %slice3A_2030 = vector.extract_strided_slice %slice3A_2029 {offsets = [0, 0], sizes = [32, 128], strides = [1, 1]} : vector<32x384xf32> to vector<32x128xf32>
    %slice3A_2031 = vector.extract_strided_slice %dot_general3A_1996 {offsets = [0, 0], sizes = [32, 128], strides = [1, 1]} : vector<32x384xf32> to vector<32x128xf32>
    %add3A_2032 = arith.addf %slice3A_2030, %slice3A_2031 : vector<32x128xf32>
    %logistic3A_2033 = arith.negf %add3A_2032 : vector<32x128xf32>
    %logistic3A_2034 = math.exp %logistic3A_2033 : vector<32x128xf32>
    %logistic3A_2035 = arith.constant 1.000000e+00 : f32
    %logistic3A_2036 = vector.broadcast %logistic3A_2035 : f32 to vector<32x128xf32>
    %logistic3A_2037 = arith.addf %logistic3A_2036, %logistic3A_2034 : vector<32x128xf32>
    %logistic3A_2038 = arith.divf %logistic3A_2036, %logistic3A_2037 : vector<32x128xf32>
    %slice3A_2039 = vector.extract_strided_slice %slice3A_2029 {offsets = [0, 128], sizes = [32, 128], strides = [1, 1]} : vector<32x384xf32> to vector<32x128xf32>
    %slice3A_2040 = vector.extract_strided_slice %dot_general3A_1996 {offsets = [0, 128], sizes = [32, 128], strides = [1, 1]} : vector<32x384xf32> to vector<32x128xf32>
    %add3A_2041 = arith.addf %slice3A_2039, %slice3A_2040 : vector<32x128xf32>
    %logistic3A_2042 = arith.negf %add3A_2041 : vector<32x128xf32>
    %logistic3A_2043 = math.exp %logistic3A_2042 : vector<32x128xf32>
    %logistic3A_2044 = arith.constant 1.000000e+00 : f32
    %logistic3A_2045 = vector.broadcast %logistic3A_2044 : f32 to vector<32x128xf32>
    %logistic3A_2046 = arith.addf %logistic3A_2045, %logistic3A_2043 : vector<32x128xf32>
    %logistic3A_2047 = arith.divf %logistic3A_2045, %logistic3A_2046 : vector<32x128xf32>
    %slice3A_2048 = vector.extract_strided_slice %slice3A_2029 {offsets = [0, 256], sizes = [32, 128], strides = [1, 1]} : vector<32x384xf32> to vector<32x128xf32>
    %slice3A_2049 = vector.extract_strided_slice %dot_general3A_1996 {offsets = [0, 256], sizes = [32, 128], strides = [1, 1]} : vector<32x384xf32> to vector<32x128xf32>
    %add3A_2050 = vector.broadcast %get3A_70 : vector<1x128xf32> to vector<32x128xf32>
    %add3A_2051 = arith.addf %slice3A_2049, %add3A_2050 : vector<32x128xf32>
    %mul3A_2052 = arith.mulf %logistic3A_2038, %add3A_2051 : vector<32x128xf32>
    %add3A_2053 = arith.addf %slice3A_2048, %mul3A_2052 : vector<32x128xf32>
    %tanh3A_2054 = math.tanh %add3A_2053 : vector<32x128xf32>
    %sub3A_2055 = arith.constant 1.000000e+00 : f32
    %sub3A_2056 = vector.broadcast %sub3A_2055 : f32 to vector<32x128xf32>
    %sub3A_2057 = arith.subf %sub3A_2056, %logistic3A_2047 : vector<32x128xf32>
    %mul3A_2058 = arith.mulf %sub3A_2057, %tanh3A_2054 : vector<32x128xf32>
    %mul3A_2059 = arith.mulf %logistic3A_2047, %add3A_1964 : vector<32x128xf32>
    %add3A_2060 = arith.addf %mul3A_2058, %mul3A_2059 : vector<32x128xf32>
    %get3A_2061 = arith.constant 1280 : index
    %get3A_2062 = arith.constant 0 : index
    %get3A_2063 = vector.load %arg5[%get3A_2061, %get3A_2062] : memref<1600x128xf32, #tpu.memory_space<vmem>>, vector<32x128xf32>
    %mul3A_2064 = arith.mulf %add3A_2028, %get3A_2063 : vector<32x128xf32>
    %reduce_sum3A_2065 = arith.constant dense<0.000000e+00> : vector<32xf32>
    %reduce_sum3A_2066 = vector.multi_reduction <add>, %mul3A_2064, %reduce_sum3A_2065 [1] : vector<32x128xf32> to vector<32xf32>
    %broadcast_in_dim3A_2067 = vector.shape_cast %reduce_sum3A_2066 : vector<32xf32> to vector<32x1xf32>
    %get3A_2068 = arith.constant 1280 : index
    %get3A_2069 = arith.constant 0 : index
    %get3A_2070 = vector.load %arg6[%get3A_2068, %get3A_2069] : memref<1600x1xf32, #tpu.memory_space<vmem>>, vector<32x1xf32>
    %add3A_2071 = arith.addf %broadcast_in_dim3A_2067, %get3A_2070 : vector<32x1xf32>
    %swap3A_2072 = arith.constant 1280 : index
    %swap3A_2073 = arith.constant 0 : index
    %swap3A_2074 = vector.load %arg13[%swap3A_2072, %swap3A_2073] : memref<1600x1xf32, #tpu.memory_space<vmem>>, vector<32x1xf32>
    tpu.vector_store %arg13[%swap3A_2072, %swap3A_2073], %add3A_2071 {strides = array<i32>} : memref<1600x1xf32, #tpu.memory_space<vmem>>, vector<32x1xf32>,
    %get3A_2075 = arith.constant 1312 : index
    %get3A_2076 = arith.constant 0 : index
    %get3A_2077 = vector.load %arg5[%get3A_2075, %get3A_2076] : memref<1600x128xf32, #tpu.memory_space<vmem>>, vector<32x128xf32>
    %mul3A_2078 = arith.mulf %add3A_2060, %get3A_2077 : vector<32x128xf32>
    %reduce_sum3A_2079 = arith.constant dense<0.000000e+00> : vector<32xf32>
    %reduce_sum3A_2080 = vector.multi_reduction <add>, %mul3A_2078, %reduce_sum3A_2079 [1] : vector<32x128xf32> to vector<32xf32>
    %broadcast_in_dim3A_2081 = vector.shape_cast %reduce_sum3A_2080 : vector<32xf32> to vector<32x1xf32>
    %get3A_2082 = arith.constant 1312 : index
    %get3A_2083 = arith.constant 0 : index
    %get3A_2084 = vector.load %arg6[%get3A_2082, %get3A_2083] : memref<1600x1xf32, #tpu.memory_space<vmem>>, vector<32x1xf32>
    %add3A_2085 = arith.addf %broadcast_in_dim3A_2081, %get3A_2084 : vector<32x1xf32>
    %swap3A_2086 = arith.constant 1312 : index
    %swap3A_2087 = arith.constant 0 : index
    %swap3A_2088 = vector.load %arg13[%swap3A_2086, %swap3A_2087] : memref<1600x1xf32, #tpu.memory_space<vmem>>, vector<32x1xf32>
    tpu.vector_store %arg13[%swap3A_2086, %swap3A_2087], %add3A_2085 {strides = array<i32>} : memref<1600x1xf32, #tpu.memory_space<vmem>>, vector<32x1xf32>,
    %dot_general3A_2089 = arith.constant dense<0.000000e+00> : vector<32x384xf32>
    %dot_general3A_2090 = tpu.matmul %add3A_2028, %get3A_67, %dot_general3A_2089 {dimension_numbers = #tpu.dot_dimension_numbers<[1], [0], [0], [1], [0, 0, 1, 1], [], []>, transpose_lhs_hint = false} : vector<32x128xf32>, vector<128x384xf32>, vector<32x384xf32> -> vector<32x384xf32>
    %dot_general3A_2091 = arith.constant dense<0.000000e+00> : vector<32x384xf32>
    %dot_general3A_2092 = tpu.matmul %add3A_2060, %get3A_67, %dot_general3A_2091 {dimension_numbers = #tpu.dot_dimension_numbers<[1], [0], [0], [1], [0, 0, 1, 1], [], []>, transpose_lhs_hint = false} : vector<32x128xf32>, vector<128x384xf32>, vector<32x384xf32> -> vector<32x384xf32>
    %slice3A_2093 = vector.extract_strided_slice %add3A_53 {offsets = [1344, 0], sizes = [32, 384], strides = [1, 1]} : vector<1600x384xf32> to vector<32x384xf32>
    %slice3A_2094 = vector.extract_strided_slice %slice3A_2093 {offsets = [0, 0], sizes = [32, 128], strides = [1, 1]} : vector<32x384xf32> to vector<32x128xf32>
    %slice3A_2095 = vector.extract_strided_slice %dot_general3A_2090 {offsets = [0, 0], sizes = [32, 128], strides = [1, 1]} : vector<32x384xf32> to vector<32x128xf32>
    %add3A_2096 = arith.addf %slice3A_2094, %slice3A_2095 : vector<32x128xf32>
    %logistic3A_2097 = arith.negf %add3A_2096 : vector<32x128xf32>
    %logistic3A_2098 = math.exp %logistic3A_2097 : vector<32x128xf32>
    %logistic3A_2099 = arith.constant 1.000000e+00 : f32
    %logistic3A_2100 = vector.broadcast %logistic3A_2099 : f32 to vector<32x128xf32>
    %logistic3A_2101 = arith.addf %logistic3A_2100, %logistic3A_2098 : vector<32x128xf32>
    %logistic3A_2102 = arith.divf %logistic3A_2100, %logistic3A_2101 : vector<32x128xf32>
    %slice3A_2103 = vector.extract_strided_slice %slice3A_2093 {offsets = [0, 128], sizes = [32, 128], strides = [1, 1]} : vector<32x384xf32> to vector<32x128xf32>
    %slice3A_2104 = vector.extract_strided_slice %dot_general3A_2090 {offsets = [0, 128], sizes = [32, 128], strides = [1, 1]} : vector<32x384xf32> to vector<32x128xf32>
    %add3A_2105 = arith.addf %slice3A_2103, %slice3A_2104 : vector<32x128xf32>
    %logistic3A_2106 = arith.negf %add3A_2105 : vector<32x128xf32>
    %logistic3A_2107 = math.exp %logistic3A_2106 : vector<32x128xf32>
    %logistic3A_2108 = arith.constant 1.000000e+00 : f32
    %logistic3A_2109 = vector.broadcast %logistic3A_2108 : f32 to vector<32x128xf32>
    %logistic3A_2110 = arith.addf %logistic3A_2109, %logistic3A_2107 : vector<32x128xf32>
    %logistic3A_2111 = arith.divf %logistic3A_2109, %logistic3A_2110 : vector<32x128xf32>
    %slice3A_2112 = vector.extract_strided_slice %slice3A_2093 {offsets = [0, 256], sizes = [32, 128], strides = [1, 1]} : vector<32x384xf32> to vector<32x128xf32>
    %slice3A_2113 = vector.extract_strided_slice %dot_general3A_2090 {offsets = [0, 256], sizes = [32, 128], strides = [1, 1]} : vector<32x384xf32> to vector<32x128xf32>
    %add3A_2114 = vector.broadcast %get3A_70 : vector<1x128xf32> to vector<32x128xf32>
    %add3A_2115 = arith.addf %slice3A_2113, %add3A_2114 : vector<32x128xf32>
    %mul3A_2116 = arith.mulf %logistic3A_2102, %add3A_2115 : vector<32x128xf32>
    %add3A_2117 = arith.addf %slice3A_2112, %mul3A_2116 : vector<32x128xf32>
    %tanh3A_2118 = math.tanh %add3A_2117 : vector<32x128xf32>
    %sub3A_2119 = arith.constant 1.000000e+00 : f32
    %sub3A_2120 = vector.broadcast %sub3A_2119 : f32 to vector<32x128xf32>
    %sub3A_2121 = arith.subf %sub3A_2120, %logistic3A_2111 : vector<32x128xf32>
    %mul3A_2122 = arith.mulf %sub3A_2121, %tanh3A_2118 : vector<32x128xf32>
    %mul3A_2123 = arith.mulf %logistic3A_2111, %add3A_2028 : vector<32x128xf32>
    %add3A_2124 = arith.addf %mul3A_2122, %mul3A_2123 : vector<32x128xf32>
    %slice3A_2125 = vector.extract_strided_slice %add3A_53 {offsets = [1376, 0], sizes = [32, 384], strides = [1, 1]} : vector<1600x384xf32> to vector<32x384xf32>
    %slice3A_2126 = vector.extract_strided_slice %slice3A_2125 {offsets = [0, 0], sizes = [32, 128], strides = [1, 1]} : vector<32x384xf32> to vector<32x128xf32>
    %slice3A_2127 = vector.extract_strided_slice %dot_general3A_2092 {offsets = [0, 0], sizes = [32, 128], strides = [1, 1]} : vector<32x384xf32> to vector<32x128xf32>
    %add3A_2128 = arith.addf %slice3A_2126, %slice3A_2127 : vector<32x128xf32>
    %logistic3A_2129 = arith.negf %add3A_2128 : vector<32x128xf32>
    %logistic3A_2130 = math.exp %logistic3A_2129 : vector<32x128xf32>
    %logistic3A_2131 = arith.constant 1.000000e+00 : f32
    %logistic3A_2132 = vector.broadcast %logistic3A_2131 : f32 to vector<32x128xf32>
    %logistic3A_2133 = arith.addf %logistic3A_2132, %logistic3A_2130 : vector<32x128xf32>
    %logistic3A_2134 = arith.divf %logistic3A_2132, %logistic3A_2133 : vector<32x128xf32>
    %slice3A_2135 = vector.extract_strided_slice %slice3A_2125 {offsets = [0, 128], sizes = [32, 128], strides = [1, 1]} : vector<32x384xf32> to vector<32x128xf32>
    %slice3A_2136 = vector.extract_strided_slice %dot_general3A_2092 {offsets = [0, 128], sizes = [32, 128], strides = [1, 1]} : vector<32x384xf32> to vector<32x128xf32>
    %add3A_2137 = arith.addf %slice3A_2135, %slice3A_2136 : vector<32x128xf32>
    %logistic3A_2138 = arith.negf %add3A_2137 : vector<32x128xf32>
    %logistic3A_2139 = math.exp %logistic3A_2138 : vector<32x128xf32>
    %logistic3A_2140 = arith.constant 1.000000e+00 : f32
    %logistic3A_2141 = vector.broadcast %logistic3A_2140 : f32 to vector<32x128xf32>
    %logistic3A_2142 = arith.addf %logistic3A_2141, %logistic3A_2139 : vector<32x128xf32>
    %logistic3A_2143 = arith.divf %logistic3A_2141, %logistic3A_2142 : vector<32x128xf32>
    %slice3A_2144 = vector.extract_strided_slice %slice3A_2125 {offsets = [0, 256], sizes = [32, 128], strides = [1, 1]} : vector<32x384xf32> to vector<32x128xf32>
    %slice3A_2145 = vector.extract_strided_slice %dot_general3A_2092 {offsets = [0, 256], sizes = [32, 128], strides = [1, 1]} : vector<32x384xf32> to vector<32x128xf32>
    %add3A_2146 = vector.broadcast %get3A_70 : vector<1x128xf32> to vector<32x128xf32>
    %add3A_2147 = arith.addf %slice3A_2145, %add3A_2146 : vector<32x128xf32>
    %mul3A_2148 = arith.mulf %logistic3A_2134, %add3A_2147 : vector<32x128xf32>
    %add3A_2149 = arith.addf %slice3A_2144, %mul3A_2148 : vector<32x128xf32>
    %tanh3A_2150 = math.tanh %add3A_2149 : vector<32x128xf32>
    %sub3A_2151 = arith.constant 1.000000e+00 : f32
    %sub3A_2152 = vector.broadcast %sub3A_2151 : f32 to vector<32x128xf32>
    %sub3A_2153 = arith.subf %sub3A_2152, %logistic3A_2143 : vector<32x128xf32>
    %mul3A_2154 = arith.mulf %sub3A_2153, %tanh3A_2150 : vector<32x128xf32>
    %mul3A_2155 = arith.mulf %logistic3A_2143, %add3A_2060 : vector<32x128xf32>
    %add3A_2156 = arith.addf %mul3A_2154, %mul3A_2155 : vector<32x128xf32>
    %get3A_2157 = arith.constant 1344 : index
    %get3A_2158 = arith.constant 0 : index
    %get3A_2159 = vector.load %arg5[%get3A_2157, %get3A_2158] : memref<1600x128xf32, #tpu.memory_space<vmem>>, vector<32x128xf32>
    %mul3A_2160 = arith.mulf %add3A_2124, %get3A_2159 : vector<32x128xf32>
    %reduce_sum3A_2161 = arith.constant dense<0.000000e+00> : vector<32xf32>
    %reduce_sum3A_2162 = vector.multi_reduction <add>, %mul3A_2160, %reduce_sum3A_2161 [1] : vector<32x128xf32> to vector<32xf32>
    %broadcast_in_dim3A_2163 = vector.shape_cast %reduce_sum3A_2162 : vector<32xf32> to vector<32x1xf32>
    %get3A_2164 = arith.constant 1344 : index
    %get3A_2165 = arith.constant 0 : index
    %get3A_2166 = vector.load %arg6[%get3A_2164, %get3A_2165] : memref<1600x1xf32, #tpu.memory_space<vmem>>, vector<32x1xf32>
    %add3A_2167 = arith.addf %broadcast_in_dim3A_2163, %get3A_2166 : vector<32x1xf32>
    %swap3A_2168 = arith.constant 1344 : index
    %swap3A_2169 = arith.constant 0 : index
    %swap3A_2170 = vector.load %arg13[%swap3A_2168, %swap3A_2169] : memref<1600x1xf32, #tpu.memory_space<vmem>>, vector<32x1xf32>
    tpu.vector_store %arg13[%swap3A_2168, %swap3A_2169], %add3A_2167 {strides = array<i32>} : memref<1600x1xf32, #tpu.memory_space<vmem>>, vector<32x1xf32>,
    %get3A_2171 = arith.constant 1376 : index
    %get3A_2172 = arith.constant 0 : index
    %get3A_2173 = vector.load %arg5[%get3A_2171, %get3A_2172] : memref<1600x128xf32, #tpu.memory_space<vmem>>, vector<32x128xf32>
    %mul3A_2174 = arith.mulf %add3A_2156, %get3A_2173 : vector<32x128xf32>
    %reduce_sum3A_2175 = arith.constant dense<0.000000e+00> : vector<32xf32>
    %reduce_sum3A_2176 = vector.multi_reduction <add>, %mul3A_2174, %reduce_sum3A_2175 [1] : vector<32x128xf32> to vector<32xf32>
    %broadcast_in_dim3A_2177 = vector.shape_cast %reduce_sum3A_2176 : vector<32xf32> to vector<32x1xf32>
    %get3A_2178 = arith.constant 1376 : index
    %get3A_2179 = arith.constant 0 : index
    %get3A_2180 = vector.load %arg6[%get3A_2178, %get3A_2179] : memref<1600x1xf32, #tpu.memory_space<vmem>>, vector<32x1xf32>
    %add3A_2181 = arith.addf %broadcast_in_dim3A_2177, %get3A_2180 : vector<32x1xf32>
    %swap3A_2182 = arith.constant 1376 : index
    %swap3A_2183 = arith.constant 0 : index
    %swap3A_2184 = vector.load %arg13[%swap3A_2182, %swap3A_2183] : memref<1600x1xf32, #tpu.memory_space<vmem>>, vector<32x1xf32>
    tpu.vector_store %arg13[%swap3A_2182, %swap3A_2183], %add3A_2181 {strides = array<i32>} : memref<1600x1xf32, #tpu.memory_space<vmem>>, vector<32x1xf32>,
    %dot_general3A_2185 = arith.constant dense<0.000000e+00> : vector<32x384xf32>
    %dot_general3A_2186 = tpu.matmul %add3A_2124, %get3A_67, %dot_general3A_2185 {dimension_numbers = #tpu.dot_dimension_numbers<[1], [0], [0], [1], [0, 0, 1, 1], [], []>, transpose_lhs_hint = false} : vector<32x128xf32>, vector<128x384xf32>, vector<32x384xf32> -> vector<32x384xf32>
    %dot_general3A_2187 = arith.constant dense<0.000000e+00> : vector<32x384xf32>
    %dot_general3A_2188 = tpu.matmul %add3A_2156, %get3A_67, %dot_general3A_2187 {dimension_numbers = #tpu.dot_dimension_numbers<[1], [0], [0], [1], [0, 0, 1, 1], [], []>, transpose_lhs_hint = false} : vector<32x128xf32>, vector<128x384xf32>, vector<32x384xf32> -> vector<32x384xf32>
    %slice3A_2189 = vector.extract_strided_slice %add3A_53 {offsets = [1408, 0], sizes = [32, 384], strides = [1, 1]} : vector<1600x384xf32> to vector<32x384xf32>
    %slice3A_2190 = vector.extract_strided_slice %slice3A_2189 {offsets = [0, 0], sizes = [32, 128], strides = [1, 1]} : vector<32x384xf32> to vector<32x128xf32>
    %slice3A_2191 = vector.extract_strided_slice %dot_general3A_2186 {offsets = [0, 0], sizes = [32, 128], strides = [1, 1]} : vector<32x384xf32> to vector<32x128xf32>
    %add3A_2192 = arith.addf %slice3A_2190, %slice3A_2191 : vector<32x128xf32>
    %logistic3A_2193 = arith.negf %add3A_2192 : vector<32x128xf32>
    %logistic3A_2194 = math.exp %logistic3A_2193 : vector<32x128xf32>
    %logistic3A_2195 = arith.constant 1.000000e+00 : f32
    %logistic3A_2196 = vector.broadcast %logistic3A_2195 : f32 to vector<32x128xf32>
    %logistic3A_2197 = arith.addf %logistic3A_2196, %logistic3A_2194 : vector<32x128xf32>
    %logistic3A_2198 = arith.divf %logistic3A_2196, %logistic3A_2197 : vector<32x128xf32>
    %slice3A_2199 = vector.extract_strided_slice %slice3A_2189 {offsets = [0, 128], sizes = [32, 128], strides = [1, 1]} : vector<32x384xf32> to vector<32x128xf32>
    %slice3A_2200 = vector.extract_strided_slice %dot_general3A_2186 {offsets = [0, 128], sizes = [32, 128], strides = [1, 1]} : vector<32x384xf32> to vector<32x128xf32>
    %add3A_2201 = arith.addf %slice3A_2199, %slice3A_2200 : vector<32x128xf32>
    %logistic3A_2202 = arith.negf %add3A_2201 : vector<32x128xf32>
    %logistic3A_2203 = math.exp %logistic3A_2202 : vector<32x128xf32>
    %logistic3A_2204 = arith.constant 1.000000e+00 : f32
    %logistic3A_2205 = vector.broadcast %logistic3A_2204 : f32 to vector<32x128xf32>
    %logistic3A_2206 = arith.addf %logistic3A_2205, %logistic3A_2203 : vector<32x128xf32>
    %logistic3A_2207 = arith.divf %logistic3A_2205, %logistic3A_2206 : vector<32x128xf32>
    %slice3A_2208 = vector.extract_strided_slice %slice3A_2189 {offsets = [0, 256], sizes = [32, 128], strides = [1, 1]} : vector<32x384xf32> to vector<32x128xf32>
    %slice3A_2209 = vector.extract_strided_slice %dot_general3A_2186 {offsets = [0, 256], sizes = [32, 128], strides = [1, 1]} : vector<32x384xf32> to vector<32x128xf32>
    %add3A_2210 = vector.broadcast %get3A_70 : vector<1x128xf32> to vector<32x128xf32>
    %add3A_2211 = arith.addf %slice3A_2209, %add3A_2210 : vector<32x128xf32>
    %mul3A_2212 = arith.mulf %logistic3A_2198, %add3A_2211 : vector<32x128xf32>
    %add3A_2213 = arith.addf %slice3A_2208, %mul3A_2212 : vector<32x128xf32>
    %tanh3A_2214 = math.tanh %add3A_2213 : vector<32x128xf32>
    %sub3A_2215 = arith.constant 1.000000e+00 : f32
    %sub3A_2216 = vector.broadcast %sub3A_2215 : f32 to vector<32x128xf32>
    %sub3A_2217 = arith.subf %sub3A_2216, %logistic3A_2207 : vector<32x128xf32>
    %mul3A_2218 = arith.mulf %sub3A_2217, %tanh3A_2214 : vector<32x128xf32>
    %mul3A_2219 = arith.mulf %logistic3A_2207, %add3A_2124 : vector<32x128xf32>
    %add3A_2220 = arith.addf %mul3A_2218, %mul3A_2219 : vector<32x128xf32>
    %slice3A_2221 = vector.extract_strided_slice %add3A_53 {offsets = [1440, 0], sizes = [32, 384], strides = [1, 1]} : vector<1600x384xf32> to vector<32x384xf32>
    %slice3A_2222 = vector.extract_strided_slice %slice3A_2221 {offsets = [0, 0], sizes = [32, 128], strides = [1, 1]} : vector<32x384xf32> to vector<32x128xf32>
    %slice3A_2223 = vector.extract_strided_slice %dot_general3A_2188 {offsets = [0, 0], sizes = [32, 128], strides = [1, 1]} : vector<32x384xf32> to vector<32x128xf32>
    %add3A_2224 = arith.addf %slice3A_2222, %slice3A_2223 : vector<32x128xf32>
    %logistic3A_2225 = arith.negf %add3A_2224 : vector<32x128xf32>
    %logistic3A_2226 = math.exp %logistic3A_2225 : vector<32x128xf32>
    %logistic3A_2227 = arith.constant 1.000000e+00 : f32
    %logistic3A_2228 = vector.broadcast %logistic3A_2227 : f32 to vector<32x128xf32>
    %logistic3A_2229 = arith.addf %logistic3A_2228, %logistic3A_2226 : vector<32x128xf32>
    %logistic3A_2230 = arith.divf %logistic3A_2228, %logistic3A_2229 : vector<32x128xf32>
    %slice3A_2231 = vector.extract_strided_slice %slice3A_2221 {offsets = [0, 128], sizes = [32, 128], strides = [1, 1]} : vector<32x384xf32> to vector<32x128xf32>
    %slice3A_2232 = vector.extract_strided_slice %dot_general3A_2188 {offsets = [0, 128], sizes = [32, 128], strides = [1, 1]} : vector<32x384xf32> to vector<32x128xf32>
    %add3A_2233 = arith.addf %slice3A_2231, %slice3A_2232 : vector<32x128xf32>
    %logistic3A_2234 = arith.negf %add3A_2233 : vector<32x128xf32>
    %logistic3A_2235 = math.exp %logistic3A_2234 : vector<32x128xf32>
    %logistic3A_2236 = arith.constant 1.000000e+00 : f32
    %logistic3A_2237 = vector.broadcast %logistic3A_2236 : f32 to vector<32x128xf32>
    %logistic3A_2238 = arith.addf %logistic3A_2237, %logistic3A_2235 : vector<32x128xf32>
    %logistic3A_2239 = arith.divf %logistic3A_2237, %logistic3A_2238 : vector<32x128xf32>
    %slice3A_2240 = vector.extract_strided_slice %slice3A_2221 {offsets = [0, 256], sizes = [32, 128], strides = [1, 1]} : vector<32x384xf32> to vector<32x128xf32>
    %slice3A_2241 = vector.extract_strided_slice %dot_general3A_2188 {offsets = [0, 256], sizes = [32, 128], strides = [1, 1]} : vector<32x384xf32> to vector<32x128xf32>
    %add3A_2242 = vector.broadcast %get3A_70 : vector<1x128xf32> to vector<32x128xf32>
    %add3A_2243 = arith.addf %slice3A_2241, %add3A_2242 : vector<32x128xf32>
    %mul3A_2244 = arith.mulf %logistic3A_2230, %add3A_2243 : vector<32x128xf32>
    %add3A_2245 = arith.addf %slice3A_2240, %mul3A_2244 : vector<32x128xf32>
    %tanh3A_2246 = math.tanh %add3A_2245 : vector<32x128xf32>
    %sub3A_2247 = arith.constant 1.000000e+00 : f32
    %sub3A_2248 = vector.broadcast %sub3A_2247 : f32 to vector<32x128xf32>
    %sub3A_2249 = arith.subf %sub3A_2248, %logistic3A_2239 : vector<32x128xf32>
    %mul3A_2250 = arith.mulf %sub3A_2249, %tanh3A_2246 : vector<32x128xf32>
    %mul3A_2251 = arith.mulf %logistic3A_2239, %add3A_2156 : vector<32x128xf32>
    %add3A_2252 = arith.addf %mul3A_2250, %mul3A_2251 : vector<32x128xf32>
    %get3A_2253 = arith.constant 1408 : index
    %get3A_2254 = arith.constant 0 : index
    %get3A_2255 = vector.load %arg5[%get3A_2253, %get3A_2254] : memref<1600x128xf32, #tpu.memory_space<vmem>>, vector<32x128xf32>
    %mul3A_2256 = arith.mulf %add3A_2220, %get3A_2255 : vector<32x128xf32>
    %reduce_sum3A_2257 = arith.constant dense<0.000000e+00> : vector<32xf32>
    %reduce_sum3A_2258 = vector.multi_reduction <add>, %mul3A_2256, %reduce_sum3A_2257 [1] : vector<32x128xf32> to vector<32xf32>
    %broadcast_in_dim3A_2259 = vector.shape_cast %reduce_sum3A_2258 : vector<32xf32> to vector<32x1xf32>
    %get3A_2260 = arith.constant 1408 : index
    %get3A_2261 = arith.constant 0 : index
    %get3A_2262 = vector.load %arg6[%get3A_2260, %get3A_2261] : memref<1600x1xf32, #tpu.memory_space<vmem>>, vector<32x1xf32>
    %add3A_2263 = arith.addf %broadcast_in_dim3A_2259, %get3A_2262 : vector<32x1xf32>
    %swap3A_2264 = arith.constant 1408 : index
    %swap3A_2265 = arith.constant 0 : index
    %swap3A_2266 = vector.load %arg13[%swap3A_2264, %swap3A_2265] : memref<1600x1xf32, #tpu.memory_space<vmem>>, vector<32x1xf32>
    tpu.vector_store %arg13[%swap3A_2264, %swap3A_2265], %add3A_2263 {strides = array<i32>} : memref<1600x1xf32, #tpu.memory_space<vmem>>, vector<32x1xf32>,
    %get3A_2267 = arith.constant 1440 : index
    %get3A_2268 = arith.constant 0 : index
    %get3A_2269 = vector.load %arg5[%get3A_2267, %get3A_2268] : memref<1600x128xf32, #tpu.memory_space<vmem>>, vector<32x128xf32>
    %mul3A_2270 = arith.mulf %add3A_2252, %get3A_2269 : vector<32x128xf32>
    %reduce_sum3A_2271 = arith.constant dense<0.000000e+00> : vector<32xf32>
    %reduce_sum3A_2272 = vector.multi_reduction <add>, %mul3A_2270, %reduce_sum3A_2271 [1] : vector<32x128xf32> to vector<32xf32>
    %broadcast_in_dim3A_2273 = vector.shape_cast %reduce_sum3A_2272 : vector<32xf32> to vector<32x1xf32>
    %get3A_2274 = arith.constant 1440 : index
    %get3A_2275 = arith.constant 0 : index
    %get3A_2276 = vector.load %arg6[%get3A_2274, %get3A_2275] : memref<1600x1xf32, #tpu.memory_space<vmem>>, vector<32x1xf32>
    %add3A_2277 = arith.addf %broadcast_in_dim3A_2273, %get3A_2276 : vector<32x1xf32>
    %swap3A_2278 = arith.constant 1440 : index
    %swap3A_2279 = arith.constant 0 : index
    %swap3A_2280 = vector.load %arg13[%swap3A_2278, %swap3A_2279] : memref<1600x1xf32, #tpu.memory_space<vmem>>, vector<32x1xf32>
    tpu.vector_store %arg13[%swap3A_2278, %swap3A_2279], %add3A_2277 {strides = array<i32>} : memref<1600x1xf32, #tpu.memory_space<vmem>>, vector<32x1xf32>,
    %dot_general3A_2281 = arith.constant dense<0.000000e+00> : vector<32x384xf32>
    %dot_general3A_2282 = tpu.matmul %add3A_2220, %get3A_67, %dot_general3A_2281 {dimension_numbers = #tpu.dot_dimension_numbers<[1], [0], [0], [1], [0, 0, 1, 1], [], []>, transpose_lhs_hint = false} : vector<32x128xf32>, vector<128x384xf32>, vector<32x384xf32> -> vector<32x384xf32>
    %dot_general3A_2283 = arith.constant dense<0.000000e+00> : vector<32x384xf32>
    %dot_general3A_2284 = tpu.matmul %add3A_2252, %get3A_67, %dot_general3A_2283 {dimension_numbers = #tpu.dot_dimension_numbers<[1], [0], [0], [1], [0, 0, 1, 1], [], []>, transpose_lhs_hint = false} : vector<32x128xf32>, vector<128x384xf32>, vector<32x384xf32> -> vector<32x384xf32>
    %slice3A_2285 = vector.extract_strided_slice %add3A_53 {offsets = [1472, 0], sizes = [32, 384], strides = [1, 1]} : vector<1600x384xf32> to vector<32x384xf32>
    %slice3A_2286 = vector.extract_strided_slice %slice3A_2285 {offsets = [0, 0], sizes = [32, 128], strides = [1, 1]} : vector<32x384xf32> to vector<32x128xf32>
    %slice3A_2287 = vector.extract_strided_slice %dot_general3A_2282 {offsets = [0, 0], sizes = [32, 128], strides = [1, 1]} : vector<32x384xf32> to vector<32x128xf32>
    %add3A_2288 = arith.addf %slice3A_2286, %slice3A_2287 : vector<32x128xf32>
    %logistic3A_2289 = arith.negf %add3A_2288 : vector<32x128xf32>
    %logistic3A_2290 = math.exp %logistic3A_2289 : vector<32x128xf32>
    %logistic3A_2291 = arith.constant 1.000000e+00 : f32
    %logistic3A_2292 = vector.broadcast %logistic3A_2291 : f32 to vector<32x128xf32>
    %logistic3A_2293 = arith.addf %logistic3A_2292, %logistic3A_2290 : vector<32x128xf32>
    %logistic3A_2294 = arith.divf %logistic3A_2292, %logistic3A_2293 : vector<32x128xf32>
    %slice3A_2295 = vector.extract_strided_slice %slice3A_2285 {offsets = [0, 128], sizes = [32, 128], strides = [1, 1]} : vector<32x384xf32> to vector<32x128xf32>
    %slice3A_2296 = vector.extract_strided_slice %dot_general3A_2282 {offsets = [0, 128], sizes = [32, 128], strides = [1, 1]} : vector<32x384xf32> to vector<32x128xf32>
    %add3A_2297 = arith.addf %slice3A_2295, %slice3A_2296 : vector<32x128xf32>
    %logistic3A_2298 = arith.negf %add3A_2297 : vector<32x128xf32>
    %logistic3A_2299 = math.exp %logistic3A_2298 : vector<32x128xf32>
    %logistic3A_2300 = arith.constant 1.000000e+00 : f32
    %logistic3A_2301 = vector.broadcast %logistic3A_2300 : f32 to vector<32x128xf32>
    %logistic3A_2302 = arith.addf %logistic3A_2301, %logistic3A_2299 : vector<32x128xf32>
    %logistic3A_2303 = arith.divf %logistic3A_2301, %logistic3A_2302 : vector<32x128xf32>
    %slice3A_2304 = vector.extract_strided_slice %slice3A_2285 {offsets = [0, 256], sizes = [32, 128], strides = [1, 1]} : vector<32x384xf32> to vector<32x128xf32>
    %slice3A_2305 = vector.extract_strided_slice %dot_general3A_2282 {offsets = [0, 256], sizes = [32, 128], strides = [1, 1]} : vector<32x384xf32> to vector<32x128xf32>
    %add3A_2306 = vector.broadcast %get3A_70 : vector<1x128xf32> to vector<32x128xf32>
    %add3A_2307 = arith.addf %slice3A_2305, %add3A_2306 : vector<32x128xf32>
    %mul3A_2308 = arith.mulf %logistic3A_2294, %add3A_2307 : vector<32x128xf32>
    %add3A_2309 = arith.addf %slice3A_2304, %mul3A_2308 : vector<32x128xf32>
    %tanh3A_2310 = math.tanh %add3A_2309 : vector<32x128xf32>
    %sub3A_2311 = arith.constant 1.000000e+00 : f32
    %sub3A_2312 = vector.broadcast %sub3A_2311 : f32 to vector<32x128xf32>
    %sub3A_2313 = arith.subf %sub3A_2312, %logistic3A_2303 : vector<32x128xf32>
    %mul3A_2314 = arith.mulf %sub3A_2313, %tanh3A_2310 : vector<32x128xf32>
    %mul3A_2315 = arith.mulf %logistic3A_2303, %add3A_2220 : vector<32x128xf32>
    %add3A_2316 = arith.addf %mul3A_2314, %mul3A_2315 : vector<32x128xf32>
    %slice3A_2317 = vector.extract_strided_slice %add3A_53 {offsets = [1504, 0], sizes = [32, 384], strides = [1, 1]} : vector<1600x384xf32> to vector<32x384xf32>
    %slice3A_2318 = vector.extract_strided_slice %slice3A_2317 {offsets = [0, 0], sizes = [32, 128], strides = [1, 1]} : vector<32x384xf32> to vector<32x128xf32>
    %slice3A_2319 = vector.extract_strided_slice %dot_general3A_2284 {offsets = [0, 0], sizes = [32, 128], strides = [1, 1]} : vector<32x384xf32> to vector<32x128xf32>
    %add3A_2320 = arith.addf %slice3A_2318, %slice3A_2319 : vector<32x128xf32>
    %logistic3A_2321 = arith.negf %add3A_2320 : vector<32x128xf32>
    %logistic3A_2322 = math.exp %logistic3A_2321 : vector<32x128xf32>
    %logistic3A_2323 = arith.constant 1.000000e+00 : f32
    %logistic3A_2324 = vector.broadcast %logistic3A_2323 : f32 to vector<32x128xf32>
    %logistic3A_2325 = arith.addf %logistic3A_2324, %logistic3A_2322 : vector<32x128xf32>
    %logistic3A_2326 = arith.divf %logistic3A_2324, %logistic3A_2325 : vector<32x128xf32>
    %slice3A_2327 = vector.extract_strided_slice %slice3A_2317 {offsets = [0, 128], sizes = [32, 128], strides = [1, 1]} : vector<32x384xf32> to vector<32x128xf32>
    %slice3A_2328 = vector.extract_strided_slice %dot_general3A_2284 {offsets = [0, 128], sizes = [32, 128], strides = [1, 1]} : vector<32x384xf32> to vector<32x128xf32>
    %add3A_2329 = arith.addf %slice3A_2327, %slice3A_2328 : vector<32x128xf32>
    %logistic3A_2330 = arith.negf %add3A_2329 : vector<32x128xf32>
    %logistic3A_2331 = math.exp %logistic3A_2330 : vector<32x128xf32>
    %logistic3A_2332 = arith.constant 1.000000e+00 : f32
    %logistic3A_2333 = vector.broadcast %logistic3A_2332 : f32 to vector<32x128xf32>
    %logistic3A_2334 = arith.addf %logistic3A_2333, %logistic3A_2331 : vector<32x128xf32>
    %logistic3A_2335 = arith.divf %logistic3A_2333, %logistic3A_2334 : vector<32x128xf32>
    %slice3A_2336 = vector.extract_strided_slice %slice3A_2317 {offsets = [0, 256], sizes = [32, 128], strides = [1, 1]} : vector<32x384xf32> to vector<32x128xf32>
    %slice3A_2337 = vector.extract_strided_slice %dot_general3A_2284 {offsets = [0, 256], sizes = [32, 128], strides = [1, 1]} : vector<32x384xf32> to vector<32x128xf32>
    %add3A_2338 = vector.broadcast %get3A_70 : vector<1x128xf32> to vector<32x128xf32>
    %add3A_2339 = arith.addf %slice3A_2337, %add3A_2338 : vector<32x128xf32>
    %mul3A_2340 = arith.mulf %logistic3A_2326, %add3A_2339 : vector<32x128xf32>
    %add3A_2341 = arith.addf %slice3A_2336, %mul3A_2340 : vector<32x128xf32>
    %tanh3A_2342 = math.tanh %add3A_2341 : vector<32x128xf32>
    %sub3A_2343 = arith.constant 1.000000e+00 : f32
    %sub3A_2344 = vector.broadcast %sub3A_2343 : f32 to vector<32x128xf32>
    %sub3A_2345 = arith.subf %sub3A_2344, %logistic3A_2335 : vector<32x128xf32>
    %mul3A_2346 = arith.mulf %sub3A_2345, %tanh3A_2342 : vector<32x128xf32>
    %mul3A_2347 = arith.mulf %logistic3A_2335, %add3A_2252 : vector<32x128xf32>
    %add3A_2348 = arith.addf %mul3A_2346, %mul3A_2347 : vector<32x128xf32>
    %get3A_2349 = arith.constant 1472 : index
    %get3A_2350 = arith.constant 0 : index
    %get3A_2351 = vector.load %arg5[%get3A_2349, %get3A_2350] : memref<1600x128xf32, #tpu.memory_space<vmem>>, vector<32x128xf32>
    %mul3A_2352 = arith.mulf %add3A_2316, %get3A_2351 : vector<32x128xf32>
    %reduce_sum3A_2353 = arith.constant dense<0.000000e+00> : vector<32xf32>
    %reduce_sum3A_2354 = vector.multi_reduction <add>, %mul3A_2352, %reduce_sum3A_2353 [1] : vector<32x128xf32> to vector<32xf32>
    %broadcast_in_dim3A_2355 = vector.shape_cast %reduce_sum3A_2354 : vector<32xf32> to vector<32x1xf32>
    %get3A_2356 = arith.constant 1472 : index
    %get3A_2357 = arith.constant 0 : index
    %get3A_2358 = vector.load %arg6[%get3A_2356, %get3A_2357] : memref<1600x1xf32, #tpu.memory_space<vmem>>, vector<32x1xf32>
    %add3A_2359 = arith.addf %broadcast_in_dim3A_2355, %get3A_2358 : vector<32x1xf32>
    %swap3A_2360 = arith.constant 1472 : index
    %swap3A_2361 = arith.constant 0 : index
    %swap3A_2362 = vector.load %arg13[%swap3A_2360, %swap3A_2361] : memref<1600x1xf32, #tpu.memory_space<vmem>>, vector<32x1xf32>
    tpu.vector_store %arg13[%swap3A_2360, %swap3A_2361], %add3A_2359 {strides = array<i32>} : memref<1600x1xf32, #tpu.memory_space<vmem>>, vector<32x1xf32>,
    %get3A_2363 = arith.constant 1504 : index
    %get3A_2364 = arith.constant 0 : index
    %get3A_2365 = vector.load %arg5[%get3A_2363, %get3A_2364] : memref<1600x128xf32, #tpu.memory_space<vmem>>, vector<32x128xf32>
    %mul3A_2366 = arith.mulf %add3A_2348, %get3A_2365 : vector<32x128xf32>
    %reduce_sum3A_2367 = arith.constant dense<0.000000e+00> : vector<32xf32>
    %reduce_sum3A_2368 = vector.multi_reduction <add>, %mul3A_2366, %reduce_sum3A_2367 [1] : vector<32x128xf32> to vector<32xf32>
    %broadcast_in_dim3A_2369 = vector.shape_cast %reduce_sum3A_2368 : vector<32xf32> to vector<32x1xf32>
    %get3A_2370 = arith.constant 1504 : index
    %get3A_2371 = arith.constant 0 : index
    %get3A_2372 = vector.load %arg6[%get3A_2370, %get3A_2371] : memref<1600x1xf32, #tpu.memory_space<vmem>>, vector<32x1xf32>
    %add3A_2373 = arith.addf %broadcast_in_dim3A_2369, %get3A_2372 : vector<32x1xf32>
    %swap3A_2374 = arith.constant 1504 : index
    %swap3A_2375 = arith.constant 0 : index
    %swap3A_2376 = vector.load %arg13[%swap3A_2374, %swap3A_2375] : memref<1600x1xf32, #tpu.memory_space<vmem>>, vector<32x1xf32>
    tpu.vector_store %arg13[%swap3A_2374, %swap3A_2375], %add3A_2373 {strides = array<i32>} : memref<1600x1xf32, #tpu.memory_space<vmem>>, vector<32x1xf32>,
    %dot_general3A_2377 = arith.constant dense<0.000000e+00> : vector<32x384xf32>
    %dot_general3A_2378 = tpu.matmul %add3A_2316, %get3A_67, %dot_general3A_2377 {dimension_numbers = #tpu.dot_dimension_numbers<[1], [0], [0], [1], [0, 0, 1, 1], [], []>, transpose_lhs_hint = false} : vector<32x128xf32>, vector<128x384xf32>, vector<32x384xf32> -> vector<32x384xf32>
    %dot_general3A_2379 = arith.constant dense<0.000000e+00> : vector<32x384xf32>
    %dot_general3A_2380 = tpu.matmul %add3A_2348, %get3A_67, %dot_general3A_2379 {dimension_numbers = #tpu.dot_dimension_numbers<[1], [0], [0], [1], [0, 0, 1, 1], [], []>, transpose_lhs_hint = false} : vector<32x128xf32>, vector<128x384xf32>, vector<32x384xf32> -> vector<32x384xf32>
    %slice3A_2381 = vector.extract_strided_slice %add3A_53 {offsets = [1536, 0], sizes = [32, 384], strides = [1, 1]} : vector<1600x384xf32> to vector<32x384xf32>
    %slice3A_2382 = vector.extract_strided_slice %slice3A_2381 {offsets = [0, 0], sizes = [32, 128], strides = [1, 1]} : vector<32x384xf32> to vector<32x128xf32>
    %slice3A_2383 = vector.extract_strided_slice %dot_general3A_2378 {offsets = [0, 0], sizes = [32, 128], strides = [1, 1]} : vector<32x384xf32> to vector<32x128xf32>
    %add3A_2384 = arith.addf %slice3A_2382, %slice3A_2383 : vector<32x128xf32>
    %logistic3A_2385 = arith.negf %add3A_2384 : vector<32x128xf32>
    %logistic3A_2386 = math.exp %logistic3A_2385 : vector<32x128xf32>
    %logistic3A_2387 = arith.constant 1.000000e+00 : f32
    %logistic3A_2388 = vector.broadcast %logistic3A_2387 : f32 to vector<32x128xf32>
    %logistic3A_2389 = arith.addf %logistic3A_2388, %logistic3A_2386 : vector<32x128xf32>
    %logistic3A_2390 = arith.divf %logistic3A_2388, %logistic3A_2389 : vector<32x128xf32>
    %slice3A_2391 = vector.extract_strided_slice %slice3A_2381 {offsets = [0, 128], sizes = [32, 128], strides = [1, 1]} : vector<32x384xf32> to vector<32x128xf32>
    %slice3A_2392 = vector.extract_strided_slice %dot_general3A_2378 {offsets = [0, 128], sizes = [32, 128], strides = [1, 1]} : vector<32x384xf32> to vector<32x128xf32>
    %add3A_2393 = arith.addf %slice3A_2391, %slice3A_2392 : vector<32x128xf32>
    %logistic3A_2394 = arith.negf %add3A_2393 : vector<32x128xf32>
    %logistic3A_2395 = math.exp %logistic3A_2394 : vector<32x128xf32>
    %logistic3A_2396 = arith.constant 1.000000e+00 : f32
    %logistic3A_2397 = vector.broadcast %logistic3A_2396 : f32 to vector<32x128xf32>
    %logistic3A_2398 = arith.addf %logistic3A_2397, %logistic3A_2395 : vector<32x128xf32>
    %logistic3A_2399 = arith.divf %logistic3A_2397, %logistic3A_2398 : vector<32x128xf32>
    %slice3A_2400 = vector.extract_strided_slice %slice3A_2381 {offsets = [0, 256], sizes = [32, 128], strides = [1, 1]} : vector<32x384xf32> to vector<32x128xf32>
    %slice3A_2401 = vector.extract_strided_slice %dot_general3A_2378 {offsets = [0, 256], sizes = [32, 128], strides = [1, 1]} : vector<32x384xf32> to vector<32x128xf32>
    %add3A_2402 = vector.broadcast %get3A_70 : vector<1x128xf32> to vector<32x128xf32>
    %add3A_2403 = arith.addf %slice3A_2401, %add3A_2402 : vector<32x128xf32>
    %mul3A_2404 = arith.mulf %logistic3A_2390, %add3A_2403 : vector<32x128xf32>
    %add3A_2405 = arith.addf %slice3A_2400, %mul3A_2404 : vector<32x128xf32>
    %tanh3A_2406 = math.tanh %add3A_2405 : vector<32x128xf32>
    %sub3A_2407 = arith.constant 1.000000e+00 : f32
    %sub3A_2408 = vector.broadcast %sub3A_2407 : f32 to vector<32x128xf32>
    %sub3A_2409 = arith.subf %sub3A_2408, %logistic3A_2399 : vector<32x128xf32>
    %mul3A_2410 = arith.mulf %sub3A_2409, %tanh3A_2406 : vector<32x128xf32>
    %mul3A_2411 = arith.mulf %logistic3A_2399, %add3A_2316 : vector<32x128xf32>
    %add3A_2412 = arith.addf %mul3A_2410, %mul3A_2411 : vector<32x128xf32>
    %slice3A_2413 = vector.extract_strided_slice %add3A_53 {offsets = [1568, 0], sizes = [32, 384], strides = [1, 1]} : vector<1600x384xf32> to vector<32x384xf32>
    %slice3A_2414 = vector.extract_strided_slice %slice3A_2413 {offsets = [0, 0], sizes = [32, 128], strides = [1, 1]} : vector<32x384xf32> to vector<32x128xf32>
    %slice3A_2415 = vector.extract_strided_slice %dot_general3A_2380 {offsets = [0, 0], sizes = [32, 128], strides = [1, 1]} : vector<32x384xf32> to vector<32x128xf32>
    %add3A_2416 = arith.addf %slice3A_2414, %slice3A_2415 : vector<32x128xf32>
    %logistic3A_2417 = arith.negf %add3A_2416 : vector<32x128xf32>
    %logistic3A_2418 = math.exp %logistic3A_2417 : vector<32x128xf32>
    %logistic3A_2419 = arith.constant 1.000000e+00 : f32
    %logistic3A_2420 = vector.broadcast %logistic3A_2419 : f32 to vector<32x128xf32>
    %logistic3A_2421 = arith.addf %logistic3A_2420, %logistic3A_2418 : vector<32x128xf32>
    %logistic3A_2422 = arith.divf %logistic3A_2420, %logistic3A_2421 : vector<32x128xf32>
    %slice3A_2423 = vector.extract_strided_slice %slice3A_2413 {offsets = [0, 128], sizes = [32, 128], strides = [1, 1]} : vector<32x384xf32> to vector<32x128xf32>
    %slice3A_2424 = vector.extract_strided_slice %dot_general3A_2380 {offsets = [0, 128], sizes = [32, 128], strides = [1, 1]} : vector<32x384xf32> to vector<32x128xf32>
    %add3A_2425 = arith.addf %slice3A_2423, %slice3A_2424 : vector<32x128xf32>
    %logistic3A_2426 = arith.negf %add3A_2425 : vector<32x128xf32>
    %logistic3A_2427 = math.exp %logistic3A_2426 : vector<32x128xf32>
    %logistic3A_2428 = arith.constant 1.000000e+00 : f32
    %logistic3A_2429 = vector.broadcast %logistic3A_2428 : f32 to vector<32x128xf32>
    %logistic3A_2430 = arith.addf %logistic3A_2429, %logistic3A_2427 : vector<32x128xf32>
    %logistic3A_2431 = arith.divf %logistic3A_2429, %logistic3A_2430 : vector<32x128xf32>
    %slice3A_2432 = vector.extract_strided_slice %slice3A_2413 {offsets = [0, 256], sizes = [32, 128], strides = [1, 1]} : vector<32x384xf32> to vector<32x128xf32>
    %slice3A_2433 = vector.extract_strided_slice %dot_general3A_2380 {offsets = [0, 256], sizes = [32, 128], strides = [1, 1]} : vector<32x384xf32> to vector<32x128xf32>
    %add3A_2434 = vector.broadcast %get3A_70 : vector<1x128xf32> to vector<32x128xf32>
    %add3A_2435 = arith.addf %slice3A_2433, %add3A_2434 : vector<32x128xf32>
    %mul3A_2436 = arith.mulf %logistic3A_2422, %add3A_2435 : vector<32x128xf32>
    %add3A_2437 = arith.addf %slice3A_2432, %mul3A_2436 : vector<32x128xf32>
    %tanh3A_2438 = math.tanh %add3A_2437 : vector<32x128xf32>
    %sub3A_2439 = arith.constant 1.000000e+00 : f32
    %sub3A_2440 = vector.broadcast %sub3A_2439 : f32 to vector<32x128xf32>
    %sub3A_2441 = arith.subf %sub3A_2440, %logistic3A_2431 : vector<32x128xf32>
    %mul3A_2442 = arith.mulf %sub3A_2441, %tanh3A_2438 : vector<32x128xf32>
    %mul3A_2443 = arith.mulf %logistic3A_2431, %add3A_2348 : vector<32x128xf32>
    %add3A_2444 = arith.addf %mul3A_2442, %mul3A_2443 : vector<32x128xf32>
    %get3A_2445 = arith.constant 1536 : index
    %get3A_2446 = arith.constant 0 : index
    %get3A_2447 = vector.load %arg5[%get3A_2445, %get3A_2446] : memref<1600x128xf32, #tpu.memory_space<vmem>>, vector<32x128xf32>
    %mul3A_2448 = arith.mulf %add3A_2412, %get3A_2447 : vector<32x128xf32>
    %reduce_sum3A_2449 = arith.constant dense<0.000000e+00> : vector<32xf32>
    %reduce_sum3A_2450 = vector.multi_reduction <add>, %mul3A_2448, %reduce_sum3A_2449 [1] : vector<32x128xf32> to vector<32xf32>
    %broadcast_in_dim3A_2451 = vector.shape_cast %reduce_sum3A_2450 : vector<32xf32> to vector<32x1xf32>
    %get3A_2452 = arith.constant 1536 : index
    %get3A_2453 = arith.constant 0 : index
    %get3A_2454 = vector.load %arg6[%get3A_2452, %get3A_2453] : memref<1600x1xf32, #tpu.memory_space<vmem>>, vector<32x1xf32>
    %add3A_2455 = arith.addf %broadcast_in_dim3A_2451, %get3A_2454 : vector<32x1xf32>
    %swap3A_2456 = arith.constant 1536 : index
    %swap3A_2457 = arith.constant 0 : index
    %swap3A_2458 = vector.load %arg13[%swap3A_2456, %swap3A_2457] : memref<1600x1xf32, #tpu.memory_space<vmem>>, vector<32x1xf32>
    tpu.vector_store %arg13[%swap3A_2456, %swap3A_2457], %add3A_2455 {strides = array<i32>} : memref<1600x1xf32, #tpu.memory_space<vmem>>, vector<32x1xf32>,
    %get3A_2459 = arith.constant 1568 : index
    %get3A_2460 = arith.constant 0 : index
    %get3A_2461 = vector.load %arg5[%get3A_2459, %get3A_2460] : memref<1600x128xf32, #tpu.memory_space<vmem>>, vector<32x128xf32>
    %mul3A_2462 = arith.mulf %add3A_2444, %get3A_2461 : vector<32x128xf32>
    %reduce_sum3A_2463 = arith.constant dense<0.000000e+00> : vector<32xf32>
    %reduce_sum3A_2464 = vector.multi_reduction <add>, %mul3A_2462, %reduce_sum3A_2463 [1] : vector<32x128xf32> to vector<32xf32>
    %broadcast_in_dim3A_2465 = vector.shape_cast %reduce_sum3A_2464 : vector<32xf32> to vector<32x1xf32>
    %get3A_2466 = arith.constant 1568 : index
    %get3A_2467 = arith.constant 0 : index
    %get3A_2468 = vector.load %arg6[%get3A_2466, %get3A_2467] : memref<1600x1xf32, #tpu.memory_space<vmem>>, vector<32x1xf32>
    %add3A_2469 = arith.addf %broadcast_in_dim3A_2465, %get3A_2468 : vector<32x1xf32>
    %swap3A_2470 = arith.constant 1568 : index
    %swap3A_2471 = arith.constant 0 : index
    %swap3A_2472 = vector.load %arg13[%swap3A_2470, %swap3A_2471] : memref<1600x1xf32, #tpu.memory_space<vmem>>, vector<32x1xf32>
    tpu.vector_store %arg13[%swap3A_2470, %swap3A_2471], %add3A_2469 {strides = array<i32>} : memref<1600x1xf32, #tpu.memory_space<vmem>>, vector<32x1xf32>,
    %swap3A_2473 = arith.constant 0 : index
    %swap3A_2474 = arith.constant 0 : index
    %swap3A_2475 = vector.load %arg15[%swap3A_2473, %swap3A_2474] : memref<64x128xf32, #tpu.memory_space<vmem>>, vector<32x128xf32>
    tpu.vector_store %arg15[%swap3A_2473, %swap3A_2474], %add3A_2412 {strides = array<i32>} : memref<64x128xf32, #tpu.memory_space<vmem>>, vector<32x128xf32>,
    %swap3A_2476 = arith.constant 32 : index
    %swap3A_2477 = arith.constant 0 : index
    %swap3A_2478 = vector.load %arg15[%swap3A_2476, %swap3A_2477] : memref<64x128xf32, #tpu.memory_space<vmem>>, vector<32x128xf32>
    tpu.vector_store %arg15[%swap3A_2476, %swap3A_2477], %add3A_2444 {strides = array<i32>} : memref<64x128xf32, #tpu.memory_space<vmem>>, vector<32x128xf32>,
    return
  }
  func.func @transform_0(%arg0: i32) -> (i32, i32) {
    %c0_i32 = arith.constant 0 : i32
    %c0_i32_0 = arith.constant 0 : i32
    return %arg0, %c0_i32 : i32, i32
  }
  func.func @transform_1(%arg0: i32) -> (i32, i32) {
    %c0_i32 = arith.constant 0 : i32
    %c0_i32_0 = arith.constant 0 : i32
    return %arg0, %c0_i32 : i32, i32
  }
  func.func @transform_2(%arg0: i32) -> (i32, i32) {
    %c0_i32 = arith.constant 0 : i32
    %c0_i32_0 = arith.constant 0 : i32
    return %arg0, %c0_i32 : i32, i32
  }
  func.func @transform_3(%arg0: i32) -> (i32, i32) {
    %c0_i32 = arith.constant 0 : i32
    %c0_i32_0 = arith.constant 0 : i32
    return %arg0, %c0_i32 : i32, i32
  }
  func.func @transform_4(%arg0: i32) -> (i32, i32) {
    %c0_i32 = arith.constant 0 : i32
    %c0_i32_0 = arith.constant 0 : i32
    return %arg0, %c0_i32 : i32, i32
  }
  func.func @transform_5(%arg0: i32) -> (i32, i32) {
    %c0_i32 = arith.constant 0 : i32
    %c0_i32_0 = arith.constant 0 : i32
    return %arg0, %c0_i32 : i32, i32
  }
  func.func @transform_6(%arg0: i32) -> (i32, i32) {
    %c0_i32 = arith.constant 0 : i32
    %c0_i32_0 = arith.constant 0 : i32
    %c0_i32_1 = arith.constant 0 : i32
    return %c0_i32, %c0_i32_0 : i32, i32
  }
  func.func @transform_7(%arg0: i32) -> (i32, i32) {
    %c0_i32 = arith.constant 0 : i32
    %c0_i32_0 = arith.constant 0 : i32
    %c0_i32_1 = arith.constant 0 : i32
    return %c0_i32, %c0_i32_0 : i32, i32
  }
  func.func @transform_8(%arg0: i32) -> (i32, i32) {
    %c0_i32 = arith.constant 0 : i32
    %c0_i32_0 = arith.constant 0 : i32
    %c0_i32_1 = arith.constant 0 : i32
    return %c0_i32, %c0_i32_0 : i32, i32
  }
  func.func @transform_9(%arg0: i32) -> (i32, i32) {
    %c0_i32 = arith.constant 0 : i32
    %c0_i32_0 = arith.constant 0 : i32
    %c0_i32_1 = arith.constant 0 : i32
    return %c0_i32, %c0_i32_0 : i32, i32
  }
  func.func @transform_10(%arg0: i32) -> (i32, i32) {
    %c0_i32 = arith.constant 0 : i32
    %c0_i32_0 = arith.constant 0 : i32
    %c0_i32_1 = arith.constant 0 : i32
    return %c0_i32, %c0_i32_0 : i32, i32
  }
  func.func @transform_11(%arg0: i32) -> (i32, i32) {
    %c0_i32 = arith.constant 0 : i32
    %c0_i32_0 = arith.constant 0 : i32
    %c0_i32_1 = arith.constant 0 : i32
    return %c0_i32, %c0_i32_0 : i32, i32
  }
  func.func @transform_12(%arg0: i32) -> (i32, i32) {
    %c0_i32 = arith.constant 0 : i32
    %c0_i32_0 = arith.constant 0 : i32
    return %arg0, %c0_i32 : i32, i32
  }
  func.func @transform_13(%arg0: i32) -> (i32, i32) {
    %c0_i32 = arith.constant 0 : i32
    %c0_i32_0 = arith.constant 0 : i32
    %c0_i32_1 = arith.constant 0 : i32
    return %c0_i32, %c0_i32_0 : i32, i32
  }
}

module attributes {stable_mosaic.version = 14 : i64} {
  func.func @_student_body(%arg0: i32, %arg1: memref<16x200x1xf32, #tpu.memory_space<vmem>>, %arg2: memref<16x1x200xf32, #tpu.memory_space<vmem>>, %arg3: memref<16x200x1xi32, #tpu.memory_space<vmem>>, %arg4: memref<16x1x200xi32, #tpu.memory_space<vmem>>, %arg5: memref<16x200x1xi32, #tpu.memory_space<vmem>>, %arg6: memref<16x1x200xi32, #tpu.memory_space<vmem>>, %arg7: memref<16x200x1xf32, #tpu.memory_space<vmem>>, %arg8: memref<1x1xf32, #tpu.memory_space<vmem>>, %arg9: memref<16x200x1xf32, #tpu.memory_space<vmem>>, %arg10: memref<1x1xf32, #tpu.memory_space<vmem>>, %arg11: memref<1x1xi32, #tpu.memory_space<vmem>>) attributes {dimension_semantics = [#tpu.dimension_semantics<arbitrary>], iteration_bounds = array<i64: 4>, scalar_prefetch = 0 : i64, scratch_operands = 0 : i64, tpu.core_type = #tpu.core_type<tc>, window_params = [{transform_indices = @transform_0, window_bounds = array<i64: 16, 200, 1>}, {transform_indices = @transform_1, window_bounds = array<i64: 16, 1, 200>}, {transform_indices = @transform_2, window_bounds = array<i64: 16, 200, 1>}, {transform_indices = @transform_3, window_bounds = array<i64: 16, 1, 200>}, {transform_indices = @transform_4, window_bounds = array<i64: 16, 200, 1>}, {transform_indices = @transform_5, window_bounds = array<i64: 16, 1, 200>}, {transform_indices = @transform_6, window_bounds = array<i64: 16, 200, 1>}, {pipeline_mode = #tpu.pipeline_mode<synchronous>, transform_indices = @transform_7, window_bounds = array<i64: 1, 1>}, {transform_indices = @transform_8, window_bounds = array<i64: 16, 200, 1>}, {pipeline_mode = #tpu.pipeline_mode<synchronous>, transform_indices = @transform_9, window_bounds = array<i64: 1, 1>}, {pipeline_mode = #tpu.pipeline_mode<synchronous>, transform_indices = @transform_10, window_bounds = array<i64: 1, 1>}]} {
    %get3A = arith.constant 0 : index
    %get3A_0 = arith.constant 0 : index
    %get3A_1 = arith.constant 0 : index
    %get3A_2 = vector.load %arg1[%get3A, %get3A_0, %get3A_1] : memref<16x200x1xf32, #tpu.memory_space<vmem>>, vector<16x200x1xf32>
    %get3A_3 = arith.constant 0 : index
    %get3A_4 = arith.constant 0 : index
    %get3A_5 = arith.constant 0 : index
    %get3A_6 = vector.load %arg2[%get3A_3, %get3A_4, %get3A_5] : memref<16x1x200xf32, #tpu.memory_space<vmem>>, vector<16x1x200xf32>
    %get3A_7 = arith.constant 0 : index
    %get3A_8 = arith.constant 0 : index
    %get3A_9 = arith.constant 0 : index
    %get3A_10 = vector.load %arg3[%get3A_7, %get3A_8, %get3A_9] : memref<16x200x1xi32, #tpu.memory_space<vmem>>, vector<16x200x1xi32>
    %get3A_11 = arith.constant 0 : index
    %get3A_12 = arith.constant 0 : index
    %get3A_13 = arith.constant 0 : index
    %get3A_14 = vector.load %arg4[%get3A_11, %get3A_12, %get3A_13] : memref<16x1x200xi32, #tpu.memory_space<vmem>>, vector<16x1x200xi32>
    %get3A_15 = arith.constant 0 : index
    %get3A_16 = arith.constant 0 : index
    %get3A_17 = arith.constant 0 : index
    %get3A_18 = vector.load %arg5[%get3A_15, %get3A_16, %get3A_17] : memref<16x200x1xi32, #tpu.memory_space<vmem>>, vector<16x200x1xi32>
    %get3A_19 = arith.constant 0 : index
    %get3A_20 = arith.constant 0 : index
    %get3A_21 = arith.constant 0 : index
    %get3A_22 = vector.load %arg6[%get3A_19, %get3A_20, %get3A_21] : memref<16x1x200xi32, #tpu.memory_space<vmem>>, vector<16x1x200xi32>
    %ge3A = arith.constant 4.000000e-01 : f32
    %ge3A_23 = vector.broadcast %ge3A : f32 to vector<16x200x1xf32>
    %ge3A_24 = arith.cmpf oge, %get3A_2, %ge3A_23 : vector<16x200x1xf32>
    %jit3A = arith.constant 1.000000e+00 : f32
    %broadcast_in_dim3A = vector.broadcast %jit3A : f32 to vector<16x200x1xf32>
    %select_n3A = arith.select %ge3A_24, %broadcast_in_dim3A, %get3A_2 : vector<16x200x1xi1>, vector<16x200x1xf32>
    %ge3A_25 = arith.constant 4.000000e-01 : f32
    %ge3A_26 = vector.broadcast %ge3A_25 : f32 to vector<16x1x200xf32>
    %ge3A_27 = arith.cmpf oge, %get3A_6, %ge3A_26 : vector<16x1x200xf32>
    %jit3A_28 = arith.constant 1.000000e+00 : f32
    %broadcast_in_dim3A_29 = vector.broadcast %jit3A_28 : f32 to vector<16x1x200xf32>
    %select_n3A_30 = arith.select %ge3A_27, %broadcast_in_dim3A_29, %get3A_6 : vector<16x1x200xi1>, vector<16x1x200xf32>
    %eq3A = arith.constant 1.000000e+00 : f32
    %eq3A_31 = vector.broadcast %eq3A : f32 to vector<16x200x1xf32>
    %eq3A_32 = arith.cmpf oeq, %select_n3A, %eq3A_31 : vector<16x200x1xf32>
    %eq3A_33 = arith.constant 0.000000e+00 : f32
    %eq3A_34 = vector.broadcast %eq3A_33 : f32 to vector<16x200x1xf32>
    %eq3A_35 = arith.cmpf oeq, %select_n3A, %eq3A_34 : vector<16x200x1xf32>
    %eq3A_36 = arith.constant 1.000000e+00 : f32
    %eq3A_37 = vector.broadcast %eq3A_36 : f32 to vector<16x1x200xf32>
    %eq3A_38 = arith.cmpf oeq, %select_n3A_30, %eq3A_37 : vector<16x1x200xf32>
    %eq3A_39 = arith.constant 1 : i32
    %eq3A_40 = vector.broadcast %eq3A_39 : i32 to vector<16x200x1xi32>
    %eq3A_41 = arith.cmpi eq, %get3A_18, %eq3A_40 : vector<16x200x1xi32>
    %eq3A_42 = arith.constant 1 : i32
    %eq3A_43 = vector.broadcast %eq3A_42 : i32 to vector<16x1x200xi32>
    %eq3A_44 = arith.cmpi eq, %get3A_22, %eq3A_43 : vector<16x1x200xi32>
    %eq3A_45 = vector.broadcast %get3A_10 : vector<16x200x1xi32> to vector<16x200x200xi32>
    %eq3A_46 = vector.broadcast %get3A_14 : vector<16x1x200xi32> to vector<16x200x200xi32>
    %eq3A_47 = arith.cmpi eq, %eq3A_45, %eq3A_46 : vector<16x200x200xi32>
    %iota3A = tpu.iota {dimensions = array<i32: 2>} : vector<16x200x200xi32>
    %iota3A_48 = tpu.iota {dimensions = array<i32: 1>} : vector<16x200x200xi32>
    %lt3A = arith.cmpi slt, %iota3A, %iota3A_48 : vector<16x200x200xi32>
    %and3A = arith.andi %eq3A_47, %lt3A : vector<16x200x200xi1>
    %le3A = arith.cmpi sle, %iota3A, %iota3A_48 : vector<16x200x200xi32>
    %and3A_49 = arith.andi %eq3A_47, %le3A : vector<16x200x200xi1>
    %and3A_50 = arith.andi %eq3A_41, %eq3A_32 : vector<16x200x1xi1>
    %jit3A_51 = arith.constant 1.000000e+00 : f32
    %jit3A_52 = arith.constant 0.000000e+00 : f32
    %broadcast_in_dim3A_53 = vector.broadcast %jit3A_51 : f32 to vector<16x200x1xf32>
    %broadcast_in_dim3A_54 = vector.broadcast %jit3A_52 : f32 to vector<16x200x1xf32>
    %select_n3A_55 = arith.select %and3A_50, %broadcast_in_dim3A_53, %broadcast_in_dim3A_54 : vector<16x200x1xi1>, vector<16x200x1xf32>
    %not3A = arith.constant dense<true> : vector<16x200x1xi1>
    %not3A_56 = arith.xori %eq3A_41, %not3A : vector<16x200x1xi1>
    %and3A_57 = arith.andi %not3A_56, %eq3A_32 : vector<16x200x1xi1>
    %jit3A_58 = arith.constant 3.906250e-03 : f32
    %jit3A_59 = arith.constant 0.000000e+00 : f32
    %broadcast_in_dim3A_60 = vector.broadcast %jit3A_58 : f32 to vector<16x200x1xf32>
    %broadcast_in_dim3A_61 = vector.broadcast %jit3A_59 : f32 to vector<16x200x1xf32>
    %select_n3A_62 = arith.select %and3A_57, %broadcast_in_dim3A_60, %broadcast_in_dim3A_61 : vector<16x200x1xi1>, vector<16x200x1xf32>
    %not3A_63 = arith.constant dense<true> : vector<16x200x1xi1>
    %not3A_64 = arith.xori %eq3A_41, %not3A_63 : vector<16x200x1xi1>
    %and3A_65 = arith.andi %not3A_64, %eq3A_35 : vector<16x200x1xi1>
    %jit3A_66 = arith.constant 1.52587891E-5 : f32
    %jit3A_67 = arith.constant 0.000000e+00 : f32
    %broadcast_in_dim3A_68 = vector.broadcast %jit3A_66 : f32 to vector<16x200x1xf32>
    %broadcast_in_dim3A_69 = vector.broadcast %jit3A_67 : f32 to vector<16x200x1xf32>
    %select_n3A_70 = arith.select %and3A_65, %broadcast_in_dim3A_68, %broadcast_in_dim3A_69 : vector<16x200x1xi1>, vector<16x200x1xf32>
    %add3A = arith.addf %select_n3A_55, %select_n3A_62 : vector<16x200x1xf32>
    %add3A_71 = arith.addf %add3A, %select_n3A_70 : vector<16x200x1xf32>
    %reshape3A = vector.shape_cast %add3A_71 : vector<16x200x1xf32> to vector<16x1x200xf32>
    %jit3A_72 = arith.constant 0.000000e+00 : f32
    %broadcast_in_dim3A_73 = vector.shape_cast %reshape3A : vector<16x1x200xf32> to vector<16x1x200xf32>
    %broadcast_in_dim3A_74 = vector.broadcast %broadcast_in_dim3A_73 : vector<16x1x200xf32> to vector<16x200x200xf32>
    %broadcast_in_dim3A_75 = vector.broadcast %jit3A_72 : f32 to vector<16x200x200xf32>
    %select_n3A_76 = arith.select %and3A, %broadcast_in_dim3A_74, %broadcast_in_dim3A_75 : vector<16x200x200xi1>, vector<16x200x200xf32>
    %reduce_sum3A = arith.constant dense<0.000000e+00> : vector<16x200xf32>
    %reduce_sum3A_77 = vector.multi_reduction <add>, %select_n3A_76, %reduce_sum3A [2] : vector<16x200x200xf32> to vector<16x200xf32>
    %broadcast_in_dim3A_78 = vector.shape_cast %reduce_sum3A_77 : vector<16x200xf32> to vector<16x200x1xf32>
    %jit3A_79 = arith.constant 1.000000e+00 : f32
    %jit3A_80 = arith.constant 0.000000e+00 : f32
    %broadcast_in_dim3A_81 = vector.broadcast %jit3A_79 : f32 to vector<16x200x200xf32>
    %broadcast_in_dim3A_82 = vector.broadcast %jit3A_80 : f32 to vector<16x200x200xf32>
    %select_n3A_83 = arith.select %and3A, %broadcast_in_dim3A_81, %broadcast_in_dim3A_82 : vector<16x200x200xi1>, vector<16x200x200xf32>
    %reduce_sum3A_84 = arith.constant dense<0.000000e+00> : vector<16x200xf32>
    %reduce_sum3A_85 = vector.multi_reduction <add>, %select_n3A_83, %reduce_sum3A_84 [2] : vector<16x200x200xf32> to vector<16x200xf32>
    %broadcast_in_dim3A_86 = vector.shape_cast %reduce_sum3A_85 : vector<16x200xf32> to vector<16x200x1xf32>
    %add3A_87 = arith.constant 1.000000e+00 : f32
    %add3A_88 = vector.broadcast %add3A_87 : f32 to vector<16x200x1xf32>
    %add3A_89 = arith.addf %broadcast_in_dim3A_86, %add3A_88 : vector<16x200x1xf32>
    %floor3A = math.floor %broadcast_in_dim3A_78 : vector<16x200x1xf32>
    %sub3A = arith.subf %broadcast_in_dim3A_78, %floor3A : vector<16x200x1xf32>
    %mul3A = arith.constant 2.560000e+02 : f32
    %mul3A_90 = vector.broadcast %mul3A : f32 to vector<16x200x1xf32>
    %mul3A_91 = arith.mulf %sub3A, %mul3A_90 : vector<16x200x1xf32>
    %floor3A_92 = math.floor %mul3A_91 : vector<16x200x1xf32>
    %sub3A_93 = arith.subf %mul3A_91, %floor3A_92 : vector<16x200x1xf32>
    %mul3A_94 = arith.constant 2.560000e+02 : f32
    %mul3A_95 = vector.broadcast %mul3A_94 : f32 to vector<16x200x1xf32>
    %mul3A_96 = arith.mulf %sub3A_93, %mul3A_95 : vector<16x200x1xf32>
    %and3A_97 = arith.andi %eq3A_32, %eq3A_41 : vector<16x200x1xi1>
    %div3A = arith.divf %floor3A, %add3A_89 : vector<16x200x1xf32>
    %not3A_98 = arith.constant dense<true> : vector<16x200x1xi1>
    %not3A_99 = arith.xori %eq3A_32, %not3A_98 : vector<16x200x1xi1>
    %not3A_100 = arith.constant dense<true> : vector<16x200x1xi1>
    %not3A_101 = arith.xori %eq3A_41, %not3A_100 : vector<16x200x1xi1>
    %and3A_102 = arith.andi %not3A_99, %not3A_101 : vector<16x200x1xi1>
    %div3A_103 = arith.divf %mul3A_96, %add3A_89 : vector<16x200x1xf32>
    %sub3A_104 = arith.constant 1.000000e+00 : f32
    %sub3A_105 = vector.broadcast %sub3A_104 : f32 to vector<16x200x1xf32>
    %sub3A_106 = arith.subf %sub3A_105, %div3A_103 : vector<16x200x1xf32>
    %div3A_107 = arith.divf %mul3A_96, %add3A_89 : vector<16x200x1xf32>
    %select_n3A_108 = arith.select %and3A_102, %sub3A_106, %div3A_107 : vector<16x200x1xi1>, vector<16x200x1xf32>
    %select_n3A_109 = arith.select %and3A_97, %div3A, %select_n3A_108 : vector<16x200x1xi1>, vector<16x200x1xf32>
    %div3A_110 = arith.divf %floor3A_92, %add3A_89 : vector<16x200x1xf32>
    %iota3A_111 = tpu.iota {dimensions = array<i32: 2>} : vector<16x1x200xi32>
    %convert_element_type3A = arith.sitofp %iota3A_111 : vector<16x1x200xi32> to vector<16x1x200xf32>
    %mul3A_112 = arith.constant 2.000000e+00 : f32
    %mul3A_113 = vector.broadcast %mul3A_112 : f32 to vector<16x1x200xf32>
    %mul3A_114 = arith.mulf %convert_element_type3A, %mul3A_113 : vector<16x1x200xf32>
    %reshape3A_115 = vector.shape_cast %select_n3A_109 : vector<16x200x1xf32> to vector<16x1x200xf32>
    %add3A_116 = arith.addf %mul3A_114, %reshape3A_115 : vector<16x1x200xf32>
    %reshape3A_117 = vector.shape_cast %div3A_110 : vector<16x200x1xf32> to vector<16x1x200xf32>
    %add3A_118 = arith.addf %mul3A_114, %reshape3A_117 : vector<16x1x200xf32>
    %and3A_119 = arith.andi %eq3A_38, %eq3A_44 : vector<16x1x200xi1>
    %not3A_120 = arith.constant dense<true> : vector<16x1x200xi1>
    %not3A_121 = arith.xori %eq3A_38, %not3A_120 : vector<16x1x200xi1>
    %or3A = arith.ori %and3A_119, %not3A_121 : vector<16x1x200xi1>
    %not3A_122 = arith.constant dense<true> : vector<16x1x200xi1>
    %not3A_123 = arith.xori %eq3A_44, %not3A_122 : vector<16x1x200xi1>
    %and3A_124 = arith.andi %eq3A_38, %not3A_123 : vector<16x1x200xi1>
    %and3A_125 = vector.broadcast %or3A : vector<16x1x200xi1> to vector<16x200x200xi1>
    %and3A_126 = arith.andi %and3A_49, %and3A_125 : vector<16x200x200xi1>
    %jit3A_127 = arith.constant -1.000000e+00 : f32
    %broadcast_in_dim3A_128 = vector.shape_cast %add3A_116 : vector<16x1x200xf32> to vector<16x1x200xf32>
    %broadcast_in_dim3A_129 = vector.broadcast %broadcast_in_dim3A_128 : vector<16x1x200xf32> to vector<16x200x200xf32>
    %broadcast_in_dim3A_130 = vector.broadcast %jit3A_127 : f32 to vector<16x200x200xf32>
    %select_n3A_131 = arith.select %and3A_126, %broadcast_in_dim3A_129, %broadcast_in_dim3A_130 : vector<16x200x200xi1>, vector<16x200x200xf32>
    %reduce_max3A = arith.constant dense<0xFF800000> : vector<16x200xf32>
    %reduce_max3A_132 = vector.multi_reduction <maximumf>, %select_n3A_131, %reduce_max3A [2] : vector<16x200x200xf32> to vector<16x200xf32>
    %broadcast_in_dim3A_133 = vector.shape_cast %reduce_max3A_132 : vector<16x200xf32> to vector<16x200x1xf32>
    %and3A_134 = vector.broadcast %and3A_124 : vector<16x1x200xi1> to vector<16x200x200xi1>
    %and3A_135 = arith.andi %and3A_49, %and3A_134 : vector<16x200x200xi1>
    %jit3A_136 = arith.constant -1.000000e+00 : f32
    %broadcast_in_dim3A_137 = vector.shape_cast %add3A_118 : vector<16x1x200xf32> to vector<16x1x200xf32>
    %broadcast_in_dim3A_138 = vector.broadcast %broadcast_in_dim3A_137 : vector<16x1x200xf32> to vector<16x200x200xf32>
    %broadcast_in_dim3A_139 = vector.broadcast %jit3A_136 : f32 to vector<16x200x200xf32>
    %select_n3A_140 = arith.select %and3A_135, %broadcast_in_dim3A_138, %broadcast_in_dim3A_139 : vector<16x200x200xi1>, vector<16x200x200xf32>
    %reduce_max3A_141 = arith.constant dense<0xFF800000> : vector<16x200xf32>
    %reduce_max3A_142 = vector.multi_reduction <maximumf>, %select_n3A_140, %reduce_max3A_141 [2] : vector<16x200x200xf32> to vector<16x200xf32>
    %broadcast_in_dim3A_143 = vector.shape_cast %reduce_max3A_142 : vector<16x200xf32> to vector<16x200x1xf32>
    %lt3A_144 = arith.constant 0.000000e+00 : f32
    %lt3A_145 = vector.broadcast %lt3A_144 : f32 to vector<16x200x1xf32>
    %lt3A_146 = arith.cmpf olt, %broadcast_in_dim3A_133, %lt3A_145 : vector<16x200x1xf32>
    %mul3A_147 = arith.constant 5.000000e-01 : f32
    %mul3A_148 = vector.broadcast %mul3A_147 : f32 to vector<16x200x1xf32>
    %mul3A_149 = arith.mulf %broadcast_in_dim3A_133, %mul3A_148 : vector<16x200x1xf32>
    %floor3A_150 = math.floor %mul3A_149 : vector<16x200x1xf32>
    %mul3A_151 = arith.constant 2.000000e+00 : f32
    %mul3A_152 = vector.broadcast %mul3A_151 : f32 to vector<16x200x1xf32>
    %mul3A_153 = arith.mulf %mul3A_152, %floor3A_150 : vector<16x200x1xf32>
    %sub3A_154 = arith.subf %broadcast_in_dim3A_133, %mul3A_153 : vector<16x200x1xf32>
    %jit3A_155 = arith.constant 0.000000e+00 : f32
    %broadcast_in_dim3A_156 = vector.broadcast %jit3A_155 : f32 to vector<16x200x1xf32>
    %select_n3A_157 = arith.select %lt3A_146, %broadcast_in_dim3A_156, %sub3A_154 : vector<16x200x1xi1>, vector<16x200x1xf32>
    %lt3A_158 = arith.constant 0.000000e+00 : f32
    %lt3A_159 = vector.broadcast %lt3A_158 : f32 to vector<16x200x1xf32>
    %lt3A_160 = arith.cmpf olt, %broadcast_in_dim3A_143, %lt3A_159 : vector<16x200x1xf32>
    %mul3A_161 = arith.constant 5.000000e-01 : f32
    %mul3A_162 = vector.broadcast %mul3A_161 : f32 to vector<16x200x1xf32>
    %mul3A_163 = arith.mulf %broadcast_in_dim3A_143, %mul3A_162 : vector<16x200x1xf32>
    %floor3A_164 = math.floor %mul3A_163 : vector<16x200x1xf32>
    %mul3A_165 = arith.constant 2.000000e+00 : f32
    %mul3A_166 = vector.broadcast %mul3A_165 : f32 to vector<16x200x1xf32>
    %mul3A_167 = arith.mulf %mul3A_166, %floor3A_164 : vector<16x200x1xf32>
    %sub3A_168 = arith.subf %broadcast_in_dim3A_143, %mul3A_167 : vector<16x200x1xf32>
    %jit3A_169 = arith.constant 0.000000e+00 : f32
    %broadcast_in_dim3A_170 = vector.broadcast %jit3A_169 : f32 to vector<16x200x1xf32>
    %select_n3A_171 = arith.select %lt3A_160, %broadcast_in_dim3A_170, %sub3A_168 : vector<16x200x1xi1>, vector<16x200x1xf32>
    %sub3A_172 = arith.constant 1.000000e+00 : f32
    %sub3A_173 = vector.broadcast %sub3A_172 : f32 to vector<16x200x1xf32>
    %sub3A_174 = arith.subf %sub3A_173, %select_n3A_171 : vector<16x200x1xf32>
    %mul3A_175 = arith.mulf %select_n3A, %select_n3A_157 : vector<16x200x1xf32>
    %sub3A_176 = arith.constant 1.000000e+00 : f32
    %sub3A_177 = vector.broadcast %sub3A_176 : f32 to vector<16x200x1xf32>
    %sub3A_178 = arith.subf %sub3A_177, %select_n3A_171 : vector<16x200x1xf32>
    %sub3A_179 = arith.constant 1.000000e+00 : f32
    %sub3A_180 = vector.broadcast %sub3A_179 : f32 to vector<16x200x1xf32>
    %sub3A_181 = arith.subf %sub3A_180, %select_n3A : vector<16x200x1xf32>
    %mul3A_182 = arith.mulf %sub3A_178, %sub3A_181 : vector<16x200x1xf32>
    %add3A_183 = arith.addf %mul3A_175, %mul3A_182 : vector<16x200x1xf32>
    %mul3A_184 = arith.mulf %sub3A_174, %add3A_183 : vector<16x200x1xf32>
    %logistic3A = arith.negf %mul3A_184 : vector<16x200x1xf32>
    %logistic3A_185 = math.exp %logistic3A : vector<16x200x1xf32>
    %logistic3A_186 = arith.constant 1.000000e+00 : f32
    %logistic3A_187 = vector.broadcast %logistic3A_186 : f32 to vector<16x200x1xf32>
    %logistic3A_188 = arith.addf %logistic3A_187, %logistic3A_185 : vector<16x200x1xf32>
    %logistic3A_189 = arith.divf %logistic3A_187, %logistic3A_188 : vector<16x200x1xf32>
    %swap3A = arith.constant 0 : index
    %swap3A_190 = arith.constant 0 : index
    %swap3A_191 = arith.constant 0 : index
    %swap3A_192 = vector.load %arg9[%swap3A, %swap3A_190, %swap3A_191] : memref<16x200x1xf32, #tpu.memory_space<vmem>>, vector<16x200x1xf32>
    tpu.vector_store %arg9[%swap3A, %swap3A_190, %swap3A_191], %logistic3A_189 {strides = array<i32>} : memref<16x200x1xf32, #tpu.memory_space<vmem>>, vector<16x200x1xf32>,
    %get3A_193 = arith.constant 0 : index
    %get3A_194 = arith.constant 0 : index
    %get3A_195 = arith.constant 0 : index
    %get3A_196 = vector.load %arg7[%get3A_193, %get3A_194, %get3A_195] : memref<16x200x1xf32, #tpu.memory_space<vmem>>, vector<16x200x1xf32>
    %gt3A = arith.constant -0.899999976 : f32
    %gt3A_197 = vector.broadcast %gt3A : f32 to vector<16x200x1xf32>
    %gt3A_198 = arith.cmpf ogt, %get3A_196, %gt3A_197 : vector<16x200x1xf32>
    %sub3A_199 = arith.subf %mul3A_184, %get3A_196 : vector<16x200x1xf32>
    %sub3A_200 = arith.subf %mul3A_184, %get3A_196 : vector<16x200x1xf32>
    %mul3A_201 = arith.mulf %sub3A_199, %sub3A_200 : vector<16x200x1xf32>
    %eq3A_202 = arith.constant 0 : i32
    %eq3A_203 = arith.cmpi eq, %arg0, %eq3A_202 : i32
    %convert_element_type3A_204 = arith.extui %eq3A_203 : i1 to i32
    %cond3A = arith.constant 0 : i32
    %cond3A_205 = arith.cmpi ne, %convert_element_type3A_204, %cond3A : i32
    scf.if %cond3A_205 {
      %get3A_236 = arith.constant 0 : index
      %get3A_237 = arith.constant 0 : index
      %get3A_238 = vector.load %arg8[%get3A_236, %get3A_237] : memref<1x1xf32, #tpu.memory_space<vmem>>, vector<1x1xf32>
      %mul3A_239 = arith.constant 9.99999974E-6 : f32
      %mul3A_240 = vector.broadcast %mul3A_239 : f32 to vector<1x1xf32>
      %mul3A_241 = arith.mulf %mul3A_240, %get3A_238 : vector<1x1xf32>
      %swap3A_242 = arith.constant 0 : index
      %swap3A_243 = arith.constant 0 : index
      %swap3A_244 = vector.load %arg10[%swap3A_242, %swap3A_243] : memref<1x1xf32, #tpu.memory_space<vmem>>, vector<1x1xf32>
      tpu.vector_store %arg10[%swap3A_242, %swap3A_243], %mul3A_241 {strides = array<i32>} : memref<1x1xf32, #tpu.memory_space<vmem>>, vector<1x1xf32>,
      %broadcast_in_dim3A_245 = arith.constant 0 : i32
      %broadcast_in_dim3A_246 = vector.broadcast %broadcast_in_dim3A_245 : i32 to vector<1x1xi32>
      %swap3A_247 = arith.constant 0 : index
      %swap3A_248 = arith.constant 0 : index
      %swap3A_249 = vector.load %arg11[%swap3A_247, %swap3A_248] : memref<1x1xi32, #tpu.memory_space<vmem>>, vector<1x1xi32>
      tpu.vector_store %arg11[%swap3A_247, %swap3A_248], %broadcast_in_dim3A_246 {strides = array<i32>} : memref<1x1xi32, #tpu.memory_space<vmem>>, vector<1x1xi32>,
    } else {
    }
    %get3A_206 = arith.constant 0 : index
    %get3A_207 = arith.constant 0 : index
    %get3A_208 = vector.load %arg10[%get3A_206, %get3A_207] : memref<1x1xf32, #tpu.memory_space<vmem>>, vector<1x1xf32>
    %jit3A_209 = arith.constant 0.000000e+00 : f32
    %broadcast_in_dim3A_210 = vector.broadcast %jit3A_209 : f32 to vector<16x200x1xf32>
    %select_n3A_211 = arith.select %gt3A_198, %mul3A_201, %broadcast_in_dim3A_210 : vector<16x200x1xi1>, vector<16x200x1xf32>
    %reduce_sum3A_212 = vector.shape_cast %select_n3A_211 : vector<16x200x1xf32> to vector<1x16x200x1xf32>
    %reduce_sum3A_213 = arith.constant dense<0.000000e+00> : vector<1xf32>
    %reduce_sum3A_214 = vector.multi_reduction <add>, %reduce_sum3A_212, %reduce_sum3A_213 [1, 2, 3] : vector<1x16x200x1xf32> to vector<1xf32>
    %reduce_sum3A_215 = vector.shape_cast %reduce_sum3A_214 : vector<1xf32> to vector<1x1x1x1xf32>
    %reduce_sum3A_216 = vector.extract %reduce_sum3A_215[0, 0, 0, 0] : f32 from vector<1x1x1x1xf32>
    %reshape3A_217 = vector.broadcast %reduce_sum3A_216 : f32 to vector<1x1xf32>
    %add3A_218 = arith.addf %get3A_208, %reshape3A_217 : vector<1x1xf32>
    %swap3A_219 = arith.constant 0 : index
    %swap3A_220 = arith.constant 0 : index
    %swap3A_221 = vector.load %arg10[%swap3A_219, %swap3A_220] : memref<1x1xf32, #tpu.memory_space<vmem>>, vector<1x1xf32>
    tpu.vector_store %arg10[%swap3A_219, %swap3A_220], %add3A_218 {strides = array<i32>} : memref<1x1xf32, #tpu.memory_space<vmem>>, vector<1x1xf32>,
    %get3A_222 = arith.constant 0 : index
    %get3A_223 = arith.constant 0 : index
    %get3A_224 = vector.load %arg11[%get3A_222, %get3A_223] : memref<1x1xi32, #tpu.memory_space<vmem>>, vector<1x1xi32>
    %convert_element_type3A_225 = arith.extui %gt3A_198 : vector<16x200x1xi1> to vector<16x200x1xi32>
    %reduce_sum3A_226 = vector.shape_cast %convert_element_type3A_225 : vector<16x200x1xi32> to vector<1x16x200x1xi32>
    %reduce_sum3A_227 = arith.constant dense<0> : vector<1xi32>
    %reduce_sum3A_228 = vector.multi_reduction <add>, %reduce_sum3A_226, %reduce_sum3A_227 [1, 2, 3] : vector<1x16x200x1xi32> to vector<1xi32>
    %reduce_sum3A_229 = vector.shape_cast %reduce_sum3A_228 : vector<1xi32> to vector<1x1x1x1xi32>
    %reduce_sum3A_230 = vector.extract %reduce_sum3A_229[0, 0, 0, 0] : i32 from vector<1x1x1x1xi32>
    %reshape3A_231 = vector.broadcast %reduce_sum3A_230 : i32 to vector<1x1xi32>
    %add3A_232 = arith.addi %get3A_224, %reshape3A_231 : vector<1x1xi32>
    %swap3A_233 = arith.constant 0 : index
    %swap3A_234 = arith.constant 0 : index
    %swap3A_235 = vector.load %arg11[%swap3A_233, %swap3A_234] : memref<1x1xi32, #tpu.memory_space<vmem>>, vector<1x1xi32>
    tpu.vector_store %arg11[%swap3A_233, %swap3A_234], %add3A_232 {strides = array<i32>} : memref<1x1xi32, #tpu.memory_space<vmem>>, vector<1x1xi32>,
    return
  }
  func.func @transform_0(%arg0: i32) -> (i32, i32, i32) {
    %c0_i32 = arith.constant 0 : i32
    %c0_i32_0 = arith.constant 0 : i32
    %c0_i32_1 = arith.constant 0 : i32
    return %arg0, %c0_i32, %c0_i32_0 : i32, i32, i32
  }
  func.func @transform_1(%arg0: i32) -> (i32, i32, i32) {
    %c0_i32 = arith.constant 0 : i32
    %c0_i32_0 = arith.constant 0 : i32
    %c0_i32_1 = arith.constant 0 : i32
    return %arg0, %c0_i32, %c0_i32_0 : i32, i32, i32
  }
  func.func @transform_2(%arg0: i32) -> (i32, i32, i32) {
    %c0_i32 = arith.constant 0 : i32
    %c0_i32_0 = arith.constant 0 : i32
    %c0_i32_1 = arith.constant 0 : i32
    return %arg0, %c0_i32, %c0_i32_0 : i32, i32, i32
  }
  func.func @transform_3(%arg0: i32) -> (i32, i32, i32) {
    %c0_i32 = arith.constant 0 : i32
    %c0_i32_0 = arith.constant 0 : i32
    %c0_i32_1 = arith.constant 0 : i32
    return %arg0, %c0_i32, %c0_i32_0 : i32, i32, i32
  }
  func.func @transform_4(%arg0: i32) -> (i32, i32, i32) {
    %c0_i32 = arith.constant 0 : i32
    %c0_i32_0 = arith.constant 0 : i32
    %c0_i32_1 = arith.constant 0 : i32
    return %arg0, %c0_i32, %c0_i32_0 : i32, i32, i32
  }
  func.func @transform_5(%arg0: i32) -> (i32, i32, i32) {
    %c0_i32 = arith.constant 0 : i32
    %c0_i32_0 = arith.constant 0 : i32
    %c0_i32_1 = arith.constant 0 : i32
    return %arg0, %c0_i32, %c0_i32_0 : i32, i32, i32
  }
  func.func @transform_6(%arg0: i32) -> (i32, i32, i32) {
    %c0_i32 = arith.constant 0 : i32
    %c0_i32_0 = arith.constant 0 : i32
    %c0_i32_1 = arith.constant 0 : i32
    return %arg0, %c0_i32, %c0_i32_0 : i32, i32, i32
  }
  func.func @transform_7(%arg0: i32) -> (i32, i32) {
    %c0_i32 = arith.constant 0 : i32
    %c0_i32_0 = arith.constant 0 : i32
    %c0_i32_1 = arith.constant 0 : i32
    return %c0_i32, %c0_i32_0 : i32, i32
  }
  func.func @transform_8(%arg0: i32) -> (i32, i32, i32) {
    %c0_i32 = arith.constant 0 : i32
    %c0_i32_0 = arith.constant 0 : i32
    %c0_i32_1 = arith.constant 0 : i32
    return %arg0, %c0_i32, %c0_i32_0 : i32, i32, i32
  }
  func.func @transform_9(%arg0: i32) -> (i32, i32) {
    %c0_i32 = arith.constant 0 : i32
    %c0_i32_0 = arith.constant 0 : i32
    %c0_i32_1 = arith.constant 0 : i32
    return %c0_i32, %c0_i32_0 : i32, i32
  }
  func.func @transform_10(%arg0: i32) -> (i32, i32) {
    %c0_i32 = arith.constant 0 : i32
    %c0_i32_0 = arith.constant 0 : i32
    %c0_i32_1 = arith.constant 0 : i32
    return %c0_i32, %c0_i32_0 : i32, i32
  }
}

</mosaic_0001>

<sc_bundles>
// kernel: kernel.6.cloned.1.call-start
scs
__scs_entry_jumppad:
0x0: {  	(pc) =	sbr.rel $0x88, $3  }
0x1: {  	(tag) =	ssettag $0x0;
	lr =	simm.s32 $0x1  }
0x2: {  	[smem:$0x3F91] =	sst lr;
	_ =	strace $0xD0000000  }
0x3: {  	_ = 	snop  }
0x4: {  	_ = 	snop  }
0x5: {  	_ = 	snop  }
0x6: {  	_ = 	snop  }
0x7: {  	_ = 	snop  }
__scs_overlays_trampoline_lowered:
0x8: {  	[smem:$0x3FA0] =	sst s0  }
0x9: {  	[smem:$0x3FA1] =	sst s1  }
0xa: {  	[smem:$0x3FA2] =	sst s2  }
0xb: {  	[smem:$0x3FA3] =	sst s3  }
0xc: {  	[smem:$0x3FA4] =	sst s4  }
0xd: {  	[smem:$0x3FA5] =	sst s5  }
0xe: {  	[smem:$0x3FA6] =	sst s6  }
0xf: {  	[smem:$0x3FA7] =	sst s7  }
0x10: {  	[smem:$0x3FA8] =	sst s8  }
0x11: {  	[smem:$0x3FA9] =	sst s9;
	s0 =	simm.s32 @!p0 $0x0  }
0x12: {  	s1 =	sld [smem:$0x3F8F];
	s0 =	simm.s32 @p0 $0x1  }
0x13: {  	[smem:$0x3FAA] =	sst s0;
	s0 =	simm.s32 @!p1 $0x0  }
0x14: {  	s2 =	sld [smem:$0x3F8E];
	s0 =	simm.s32 @p1 $0x1  }
0x15: {  	[smem:$0x3FAB] =	sst s0;
	s0 =	simm.s32 @!p2 $0x0  }
0x16: {  	s3 =	sld [smem:$0x3FDB];
	s0 =	simm.s32 @p2 $0x1  }
0x17: {  	s4 =	simm.s32 $0x1BF5;
	[smem:$0x3FAD] =	sst s0  }
0x18: {  	s0 =	sld [smem:$0x3F90];
	_ =	swait.ge [sflag:s4], $0x0  }
0x19: {  	s7 =	sld [smem:$0x3F91]  }
0x1a: {  	s8 =	sadd.s32 $0xFFFFE003, lr  }
0x1b: {  	s9 =	sadd.s32 $0xFFFFFEF7, lr;
	s5 =	simm.s32 $0xFFFFFFFF;
	p2 =	slt.u32 s8, $0xFFFFF086  }
0x1c: {  	p1 =	slt.u32 s9, $0xF7A;
	s5 =	simm.s32 @!p2 $0x0  }
0x1d: {  	s5 =	simm.s32 @p1 $0x1;
	p0 =	seq.s32 s7, s2  }
0x1e: {  	s7 =	smul.u32 @!p0 $0xF7A, s2;
	p2 =	seq.s32 @!p0 s5, $0x0  }
0x1f: {  	s9 =	smul.u32 $0xF7A, s1;
	s8 =	simm.s32 @!p0 $0x1BF5;
	p2 =	por !p2, p0  }
0x20: {  	[sflag:s8] =	ssyncset.s32 @!p0 $0xFFFFF086;
	s6 =	sadd.s32 @!p0 s3, s7;
	s7 =	simm.s32 @!p0 $0x108  }
0x21: {  	s3 =	sadd.s32 s3, s9;
	s6 =	sadd.s32 @!p0 $0x88, s6;
	s7 =	simm.s32 @p2 $0x1082  }
0x22: {  	[simem:s7], [sflag:s8] =	dma.local @!p0 [hbm:s6], $0xF7A  }
0x23: {  	s9 =	sor.u32 $0xD0000000, s2;
	s6 =	simm.s32 $0x108;
	_ =	swait.ge @!p0 [sflag:s8], $0x0  }
0x24: {  	s3 =	sadd.s32 $0x88, s3;
	s6 =	simm.s32 @!p1 $0x1082;
	[sflag:s4] =	ssyncset.s32 $0xFFFFF086  }
0x25: {  	[simem:s6], [sflag:s4] =	dma.local [hbm:s3], $0xF7A  }
0x26: {  	[smem:$0x3F91] =	sst s1;
	(tag) =	ssettag s2;
	_ =	strace s9  }
0x27: {  	s1 =	sld [smem:$0x3FA1]  }
0x28: {  	s2 =	sld [smem:$0x3FA2]  }
0x29: {  	s4 =	sld [smem:$0x3FA4]  }
0x2a: {  	p0 =	seq.s32 s5, $0x0;
	s5 =	sld [smem:$0x3FA5]  }
0x2b: {  	s6 =	sld [smem:$0x3FA6]  }
0x2c: {  	s7 =	sld [smem:$0x3FA7]  }
0x2d: {  	s3 =	simm.s32 $0x108;
	s8 =	sld [smem:$0x3FA8]  }
0x2e: {  	s3 =	simm.s32 @!p0 $0x1082;
	s9 =	sld [smem:$0x3FA9]  }
0x2f: {  	lr =	sadd.s32 s0, s3;
	s0 =	sld [smem:$0x3FA0]  }
0x30: {  	s3 =	sld [smem:$0x3FA3]  }
0x31: {  	[smem:$0x3FAC] =	sst s10  }
0x32: {  	s10 =	sld [smem:$0x3FAA];
	_ =	sdelay $0x3  }
0x33: {  	p0 =	seq.s32 s10, $0x1;
	s10 =	sld [smem:$0x3FAC];
	_ =	sdelay $0x3  }
0x34: {  	[smem:$0x3FAC] =	sst s10  }
0x35: {  	s10 =	sld [smem:$0x3FAB];
	_ =	sdelay $0x3  }
0x36: {  	p1 =	seq.s32 s10, $0x1;
	s10 =	sld [smem:$0x3FAC];
	_ =	sdelay $0x3  }
0x37: {  	[smem:$0x3FAC] =	sst s10  }
0x38: {  	s10 =	sld [smem:$0x3FAD]  }
0x39: {  	_ = 	snop;
	(pc) =	sbr.ind lr, $3  }
0x3a: {  	_ = 	snop  }
0x3b: {  	_ = 	snop  }
0x3c: {  	p2 =	seq.s32 s10, $0x1;
	s10 =	sld [smem:$0x3FAC]  }
0x3d: {  	_ =	shalt  }
0x3e: {  	_ =	shalt  }
0x3f: {  	_ =	shalt  }
0x40: {  	_ =	shalt  }
0x41: {  	_ =	shalt  }
0x42: {  	_ =	shalt  }
0x43: {  	_ =	shalt  }
0x44: {  	_ =	shalt  }
0x45: {  	_ =	shalt  }
0x46: {  	_ =	shalt  }
0x47: {  	_ =	shalt  }
0x48: {  	_ =	shalt  }
0x49: {  	_ =	shalt  }
0x4a: {  	_ =	shalt  }
0x4b: {  	_ =	shalt  }
0x4c: {  	_ =	shalt  }
0x4d: {  	_ =	shalt  }
0x4e: {  	_ =	shalt  }
0x4f: {  	_ =	shalt  }
0x50: {  	_ =	shalt  }
0x51: {  	_ =	shalt  }
0x52: {  	_ =	shalt  }
0x53: {  	_ =	shalt  }
0x54: {  	_ =	shalt  }
0x55: {  	_ =	shalt  }
0x56: {  	_ =	shalt  }
0x57: {  	_ =	shalt  }
0x58: {  	_ =	shalt  }
0x59: {  	_ =	shalt  }
0x5a: {  	_ =	shalt  }
0x5b: {  	_ =	shalt  }
0x5c: {  	_ =	shalt  }
0x5d: {  	_ =	shalt  }
0x5e: {  	_ =	shalt  }
0x5f: {  	_ =	shalt  }
0x60: {  	_ =	shalt  }
0x61: {  	_ =	shalt  }
0x62: {  	_ =	shalt  }
0x63: {  	_ =	shalt  }
0x64: {  	_ =	shalt  }
0x65: {  	_ =	shalt  }
0x66: {  	_ =	shalt  }
0x67: {  	_ =	shalt  }
0x68: {  	_ =	shalt  }
0x69: {  	_ =	shalt  }
0x6a: {  	_ =	shalt  }
0x6b: {  	_ =	shalt  }
0x6c: {  	_ =	shalt  }
0x6d: {  	_ =	shalt  }
0x6e: {  	_ =	shalt  }
0x6f: {  	_ =	shalt  }
0x70: {  	_ =	shalt  }
0x71: {  	_ =	shalt  }
0x72: {  	_ =	shalt  }
0x73: {  	_ =	shalt  }
0x74: {  	_ =	shalt  }
0x75: {  	_ =	shalt  }
0x76: {  	_ =	shalt  }
0x77: {  	_ =	shalt  }
0x78: {  	_ =	shalt  }
0x79: {  	_ =	shalt  }
0x7a: {  	_ =	shalt  }
0x7b: {  	_ =	shalt  }
0x7c: {  	_ =	shalt  }
0x7d: {  	_ =	shalt  }
0x7e: {  	_ =	shalt  }
0x7f: {  	_ =	shalt  }
0x80: {  	_ =	shalt  }
0x81: {  	_ =	shalt  }
0x82: {  	_ =	shalt  }
0x83: {  	_ =	shalt  }
0x84: {  	_ =	shalt  }
0x85: {  	_ =	shalt  }
0x86: {  	_ =	shalt  }
0x87: {  	_ =	shalt  }
.Lfunc_end0:
.L_simem_size_0:
called_computation_lowered:
.L_overlay_start_0:
0x88: {  	s2 =	sld [smem:$0x3FD9]  }
0x89: {  	s3 =	sld [smem:$0x3FFE];
	_ =	sdelay $0x1  }
0x8a: {  	s1 =	srdreg.scid  }
0x8b: {  	s0 =	sand.u32 $0x1, s1  }
0x8c: {  	s14 =	sshll.u32 s0, $0xA;
	s2 =	sadd.s32 s3, s2  }
0x8d: {  	s2 =	sadd.s32 s2, s14  }
0x8e: {  	[smem:$0x3FB8] =	sst s2  }
0x8f: {  	_ = 	snop  }
0x90: {  	s2 =	sld [smem:$0x3FD0];
	_ =	sdelay $0x1  }
0x91: {  	s15 =	sld [smem:$0x3FC4]  }
0x92: {  	s5 =	simm.s32 $0xA;
	s6 =	simm.s32 $0x10;
	s4 =	sld [smem:$0x3FC1]  }
0x93: {  	[smem:s6], [sflag:s5] =	dma.local [hbm:s2], $0x1  }
0x94: {  	_ =	swait.eq [sflag:s5], $0x1  }
0x95: {  	[sflag:s5] =	ssyncset.done $0x0  }
0x96: {  	[sflag:s5] =	ssyncadd.s32 $0xFFFFFFFF  }
0x97: {  	s16 =	sld [smem:$0x11];
	(tm) =	ssettm $0x1  }
0x98: {  	s17 =	sld [smem:$0x3FFB];
	_ =	sdelay $0x3  }
0x99: {  	_ =	strace s17  }
0x9a: {  	s5 =	sld [smem:$0x3FFC];
	_ =	sdelay $0x3  }
0x9b: {  	_ =	strace s5  }
0x9c: {  	s5 =	sld [smem:$0x3FFD];
	_ =	sdelay $0x3  }
0x9d: {  	_ =	strace s5  }
0x9e: {  	_ =	strace $0x8FFFFFFF  }
0x9f: {  	s18 =	sld [smem:$0x3FDB];
	_ =	sdelay $0x1  }
0xa0: {  	s19 =	simm.s32 $_scs_section_size  }
0xa1: {  	s7 =	simm.s32 $_size__tile_overlayer_lowered;
	s8 =	simm.s32 $_tile_overlayer_lowered  }
0xa2: {  	s22 =	simm.s32 $0x1BFF;
	s21 =	sshll.u32 s8, $0x1;
	s5 =	sadd.s32 s19, s18  }
0xa3: {  	s9 =	simm.s32 $0x0;
	s20 =	sshll.u32 s7, $0x1;
	s7 =	sadd.s32 s21, s5  }
0xa4: {  	[timem:s9], [sflag:s22] =	dma.local [hbm:s7], s20  }
0xa5: {  	_ =	swait.ge [sflag:s22], s20  }
0xa6: {  	s6 =	ssub.s32 $0x0, s20;
	[sflag:s22] =	ssyncset.done $0x0  }
0xa7: {  	[sflag:s22] =	ssyncadd.s32 s6;
	_ =	sdelay $0x1  }
0xa8: {  	s23 =	simm.s32 $0x1B8B  }
0xa9: {  	_ =	swait.ge [sflag:s23], $0x1  }
0xaa: {  	[sflag:s23] =	ssyncset.done $0x0  }
0xab: {  	s25 =	simm.s32 $0x1B8E;
	s24 =	sld [smem:$0x3FFE];
	[sflag:s23] =	ssyncadd.s32 $0xFFFFFFFF  }
0xac: {  	s26 =	simm.s32 $execute0_lowered;
	[smem:$0x3FD2] =	sst s25  }
0xad: {  	s7 =	sshll.u32 s26, $0x1;
	_ =	strace $0x80000046;
	[dreg:$0x1] =	wrdreg $0xFFFFFFFF  }
0xae: {  	s28 =	simm.s32 $_size_execute0_lowered;
	s5 =	sadd.s32 s5, s7;
	[dreg:$0x0] =	wrdreg $0x0  }
0xaf: {  	s7 =	sshll.u32 s28, $0x1;
	[dreg:$0x2] =	wrdreg s5  }
0xb0: {  	[dreg:$0x3] =	wrdreg s7  }
0xb1: {  	[dreg:$0x4] =	wrdreg $0xC0  }
0xb2: {  	_ =	task [dreg:s9], $0x5FFFF  }
0xb3: {  	[dreg:$0x1] =	wrdreg $0xFFFFFFFF  }
0xb4: {  	[dreg:$0x0] =	wrdreg $0x60  }
0xb5: {  	[dreg:$0x2] =	wrdreg s16  }
0xb6: {  	[dreg:$0x3] =	wrdreg s24  }
0xb7: {  	[dreg:$0x4] =	wrdreg s15  }
0xb8: {  	[dreg:$0x5] =	wrdreg s4  }
0xb9: {  	[dreg:$0x6] =	wrdreg $0x9  }
0xba: {  	_ =	task.clear_ibuf [dreg:s9], $0x7FFFF;
	_ =	strace $0x90000046  }
0xbb: {  	s29 =	simm.s32 $0x9;
	_ =	strace $0x80000048  }
0xbc: {  	_ =	swait.ge [sflag:s29], $0x1  }
0xbd: {  	[sflag:s29] =	ssyncadd.s32 $0xFFFFFFFF  }
0xbe: {  	_ =	strace $0x90000048  }
0xbf: {  	_ =	sfence  }
0xc0: {  	s30 =	sld [smem:$0x0];
	_ =	sdelay $0x2  }
0xc1: {  	s31 =	sshll.u32 s1, $0xD;
	s1 =	sshrl.u32 s1, $0x2  }
0xc2: {  	s3 =	sand.u32 $0x4000, s31;
	s1 =	sadd.s32 s1, s30  }
0xc3: {  	s0 =	sor.u32 s3, s0;
	s1 =	sshll.u32 s1, $0x11  }
0xc4: {  	s0 =	sor.u32 s1, s0  }
0xc5: {  	s0 =	sadd.s32 $0x8F2B, s0  }
0xc6: {  	[sflag:s0] =	ssyncadd.remote.s32 $0x1  }
0xc7: {  	_ =	sfence.sel $0xFFFF  }
0xc8: {  	[dreg:$0x0] =	wrdreg $0xFFFFFFFF;
	(pc) =	sbr.abs _section_cstart, $3  }
0xc9: {  	[dreg:$0x1] =	wrdreg $0xFFFFFFFF  }
0xca: {  	_ =	task.clear_ibuf [dreg:s9], $0x2FFFF;
	_ =	strace $0x9FFFFFFF  }
0xcb: {  	(tm) =	ssettm $0x7FFFFFFF  }
tec
execute0_lowered:
.L_overlay_start_1:
0x0: {  	(tag) =	ssettag $0x1  }
0x1: {  	s5 =	rddreg [dreg:$0x0]  }
0x2: {  	s1 =	srdreg.scid;
	s0 =	stileid.u32  }
0x3: {  	s24 =	rddreg [dreg:$0x1];
	s1 =	sand.u32 $0x1, s1;
	s6 =	sshll.u32 s0, $0x1  }
0x4: {  	s2 =	rddreg [dreg:$0x2];
	s22 =	sor.u32 s1, s6  }
0x5: {  	s3 =	rddreg [dreg:$0x3];
	s4 =	simm.s32 $0x0;
	s6 =	smul.u32 $0x32, s22  }
0x6: {  	[smem:$0x7FF] =	sst s4;
	s7 =	sadd.s32 $0x6E00, s24  }
0x7: {  	_ =	strace $0x80000047;
	s29 =	sadd.s32 s6, s24;
	s5 =	sadd.s32 s5, s6  }
0x8: {  	[tilespmem:s4], [sflag:$0x1] =	stream.linear.gather [hbm4b:s5+s4], $0x190, $0x38;
	[tilespmem:$0x19A00] =	vst v63  }
0x9: {  	[dreg:$0x5] =	wrdreg s7;
	s7 =	simm.s32 $0x200;
	s6 =	sadd.s32 $0x1C00, s29  }
0xa: {  	[tilespmem:s7], [sflag:$0x2] =	stream.linear.gather [hbm4b:s6+s4], $0x190, $0x38;
	[tilespmem:$0x19A00] =	vst v63  }
0xb: {  	s9 =	simm.s32 $0x400;
	s10 =	simm.s32 $0x1;
	s8 =	sadd.s32 $0x2400, s29  }
0xc: {  	[tilespmem:s9], [sflag:$0x3] =	stream.linear.gather [hbm4b:s8+s4], $0x190, $0x38;
	[tilespmem:$0x19A00] =	vst v63  }
0xd: {  	_ =	swait.ge [sflag:s10], $0x190  }
0xe: {  	s11 =	simm.s32 $0x190;
	s12 =	simm.s32 $0x600;
	[sflag:s10] =	ssyncset.done $0x0  }
0xf: {  	s13 =	simm.s32 $0x2;
	s14 =	rddreg [dreg:$0x5];
	[sflag:s10] =	ssyncadd.s32 $0xFFFFFE70  }
0x10: {  	[tilespmem:s12], [sflag:$0x4] =	stream.indirect.gather [hbm4b:s14+s11], $0x1, s4, s11, $0xb8;
	[tilespmem:$0x19A00] =	vst v63  }
0x11: {  	_ =	swait.ge [sflag:s13], $0x190  }
0x12: {  	[sflag:s13] =	ssyncset.done $0x0  }
0x13: {  	s14 =	simm.s32 $0xA00;
	[sflag:s13] =	ssyncadd.s32 $0xFFFFFE70  }
0x14: {  	[tilespmem:s14], [sflag:$0x5] =	stream.indirect.gather [hbm4b:s2+s11], $0x80, s7, s11, $0xb8;
	[tilespmem:$0x19A00] =	vst v63  }
0x15: {  	s15 =	simm.s32 $0xD200;
	s16 =	simm.s32 $0x3  }
0x16: {  	[tilespmem:s15], [sflag:$0x6] =	stream.indirect.gather [hbm4b:s3+s11], $0x80, s7, s11, $0xb8;
	[tilespmem:$0x19A00] =	vst v63  }
0x17: {  	_ =	swait.ge [sflag:s16], $0x190  }
0x18: {  	s18 =	simm.s32 $0x800;
	[sflag:s16] =	ssyncset.done $0x0  }
0x19: {  	s19 =	simm.s32 $0x4;
	s17 =	sadd.s32 $0x6C00, s24;
	[sflag:s16] =	ssyncadd.s32 $0xFFFFFE70  }
0x1a: {  	[tilespmem:s18], [sflag:$0x8] =	stream.indirect.gather [hbm4b:s17+s11], $0x1, s9, s11, $0xb8;
	[tilespmem:$0x19A00] =	vst v63  }
0x1b: {  	_ =	swait.ge [sflag:s19], $0x190  }
0x1c: {  	[sflag:s19] =	ssyncset.done $0x0  }
0x1d: {  	s20 =	simm.s32 $0x9;
	s21 =	sadd.s32 $0xA000, s29;
	[sflag:s19] =	ssyncadd.s32 $0xFFFFFE70  }
0x1e: {  	[hbm4b:s21+s4] =	stream.linear.scatter [tilespmem:s12], [sflag:$0x9], $0x190, $0x38;
	[tilespmem:$0x19A00] =	vst v63  }
0x1f: {  	_ =	swait.ge [sflag:s20], $0x190  }
0x20: {  	[sflag:s20] =	ssyncset.done $0x0  }
0x21: {  	s23 =	smul.u32 $0x1900, s22;
	s22 =	simm.s32 $0x5;
	[sflag:s20] =	ssyncadd.s32 $0xFFFFFE70  }
0x22: {  	_ =	swait.ge [sflag:s22], $0xC800  }
0x23: {  	s31 =	sadd.s32 s23, s24;
	[sflag:s22] =	ssyncset.done $0x0  }
0x24: {  	s23 =	sadd.s32 $0xB000, s31;
	[sflag:s22] =	ssyncadd.s32 $0xFFFF3800  }
0x25: {  	[hbm4b:s23+s4] =	stream.linear.scatter [tilespmem:s14], [sflag:$0x9], $0xC800, $0x38;
	[tilespmem:$0x19A00] =	vst v63  }
0x26: {  	_ =	swait.ge [sflag:s20], $0xC800  }
0x27: {  	[sflag:s20] =	ssyncset.done $0x0  }
0x28: {  	s25 =	simm.s32 $0x6;
	s24 =	sadd.s32 $0x2C00, s24;
	[sflag:s20] =	ssyncadd.s32 $0xFFFF3800  }
0x29: {  	[tilespmem:s14], [sflag:$0x7] =	stream.indirect.gather [hbm4b:s24+s11], $0x80, s9, s11, $0xb8;
	[tilespmem:$0x19A00] =	vst v63  }
0x2a: {  	_ =	swait.ge [sflag:s25], $0xC800  }
0x2b: {  	[sflag:s25] =	ssyncset.done $0x0  }
0x2c: {  	s26 =	sadd.s32 $0x3D000, s31;
	[sflag:s25] =	ssyncadd.s32 $0xFFFF3800  }
0x2d: {  	[hbm4b:s26+s4] =	stream.linear.scatter [tilespmem:s15], [sflag:$0x9], $0xC800, $0x38;
	[tilespmem:$0x19A00] =	vst v63  }
0x2e: {  	_ =	swait.ge [sflag:s20], $0xC800  }
0x2f: {  	[sflag:s20] =	ssyncset.done $0x0  }
0x30: {  	s28 =	simm.s32 $0x8;
	[sflag:s20] =	ssyncadd.s32 $0xFFFF3800  }
0x31: {  	_ =	swait.ge [sflag:s28], $0x190  }
0x32: {  	[sflag:s28] =	ssyncset.done $0x0  }
0x33: {  	s1 =	ssub.s32 $0x2, s1;
	s29 =	sadd.s32 $0xA800, s29;
	[sflag:s28] =	ssyncadd.s32 $0xFFFFFE70  }
0x34: {  	[hbm4b:s29+s4] =	stream.linear.scatter [tilespmem:s18], [sflag:$0x9], $0x190, $0x38;
	[tilespmem:$0x19A00] =	vst v63  }
0x35: {  	s0 =	sshrl.u32 s1, $0x1;
	_ =	swait.ge [sflag:s20], $0x190  }
0x36: {  	s0 =	ssub.s32 s1, s0;
	[sflag:s20] =	ssyncset.done $0x0  }
0x37: {  	s30 =	simm.s32 $0x7;
	s0 =	smax.u32 s0, $0x1;
	[sflag:s20] =	ssyncadd.s32 $0xFFFFFE70  }
0x38: {  	p0 =	sne.s32 s0, $0x1;
	_ =	swait.ge [sflag:s30], $0xC800  }
.Ltmp0:
0x39: {  	[sflag:s30] =	ssyncset.done $0x0;
	(pc) =	sbr.rel @!p0 .LBB2_2-.Ltmp0, $4  }
0x3a: {  	s31 =	sadd.s32 $0x6F000, s31;
	[sflag:s30] =	ssyncadd.s32 $0xFFFF3800  }
0x3b: {  	[hbm4b:s31+s4] =	stream.linear.scatter [tilespmem:s14], [sflag:$0x9], $0xC800, $0x38;
	[tilespmem:$0x19A00] =	vst v63  }
0x3c: {  	_ =	swait.ge [sflag:s20], $0xC800  }
0x3d: {  	s1 =	sadd.s32 $0xFFFFFFFF, s0;
	[sflag:s20] =	ssyncset.done $0x0  }
.LBB2_1:
0x3e: {  	[sflag:s20] =	ssyncadd.s32 $0xFFFF3800  }
0x3f: {  	[tilespmem:s4], [sflag:$0x1] =	stream.linear.gather [hbm4b:s5+s4], $0x190, $0x38;
	[tilespmem:$0x19A00] =	vst v63  }
0x40: {  	_ = 	snop  }
0x41: {  	[tilespmem:s7], [sflag:$0x2] =	stream.linear.gather [hbm4b:s6+s4], $0x190, $0x38;
	[tilespmem:$0x19A00] =	vst v63  }
0x42: {  	_ = 	snop  }
0x43: {  	[tilespmem:s9], [sflag:$0x3] =	stream.linear.gather [hbm4b:s8+s4], $0x190, $0x38;
	[tilespmem:$0x19A00] =	vst v63  }
0x44: {  	_ =	swait.ge [sflag:s10], $0x190  }
0x45: {  	[sflag:s10] =	ssyncset.done $0x0  }
0x46: {  	s0 =	rddreg [dreg:$0x5];
	[sflag:s10] =	ssyncadd.s32 $0xFFFFFE70  }
0x47: {  	[tilespmem:s12], [sflag:$0x4] =	stream.indirect.gather [hbm4b:s0+s11], $0x1, s4, s11, $0xb8;
	[tilespmem:$0x19A00] =	vst v63  }
0x48: {  	_ =	swait.ge [sflag:s13], $0x190  }
0x49: {  	[sflag:s13] =	ssyncset.done $0x0  }
0x4a: {  	[sflag:s13] =	ssyncadd.s32 $0xFFFFFE70  }
0x4b: {  	[tilespmem:s14], [sflag:$0x5] =	stream.indirect.gather [hbm4b:s2+s11], $0x80, s7, s11, $0xb8;
	[tilespmem:$0x19A00] =	vst v63  }
0x4c: {  	_ = 	snop  }
0x4d: {  	[tilespmem:s15], [sflag:$0x6] =	stream.indirect.gather [hbm4b:s3+s11], $0x80, s7, s11, $0xb8;
	[tilespmem:$0x19A00] =	vst v63  }
0x4e: {  	_ =	swait.ge [sflag:s16], $0x190  }
0x4f: {  	[sflag:s16] =	ssyncset.done $0x0  }
0x50: {  	[sflag:s16] =	ssyncadd.s32 $0xFFFFFE70  }
0x51: {  	[tilespmem:s18], [sflag:$0x8] =	stream.indirect.gather [hbm4b:s17+s11], $0x1, s9, s11, $0xb8;
	[tilespmem:$0x19A00] =	vst v63  }
0x52: {  	_ =	swait.ge [sflag:s19], $0x190  }
0x53: {  	[sflag:s19] =	ssyncset.done $0x0  }
0x54: {  	[sflag:s19] =	ssyncadd.s32 $0xFFFFFE70  }
0x55: {  	[hbm4b:s21+s4] =	stream.linear.scatter [tilespmem:s12], [sflag:$0x9], $0x190, $0x38;
	[tilespmem:$0x19A00] =	vst v63  }
0x56: {  	_ =	swait.ge [sflag:s20], $0x190  }
0x57: {  	[sflag:s20] =	ssyncset.done $0x0  }
0x58: {  	[sflag:s20] =	ssyncadd.s32 $0xFFFFFE70  }
0x59: {  	_ =	swait.ge [sflag:s22], $0xC800  }
0x5a: {  	[sflag:s22] =	ssyncset.done $0x0  }
0x5b: {  	[sflag:s22] =	ssyncadd.s32 $0xFFFF3800  }
0x5c: {  	[hbm4b:s23+s4] =	stream.linear.scatter [tilespmem:s14], [sflag:$0x9], $0xC800, $0x38;
	[tilespmem:$0x19A00] =	vst v63  }
0x5d: {  	_ =	swait.ge [sflag:s20], $0xC800  }
0x5e: {  	[sflag:s20] =	ssyncset.done $0x0  }
0x5f: {  	[sflag:s20] =	ssyncadd.s32 $0xFFFF3800  }
0x60: {  	[tilespmem:s14], [sflag:$0x7] =	stream.indirect.gather [hbm4b:s24+s11], $0x80, s9, s11, $0xb8;
	[tilespmem:$0x19A00] =	vst v63  }
0x61: {  	_ =	swait.ge [sflag:s25], $0xC800  }
0x62: {  	[sflag:s25] =	ssyncset.done $0x0  }
0x63: {  	[sflag:s25] =	ssyncadd.s32 $0xFFFF3800  }
0x64: {  	[hbm4b:s26+s4] =	stream.linear.scatter [tilespmem:s15], [sflag:$0x9], $0xC800, $0x38;
	[tilespmem:$0x19A00] =	vst v63  }
0x65: {  	_ =	swait.ge [sflag:s20], $0xC800  }
0x66: {  	[sflag:s20] =	ssyncset.done $0x0  }
0x67: {  	[sflag:s20] =	ssyncadd.s32 $0xFFFF3800  }
0x68: {  	_ =	swait.ge [sflag:s28], $0x190  }
0x69: {  	[sflag:s28] =	ssyncset.done $0x0  }
0x6a: {  	[sflag:s28] =	ssyncadd.s32 $0xFFFFFE70  }
0x6b: {  	[hbm4b:s29+s4] =	stream.linear.scatter [tilespmem:s18], [sflag:$0x9], $0x190, $0x38;
	[tilespmem:$0x19A00] =	vst v63  }
0x6c: {  	_ =	swait.ge [sflag:s20], $0x190  }
0x6d: {  	[sflag:s20] =	ssyncset.done $0x0  }
0x6e: {  	[sflag:s20] =	ssyncadd.s32 $0xFFFFFE70  }
0x6f: {  	p0 =	sne.s32 s1, $0x1;
	_ =	swait.ge [sflag:s30], $0xC800  }
.Ltmp1:
0x70: {  	[sflag:s30] =	ssyncset.done $0x0;
	(pc) =	sbr.rel @p0 .LBB2_1-.Ltmp1, $4  }
0x71: {  	[sflag:s30] =	ssyncadd.s32 $0xFFFF3800  }
0x72: {  	[hbm4b:s31+s4] =	stream.linear.scatter [tilespmem:s14], [sflag:$0x9], $0xC800, $0x38;
	[tilespmem:$0x19A00] =	vst v63  }
0x73: {  	_ =	swait.ge [sflag:s20], $0xC800  }
0x74: {  	s1 =	sadd.s32 $0xFFFFFFFF, s1;
	[sflag:s20] =	ssyncset.done $0x0  }
.LBB2_2:
0x75: {  	[sflag:s20] =	ssyncadd.s32 $0xFFFF3800  }
0x76: {  	_ =	sfence.sel $0x180000  }
0x77: {  	[bflag:$0x0] =	sbarrier.arrive $0xFFFF  }
0x78: {  	_ =	strace $0x90000047  }
0x79: {  	s0 =	stileid.u32;
	[bflag:$0x2] =	sbarrier.arrive $0xFFFF  }
0x7a: {  	p0 =	sne.s32 s0, $0x0;
	s0 =	rddreg [dreg:$0x4]  }
0x7b: {  	s0 =	sadd.s32 @!p0 $0x100000, s0  }
0x7c: {  	[sflag:s0] =	ssyncadd.tile.s32 @!p0 $0x1;
	_ =	shalt  }
.Lfunc_end2:
_tile_overlayer_lowered:
.L_overlay_start_2:
0x7d: {  	(tag) =	ssettag $0x2  }
0x7e: {  	s0 =	rddreg [dreg:$0x0];
	s2 =	stileid.u32  }
0x7f: {  	s1 =	rddreg [dreg:$0x1];
	p0 =	sne.s32 s2, $0x0  }
0x80: {  	s3 =	rddreg [dreg:$0x2];
	[bflag:$0x3] =	sbarrier.arrive $0xFFFF;
	s2 =	simm.s32 @!p0 $0x1C09  }
0x81: {  	[timem:s3], [sflag:s2] =	dma.local @!p0 [hbm:s0], s1  }
0x82: {  	s0 =	simm.s32 @!p0 $0x9  }
0x83: {  	_ =	swait.ge @!p0 [sflag:s0], s1  }
0x84: {  	s1 =	ssub.s32 @!p0 $0x0, s1;
	[sflag:s0] =	ssyncset.done @!p0 $0x0  }
0x85: {  	[sflag:s0] =	ssyncadd.s32 @!p0 s1  }
0x86: {  	[bflag:$0x3] =	sbarrier.arrive $0xFFFF  }
0x87: {  	_ =	shalt  }

</sc_bundles>
